<compile_context>
chip_gen: v7x
topology: tpu7x:2x2x1
jax: 0.10.2.dev20260603
libtpu: 0.0.44.dev20260713+nightly
codegen_flags: <defaults>
</compile_context>

<pallas_src>
import jax
import jax.numpy as jnp
from jax import lax
from jax.experimental import pallas as pl
from jax.experimental.pallas import tpu as pltpu
from jax.experimental.pallas import tpu_sc as plsc

N_VOX = 100000
IN_FEAT = 64
K_VOL = 27
K_A = 14
K_B = K_VOL - K_A
CLS_OUT = 4
REG_OUT = 14
D_OUT = 18
D_PAD = 32
DW = 16
PACK = 8

NW = 32
B = 128
N_PAD = 102400
CHUNKS = N_PAD // (NW * B)
PER_W = N_PAD // NW

G = N_PAD // PACK
GV = N_VOX // PACK
BG = 1600
NI = G // BG


def _rne_bf16_hi_bits(f):
    u = jax.lax.bitcast_convert_type(f, jnp.uint32)
    return u + jnp.uint32(0x7FFF) + ((u >> 16) & jnp.uint32(1))


def _mm_body(x_ref, wlo_ref, whi_ref, blo_ref, bhi_ref, y_ref):
    k = pl.program_id(1)
    xb = x_ref[...]
    lo = (
        jnp.dot(xb, wlo_ref[k], preferred_element_type=jnp.float32)
        + blo_ref[k, 0]
    )
    hi = (
        jnp.dot(xb, whi_ref[k], preferred_element_type=jnp.float32)
        + bhi_ref[k, 0]
    )
    word = (_rne_bf16_hi_bits(hi) & jnp.uint32(0xFFFF0000)) | (
        _rne_bf16_hi_bits(lo) >> 16
    )
    y_ref[...] = jax.lax.bitcast_convert_type(word, jnp.float32)


def _tc_matmul(x8, wlo, whi, blo, bhi, kvol):
    return pl.pallas_call(
        _mm_body,
        grid=(NI, kvol),
        in_specs=[
            pl.BlockSpec((BG, PACK * IN_FEAT), lambda i, k: (i, 0)),
            pl.BlockSpec(
                (kvol, PACK * IN_FEAT, PACK * DW), lambda i, k: (0, 0, 0)
            ),
            pl.BlockSpec(
                (kvol, PACK * IN_FEAT, PACK * DW), lambda i, k: (0, 0, 0)
            ),
            pl.BlockSpec((kvol, 1, PACK * DW), lambda i, k: (0, 0, 0)),
            pl.BlockSpec((kvol, 1, PACK * DW), lambda i, k: (0, 0, 0)),
        ],
        out_specs=pl.BlockSpec((BG, PACK * DW), lambda i, k: (k * NI + i, 0)),
        out_shape=jax.ShapeDtypeStruct((kvol * G, PACK * DW), jnp.float32),
    )(x8, wlo, whi, blo, bhi)


def _make_sc_body(kvol, with_prev):
    ka = kvol // 2

    def body(y_hbm, idx_hbm, *rest):
        if with_prev:
            prev_hbm, out_hbm, idx_v, buf_v, acc_v, prev_v, sem = rest
        else:
            out_hbm, idx_v, buf_v, acc_v, sem = rest
        w = lax.axis_index("s") * 2 + lax.axis_index("c")

        def chunk(c, carry):
            base = w * PER_W + c * B
            pltpu.sync_copy(idx_hbm.at[w, c], idx_v)
            copies = [
                pltpu.async_copy(
                    y_hbm.at[idx_v.at[k]],
                    buf_v.at[k],
                    sem.at[0 if k < ka else 1],
                )
                for k in range(kvol)
            ]
            if with_prev:
                pltpu.sync_copy(prev_hbm.at[pl.ds(base, B)], prev_v)

            def unpack_k(k, r):
                return plsc.unpack(
                    plsc.bitcast(buf_v[k, r, :], jnp.bfloat16),
                    format=plsc.PackFormat.INTERLEAVED,
                )

            for cp in copies[:ka]:
                cp.wait()

            def red_a(r, carry2):
                a0, b0 = unpack_k(0, r)
                for k in range(1, ka):
                    a, b = unpack_k(k, r)
                    a0 = a0 + a
                    b0 = b0 + b
                if with_prev:
                    a0 = a0 + prev_v[r, pl.ds(0, 16)]
                    b0 = b0 + prev_v[r, pl.ds(16, 16)]
                acc_v[r, pl.ds(0, 16)] = a0
                acc_v[r, pl.ds(16, 16)] = b0
                return carry2

            lax.fori_loop(0, B, red_a, 0)
            for cp in copies[ka:]:
                cp.wait()

            def red_b(r, carry2):
                a0, b0 = unpack_k(ka, r)
                for k in range(ka + 1, kvol):
                    a, b = unpack_k(k, r)
                    a0 = a0 + a
                    b0 = b0 + b
                acc_v[r, pl.ds(0, 16)] = acc_v[r, pl.ds(0, 16)] + a0
                acc_v[r, pl.ds(16, 16)] = acc_v[r, pl.ds(16, 16)] + b0
                return carry2

            lax.fori_loop(0, B, red_b, 0)
            pltpu.sync_copy(acc_v, out_hbm.at[pl.ds(base, B)])
            return carry

        lax.fori_loop(0, CHUNKS, chunk, 0)

    return body


def _sc_gather_reduce(y, idx_r, kvol, prev=None):
    mesh = plsc.VectorSubcoreMesh(core_axis_name="c", subcore_axis_name="s")
    scratch = [
        pltpu.VMEM((kvol, B), jnp.int32),
        pltpu.VMEM((kvol, B, DW), jnp.float32),
        pltpu.VMEM((B, D_PAD), jnp.float32),
    ]
    if prev is not None:
        scratch.append(pltpu.VMEM((B, D_PAD), jnp.float32))
    scratch.append(pltpu.SemaphoreType.DMA((2,)))
    fn = pl.kernel(
        _make_sc_body(kvol, prev is not None),
        out_type=jax.ShapeDtypeStruct((N_PAD, D_PAD), jnp.float32),
        mesh=mesh,
        scratch_types=scratch,
        compiler_params=pltpu.CompilerParams(
            use_tc_tiling_on_sc=False, needs_layout_passes=False
        ),
    )
    if prev is not None:
        return fn(y, idx_r, prev)
    return fn(y, idx_r)


def _pack_weights(w_sub, b_sub, with_bias):
    kvol = w_sub.shape[0]
    w_lo = w_sub[:, :, :DW].astype(jnp.bfloat16)
    w_hi = w_sub[:, :, DW:].astype(jnp.bfloat16)
    eye8 = jnp.eye(PACK, dtype=jnp.bfloat16)
    wlo = jax.vmap(lambda wk: jnp.kron(eye8, wk))(w_lo)
    whi = jax.vmap(lambda wk: jnp.kron(eye8, wk))(w_hi)
    blo = jnp.zeros((kvol, 1, PACK * DW), jnp.float32)
    bhi = jnp.zeros((kvol, 1, PACK * DW), jnp.float32)
    if with_bias:
        blo = blo.at[0, 0].set(jnp.tile(b_sub[:DW], PACK))
        bhi = bhi.at[0, 0].set(jnp.tile(b_sub[DW:], PACK))
    return wlo, whi, blo, bhi


def kernel(x, neighbor_idx, W_cls, b_cls, W_reg, b_reg):
    x8 = x.astype(jnp.bfloat16).reshape(GV, PACK * IN_FEAT)

    w_all = jnp.concatenate([W_cls, W_reg], axis=2)
    w_all = jnp.pad(w_all, ((0, 0), (0, 0), (0, D_PAD - D_OUT)))
    b_all = jnp.concatenate([b_cls, b_reg])
    b_all = jnp.pad(b_all, (0, D_PAD - D_OUT))
    wlo_a, whi_a, blo_a, bhi_a = _pack_weights(w_all[:K_A], b_all, True)
    wlo_b, whi_b, blo_b, bhi_b = _pack_weights(w_all[K_A:], b_all, False)

    idx32 = neighbor_idx.astype(jnp.int32)
    idx_p = jnp.pad(idx32, ((0, N_PAD - N_VOX), (0, 0)))
    karange = jnp.arange(K_VOL, dtype=jnp.int32) % jnp.int32(K_A)
    flat = idx_p + karange[None, :] * N_PAD
    idx_ra = (
        flat[:, :K_A].reshape(NW, CHUNKS, B, K_A).transpose(0, 1, 3, 2)
    )
    idx_rb = (
        flat[:, K_A:].reshape(NW, CHUNKS, B, K_B).transpose(0, 1, 3, 2)
    )

    ya = _tc_matmul(x8, wlo_a, whi_a, blo_a, bhi_a, K_A)
    yb = _tc_matmul(x8, wlo_b, whi_b, blo_b, bhi_b, K_B)

    out_a = _sc_gather_reduce(ya.reshape(K_A * N_PAD, DW), idx_ra, K_A)
    out = _sc_gather_reduce(
        yb.reshape(K_B * N_PAD, DW), idx_rb, K_B, prev=out_a
    )

    return out[:N_VOX, :CLS_OUT], out[:N_VOX, CLS_OUT:D_OUT]

# --- scband reference (transcript-rebuilt; emitter-appended) ---
"""Pipeline reference for scband-anchor-head-sparse-59124519797210 (READ-ONLY COPY).

The authoritative reference and input builder live on the scoring server;
editing this copy changes nothing except your own understanding.
"""

import jax, jax.numpy as jnp
import numpy as np

N_VOX = 100000
IN_FEAT = 64
K_VOL = 27  # 3x3x3 kernel offsets
NUM_ANCHORS = 2  # 1 class x 2 dirs
NUM_CLASS = 2   # len(class_names) + 1
BBOX_SIZE = 7
CLS_OUT = NUM_ANCHORS * NUM_CLASS   # 4
REG_OUT = NUM_ANCHORS * BBOX_SIZE   # 14


def setup_inputs(seed: int = 0) -> dict:
    key = jax.random.key(seed)
    k1, k2, k3, k4, k5, k6 = jax.random.split(key, 6)
    x = jax.random.normal(k1, (N_VOX, IN_FEAT), dtype=jnp.float32)
    # kernel map: for each output voxel, index of the input voxel at each of the
    # 27 kernel offsets (Minkowski sparse conv neighbor map)
    neighbor_idx = jax.random.randint(k2, (N_VOX, K_VOL), 0, N_VOX, dtype=jnp.int64)
    # learned parameters of the two MinkowskiConvolution heads
    W_cls = jax.random.normal(k3, (K_VOL, IN_FEAT, CLS_OUT), dtype=jnp.float32) * 0.02
    b_cls = jnp.zeros((CLS_OUT,), dtype=jnp.float32)
    W_reg = jax.random.normal(k4, (K_VOL, IN_FEAT, REG_OUT), dtype=jnp.float32) * 0.02
    b_reg = jnp.zeros((REG_OUT,), dtype=jnp.float32)
    return {"x": x, "neighbor_idx": neighbor_idx, "W_cls": W_cls, "b_cls": b_cls,
            "W_reg": W_reg, "b_reg": b_reg}


def reference(x, neighbor_idx, W_cls, b_cls, W_reg, b_reg):
    # Sparse 3D convolution via kernel-map gather: for each output voxel, gather
    # the input features at each of the 27 kernel offsets, then contract with
    # the per-offset weight matrices (faithful to MinkowskiConvolution semantics
    # given a dense kernel map).
    gathered = jnp.take(x, neighbor_idx, axis=0)  # [N, 27, IN_FEAT]
    cls_pred = jnp.einsum('nkc,kco->no', gathered, W_cls) + b_cls  # [N, 4]
    box_reg = jnp.einsum('nkc,kco->no', gathered, W_reg) + b_reg   # [N, 14]
    return (cls_pred, box_reg)

if __name__ == "__main__":
    import jax
    _d = setup_inputs()
    print(jax.jit(kernel)(*tuple(_d.values())))

</pallas_src>

<mosaic_0001>
#map = affine_map<(d0, d1) -> (0, 0)>
#map1 = affine_map<(d0, d1) -> (0, 0, 0, 0)>
module attributes {stable_mosaic.version = 14 : i64} {
  func.func @body(%arg0: i32, %arg1: i32, %arg2: memref<1331200x16xf32, #tpu.memory_space<hbm>>, %arg3: memref<32x25x13x128xi32, #tpu.memory_space<hbm>>, %arg4: memref<102400x32xf32, #tpu.memory_space<hbm>>, %arg5: memref<102400x32xf32, #tpu.memory_space<hbm>>, %arg6: memref<13x128xi32, #tpu.memory_space<vmem>>, %arg7: memref<13x128x16xf32, #tpu.memory_space<vmem>>, %arg8: memref<128x32xf32, #tpu.memory_space<vmem>>, %arg9: memref<128x32xf32, #tpu.memory_space<vmem>>, %arg10: memref<2x!tpu.dma_semaphore, #tpu.memory_space<semaphore_mem>>) attributes {dimension_semantics = [#tpu.dimension_semantics<core_parallel>, #tpu.dimension_semantics<subcore_parallel>], iteration_bounds = array<i64: 2, 16>, scalar_prefetch = 0 : i64, scratch_operands = 5 : i64, tpu.core_type = #tpu.core_type<sc_vector_subcore>, window_params = [{transform_indices = #map}, {transform_indices = #map1}, {transform_indices = #map}, {transform_indices = #map}]} {
    %mul3A = arith.constant 2 : i32
    %mul3A_0 = arith.muli %arg1, %mul3A : i32
    %add3A = arith.addi %mul3A_0, %arg0 : i32
    %scan3A = arith.constant 0 : i32
    %scan3A_1 = arith.constant 0 : i32
    %scan3A_2 = arith.constant 25 : i32
    %scan3A_3 = arith.addi %scan3A_1, %scan3A_2 : i32
    %scan3A_4 = arith.constant 1 : i32
    scf.for %scan3A_6 = %scan3A_1 to %scan3A_3 step %scan3A_4  : i32 {
      %mul3A_7 = arith.constant 3200 : i32
      %mul3A_8 = arith.muli %add3A, %mul3A_7 : i32
      %mul3A_9 = arith.constant 128 : i32
      %mul3A_10 = arith.muli %scan3A_6, %mul3A_9 : i32
      %add3A_11 = arith.addi %mul3A_8, %mul3A_10 : i32
      "tpu.region"() ({
        %run_scoped3A = tpu.sem_alloc : memref<!tpu.dma_semaphore, #tpu.memory_space<semaphore_mem>>
        %dma_start3A_412 = arith.constant 0 : i32
        %dma_start3A_413 = arith.constant 0 : i32
        %dma_start3A_414 = tpu.memref_slice %arg3[%add3A, %scan3A_6, %dma_start3A_412, %dma_start3A_413] : memref<32x25x13x128xi32, #tpu.memory_space<hbm>> -> memref<1x1x13x128xi32, #tpu.memory_space<hbm>>
        %dma_start3A_415 = tpu.memref_squeeze %dma_start3A_414 : memref<1x1x13x128xi32, #tpu.memory_space<hbm>> -> memref<13x128xi32, #tpu.memory_space<hbm>>
        %dma_start3A_416 = arith.constant 0 : i32
        %dma_start3A_417 = arith.constant 0 : i32
        %dma_start3A_418 = tpu.memref_slice %arg3[%add3A, %scan3A_6, %dma_start3A_416, %dma_start3A_417] : memref<32x25x13x128xi32, #tpu.memory_space<hbm>> -> memref<1x1x13x128xi32, #tpu.memory_space<hbm>>
        %dma_start3A_419 = tpu.memref_squeeze %dma_start3A_418 : memref<1x1x13x128xi32, #tpu.memory_space<hbm>> -> memref<13x128xi32, #tpu.memory_space<hbm>>
        tpu.enqueue_dma source(%dma_start3A_419 : memref<13x128xi32, #tpu.memory_space<hbm>>) target(%arg6 : memref<13x128xi32, #tpu.memory_space<vmem>>) target_semaphore(%run_scoped3A : memref<!tpu.dma_semaphore, #tpu.memory_space<semaphore_mem>>)
        %dma_wait3A_420 = arith.constant 0 : i32
        %dma_wait3A_421 = arith.constant 0 : i32
        %dma_wait3A_422 = tpu.memref_slice %arg3[%add3A, %scan3A_6, %dma_wait3A_420, %dma_wait3A_421] : memref<32x25x13x128xi32, #tpu.memory_space<hbm>> -> memref<1x1x13x128xi32, #tpu.memory_space<hbm>>
        %dma_wait3A_423 = tpu.memref_squeeze %dma_wait3A_422 : memref<1x1x13x128xi32, #tpu.memory_space<hbm>> -> memref<13x128xi32, #tpu.memory_space<hbm>>
        %dma_wait3A_424 = arith.constant 0 : i32
        %dma_wait3A_425 = arith.constant 0 : i32
        %dma_wait3A_426 = tpu.memref_slice %arg3[%add3A, %scan3A_6, %dma_wait3A_424, %dma_wait3A_425] : memref<32x25x13x128xi32, #tpu.memory_space<hbm>> -> memref<1x1x13x128xi32, #tpu.memory_space<hbm>>
        %dma_wait3A_427 = tpu.memref_squeeze %dma_wait3A_426 : memref<1x1x13x128xi32, #tpu.memory_space<hbm>> -> memref<13x128xi32, #tpu.memory_space<hbm>>
        tpu.wait_dma2 semaphore(%run_scoped3A : memref<!tpu.dma_semaphore, #tpu.memory_space<semaphore_mem>>) src(%dma_wait3A_427 : memref<13x128xi32, #tpu.memory_space<hbm>>) dst(%arg6 : memref<13x128xi32, #tpu.memory_space<vmem>>)
        tpu.yield
      }) : () -> ()
      %dma_start3A = arith.constant 0 : i32
      %dma_start3A_12 = arith.constant 0 : i32
      %dma_start3A_13 = arith.constant 0 : i32
      %dma_start3A_14 = arith.constant 0 : i32
      %dma_start3A_15 = arith.constant 0 : i32
      %dma_start3A_16 = tpu.memref_slice %arg7[%dma_start3A_12, %dma_start3A_14, %dma_start3A_15] : memref<13x128x16xf32, #tpu.memory_space<vmem>> -> memref<1x128x16xf32, #tpu.memory_space<vmem>>
      %dma_start3A_17 = tpu.memref_squeeze %dma_start3A_16 : memref<1x128x16xf32, #tpu.memory_space<vmem>> -> memref<128x16xf32, #tpu.memory_space<vmem>>
      %dma_start3A_18 = arith.constant 0 : i32
      %dma_start3A_19 = tpu.memref_slice %arg6[%dma_start3A, %dma_start3A_18] : memref<13x128xi32, #tpu.memory_space<vmem>> -> memref<1x128xi32, #tpu.memory_space<vmem>>
      %dma_start3A_20 = tpu.memref_squeeze %dma_start3A_19 : memref<1x128xi32, #tpu.memory_space<vmem>> -> memref<128xi32, #tpu.memory_space<vmem>>
      %dma_start3A_21 = arith.constant 0 : i32
      %dma_start3A_22 = arith.constant 0 : i32
      %dma_start3A_23 = tpu.memref_slice %arg2[%dma_start3A_21, %dma_start3A_22] : memref<1331200x16xf32, #tpu.memory_space<hbm>> -> memref<1331200x16xf32, #tpu.memory_space<hbm>>
      %dma_start3A_24 = tpu.memref_slice %arg10[%dma_start3A_13] : memref<2x!tpu.dma_semaphore, #tpu.memory_space<semaphore_mem>> -> memref<1x!tpu.dma_semaphore, #tpu.memory_space<semaphore_mem>>
      %dma_start3A_25 = tpu.memref_squeeze %dma_start3A_24 : memref<1x!tpu.dma_semaphore, #tpu.memory_space<semaphore_mem>> -> memref<!tpu.dma_semaphore, #tpu.memory_space<semaphore_mem>>
      tpu.enqueue_indirect_dma source(%dma_start3A_23 : memref<1331200x16xf32, #tpu.memory_space<hbm>>) target(%dma_start3A_17 : memref<128x16xf32, #tpu.memory_space<vmem>>) offsets(%dma_start3A_20 : memref<128xi32, #tpu.memory_space<vmem>>) semaphore(%dma_start3A_25 : memref<!tpu.dma_semaphore, #tpu.memory_space<semaphore_mem>>)
      %dma_start3A_26 = arith.constant 1 : i32
      %dma_start3A_27 = arith.constant 1 : i32
      %dma_start3A_28 = arith.constant 0 : i32
      %dma_start3A_29 = arith.constant 0 : i32
      %dma_start3A_30 = arith.constant 0 : i32
      %dma_start3A_31 = tpu.memref_slice %arg7[%dma_start3A_27, %dma_start3A_29, %dma_start3A_30] : memref<13x128x16xf32, #tpu.memory_space<vmem>> -> memref<1x128x16xf32, #tpu.memory_space<vmem>>
      %dma_start3A_32 = tpu.memref_squeeze %dma_start3A_31 : memref<1x128x16xf32, #tpu.memory_space<vmem>> -> memref<128x16xf32, #tpu.memory_space<vmem>>
      %dma_start3A_33 = arith.constant 0 : i32
      %dma_start3A_34 = tpu.memref_slice %arg6[%dma_start3A_26, %dma_start3A_33] : memref<13x128xi32, #tpu.memory_space<vmem>> -> memref<1x128xi32, #tpu.memory_space<vmem>>
      %dma_start3A_35 = tpu.memref_squeeze %dma_start3A_34 : memref<1x128xi32, #tpu.memory_space<vmem>> -> memref<128xi32, #tpu.memory_space<vmem>>
      %dma_start3A_36 = arith.constant 0 : i32
      %dma_start3A_37 = arith.constant 0 : i32
      %dma_start3A_38 = tpu.memref_slice %arg2[%dma_start3A_36, %dma_start3A_37] : memref<1331200x16xf32, #tpu.memory_space<hbm>> -> memref<1331200x16xf32, #tpu.memory_space<hbm>>
      %dma_start3A_39 = tpu.memref_slice %arg10[%dma_start3A_28] : memref<2x!tpu.dma_semaphore, #tpu.memory_space<semaphore_mem>> -> memref<1x!tpu.dma_semaphore, #tpu.memory_space<semaphore_mem>>
      %dma_start3A_40 = tpu.memref_squeeze %dma_start3A_39 : memref<1x!tpu.dma_semaphore, #tpu.memory_space<semaphore_mem>> -> memref<!tpu.dma_semaphore, #tpu.memory_space<semaphore_mem>>
      tpu.enqueue_indirect_dma source(%dma_start3A_38 : memref<1331200x16xf32, #tpu.memory_space<hbm>>) target(%dma_start3A_32 : memref<128x16xf32, #tpu.memory_space<vmem>>) offsets(%dma_start3A_35 : memref<128xi32, #tpu.memory_space<vmem>>) semaphore(%dma_start3A_40 : memref<!tpu.dma_semaphore, #tpu.memory_space<semaphore_mem>>)
      %dma_start3A_41 = arith.constant 2 : i32
      %dma_start3A_42 = arith.constant 2 : i32
      %dma_start3A_43 = arith.constant 0 : i32
      %dma_start3A_44 = arith.constant 0 : i32
      %dma_start3A_45 = arith.constant 0 : i32
      %dma_start3A_46 = tpu.memref_slice %arg7[%dma_start3A_42, %dma_start3A_44, %dma_start3A_45] : memref<13x128x16xf32, #tpu.memory_space<vmem>> -> memref<1x128x16xf32, #tpu.memory_space<vmem>>
      %dma_start3A_47 = tpu.memref_squeeze %dma_start3A_46 : memref<1x128x16xf32, #tpu.memory_space<vmem>> -> memref<128x16xf32, #tpu.memory_space<vmem>>
      %dma_start3A_48 = arith.constant 0 : i32
      %dma_start3A_49 = tpu.memref_slice %arg6[%dma_start3A_41, %dma_start3A_48] : memref<13x128xi32, #tpu.memory_space<vmem>> -> memref<1x128xi32, #tpu.memory_space<vmem>>
      %dma_start3A_50 = tpu.memref_squeeze %dma_start3A_49 : memref<1x128xi32, #tpu.memory_space<vmem>> -> memref<128xi32, #tpu.memory_space<vmem>>
      %dma_start3A_51 = arith.constant 0 : i32
      %dma_start3A_52 = arith.constant 0 : i32
      %dma_start3A_53 = tpu.memref_slice %arg2[%dma_start3A_51, %dma_start3A_52] : memref<1331200x16xf32, #tpu.memory_space<hbm>> -> memref<1331200x16xf32, #tpu.memory_space<hbm>>
      %dma_start3A_54 = tpu.memref_slice %arg10[%dma_start3A_43] : memref<2x!tpu.dma_semaphore, #tpu.memory_space<semaphore_mem>> -> memref<1x!tpu.dma_semaphore, #tpu.memory_space<semaphore_mem>>
      %dma_start3A_55 = tpu.memref_squeeze %dma_start3A_54 : memref<1x!tpu.dma_semaphore, #tpu.memory_space<semaphore_mem>> -> memref<!tpu.dma_semaphore, #tpu.memory_space<semaphore_mem>>
      tpu.enqueue_indirect_dma source(%dma_start3A_53 : memref<1331200x16xf32, #tpu.memory_space<hbm>>) target(%dma_start3A_47 : memref<128x16xf32, #tpu.memory_space<vmem>>) offsets(%dma_start3A_50 : memref<128xi32, #tpu.memory_space<vmem>>) semaphore(%dma_start3A_55 : memref<!tpu.dma_semaphore, #tpu.memory_space<semaphore_mem>>)
      %dma_start3A_56 = arith.constant 3 : i32
      %dma_start3A_57 = arith.constant 3 : i32
      %dma_start3A_58 = arith.constant 0 : i32
      %dma_start3A_59 = arith.constant 0 : i32
      %dma_start3A_60 = arith.constant 0 : i32
      %dma_start3A_61 = tpu.memref_slice %arg7[%dma_start3A_57, %dma_start3A_59, %dma_start3A_60] : memref<13x128x16xf32, #tpu.memory_space<vmem>> -> memref<1x128x16xf32, #tpu.memory_space<vmem>>
      %dma_start3A_62 = tpu.memref_squeeze %dma_start3A_61 : memref<1x128x16xf32, #tpu.memory_space<vmem>> -> memref<128x16xf32, #tpu.memory_space<vmem>>
      %dma_start3A_63 = arith.constant 0 : i32
      %dma_start3A_64 = tpu.memref_slice %arg6[%dma_start3A_56, %dma_start3A_63] : memref<13x128xi32, #tpu.memory_space<vmem>> -> memref<1x128xi32, #tpu.memory_space<vmem>>
      %dma_start3A_65 = tpu.memref_squeeze %dma_start3A_64 : memref<1x128xi32, #tpu.memory_space<vmem>> -> memref<128xi32, #tpu.memory_space<vmem>>
      %dma_start3A_66 = arith.constant 0 : i32
      %dma_start3A_67 = arith.constant 0 : i32
      %dma_start3A_68 = tpu.memref_slice %arg2[%dma_start3A_66, %dma_start3A_67] : memref<1331200x16xf32, #tpu.memory_space<hbm>> -> memref<1331200x16xf32, #tpu.memory_space<hbm>>
      %dma_start3A_69 = tpu.memref_slice %arg10[%dma_start3A_58] : memref<2x!tpu.dma_semaphore, #tpu.memory_space<semaphore_mem>> -> memref<1x!tpu.dma_semaphore, #tpu.memory_space<semaphore_mem>>
      %dma_start3A_70 = tpu.memref_squeeze %dma_start3A_69 : memref<1x!tpu.dma_semaphore, #tpu.memory_space<semaphore_mem>> -> memref<!tpu.dma_semaphore, #tpu.memory_space<semaphore_mem>>
      tpu.enqueue_indirect_dma source(%dma_start3A_68 : memref<1331200x16xf32, #tpu.memory_space<hbm>>) target(%dma_start3A_62 : memref<128x16xf32, #tpu.memory_space<vmem>>) offsets(%dma_start3A_65 : memref<128xi32, #tpu.memory_space<vmem>>) semaphore(%dma_start3A_70 : memref<!tpu.dma_semaphore, #tpu.memory_space<semaphore_mem>>)
      %dma_start3A_71 = arith.constant 4 : i32
      %dma_start3A_72 = arith.constant 4 : i32
      %dma_start3A_73 = arith.constant 0 : i32
      %dma_start3A_74 = arith.constant 0 : i32
      %dma_start3A_75 = arith.constant 0 : i32
      %dma_start3A_76 = tpu.memref_slice %arg7[%dma_start3A_72, %dma_start3A_74, %dma_start3A_75] : memref<13x128x16xf32, #tpu.memory_space<vmem>> -> memref<1x128x16xf32, #tpu.memory_space<vmem>>
      %dma_start3A_77 = tpu.memref_squeeze %dma_start3A_76 : memref<1x128x16xf32, #tpu.memory_space<vmem>> -> memref<128x16xf32, #tpu.memory_space<vmem>>
      %dma_start3A_78 = arith.constant 0 : i32
      %dma_start3A_79 = tpu.memref_slice %arg6[%dma_start3A_71, %dma_start3A_78] : memref<13x128xi32, #tpu.memory_space<vmem>> -> memref<1x128xi32, #tpu.memory_space<vmem>>
      %dma_start3A_80 = tpu.memref_squeeze %dma_start3A_79 : memref<1x128xi32, #tpu.memory_space<vmem>> -> memref<128xi32, #tpu.memory_space<vmem>>
      %dma_start3A_81 = arith.constant 0 : i32
      %dma_start3A_82 = arith.constant 0 : i32
      %dma_start3A_83 = tpu.memref_slice %arg2[%dma_start3A_81, %dma_start3A_82] : memref<1331200x16xf32, #tpu.memory_space<hbm>> -> memref<1331200x16xf32, #tpu.memory_space<hbm>>
      %dma_start3A_84 = tpu.memref_slice %arg10[%dma_start3A_73] : memref<2x!tpu.dma_semaphore, #tpu.memory_space<semaphore_mem>> -> memref<1x!tpu.dma_semaphore, #tpu.memory_space<semaphore_mem>>
      %dma_start3A_85 = tpu.memref_squeeze %dma_start3A_84 : memref<1x!tpu.dma_semaphore, #tpu.memory_space<semaphore_mem>> -> memref<!tpu.dma_semaphore, #tpu.memory_space<semaphore_mem>>
      tpu.enqueue_indirect_dma source(%dma_start3A_83 : memref<1331200x16xf32, #tpu.memory_space<hbm>>) target(%dma_start3A_77 : memref<128x16xf32, #tpu.memory_space<vmem>>) offsets(%dma_start3A_80 : memref<128xi32, #tpu.memory_space<vmem>>) semaphore(%dma_start3A_85 : memref<!tpu.dma_semaphore, #tpu.memory_space<semaphore_mem>>)
      %dma_start3A_86 = arith.constant 5 : i32
      %dma_start3A_87 = arith.constant 5 : i32
      %dma_start3A_88 = arith.constant 0 : i32
      %dma_start3A_89 = arith.constant 0 : i32
      %dma_start3A_90 = arith.constant 0 : i32
      %dma_start3A_91 = tpu.memref_slice %arg7[%dma_start3A_87, %dma_start3A_89, %dma_start3A_90] : memref<13x128x16xf32, #tpu.memory_space<vmem>> -> memref<1x128x16xf32, #tpu.memory_space<vmem>>
      %dma_start3A_92 = tpu.memref_squeeze %dma_start3A_91 : memref<1x128x16xf32, #tpu.memory_space<vmem>> -> memref<128x16xf32, #tpu.memory_space<vmem>>
      %dma_start3A_93 = arith.constant 0 : i32
      %dma_start3A_94 = tpu.memref_slice %arg6[%dma_start3A_86, %dma_start3A_93] : memref<13x128xi32, #tpu.memory_space<vmem>> -> memref<1x128xi32, #tpu.memory_space<vmem>>
      %dma_start3A_95 = tpu.memref_squeeze %dma_start3A_94 : memref<1x128xi32, #tpu.memory_space<vmem>> -> memref<128xi32, #tpu.memory_space<vmem>>
      %dma_start3A_96 = arith.constant 0 : i32
      %dma_start3A_97 = arith.constant 0 : i32
      %dma_start3A_98 = tpu.memref_slice %arg2[%dma_start3A_96, %dma_start3A_97] : memref<1331200x16xf32, #tpu.memory_space<hbm>> -> memref<1331200x16xf32, #tpu.memory_space<hbm>>
      %dma_start3A_99 = tpu.memref_slice %arg10[%dma_start3A_88] : memref<2x!tpu.dma_semaphore, #tpu.memory_space<semaphore_mem>> -> memref<1x!tpu.dma_semaphore, #tpu.memory_space<semaphore_mem>>
      %dma_start3A_100 = tpu.memref_squeeze %dma_start3A_99 : memref<1x!tpu.dma_semaphore, #tpu.memory_space<semaphore_mem>> -> memref<!tpu.dma_semaphore, #tpu.memory_space<semaphore_mem>>
      tpu.enqueue_indirect_dma source(%dma_start3A_98 : memref<1331200x16xf32, #tpu.memory_space<hbm>>) target(%dma_start3A_92 : memref<128x16xf32, #tpu.memory_space<vmem>>) offsets(%dma_start3A_95 : memref<128xi32, #tpu.memory_space<vmem>>) semaphore(%dma_start3A_100 : memref<!tpu.dma_semaphore, #tpu.memory_space<semaphore_mem>>)
      %dma_start3A_101 = arith.constant 6 : i32
      %dma_start3A_102 = arith.constant 6 : i32
      %dma_start3A_103 = arith.constant 1 : i32
      %dma_start3A_104 = arith.constant 0 : i32
      %dma_start3A_105 = arith.constant 0 : i32
      %dma_start3A_106 = tpu.memref_slice %arg7[%dma_start3A_102, %dma_start3A_104, %dma_start3A_105] : memref<13x128x16xf32, #tpu.memory_space<vmem>> -> memref<1x128x16xf32, #tpu.memory_space<vmem>>
      %dma_start3A_107 = tpu.memref_squeeze %dma_start3A_106 : memref<1x128x16xf32, #tpu.memory_space<vmem>> -> memref<128x16xf32, #tpu.memory_space<vmem>>
      %dma_start3A_108 = arith.constant 0 : i32
      %dma_start3A_109 = tpu.memref_slice %arg6[%dma_start3A_101, %dma_start3A_108] : memref<13x128xi32, #tpu.memory_space<vmem>> -> memref<1x128xi32, #tpu.memory_space<vmem>>
      %dma_start3A_110 = tpu.memref_squeeze %dma_start3A_109 : memref<1x128xi32, #tpu.memory_space<vmem>> -> memref<128xi32, #tpu.memory_space<vmem>>
      %dma_start3A_111 = arith.constant 0 : i32
      %dma_start3A_112 = arith.constant 0 : i32
      %dma_start3A_113 = tpu.memref_slice %arg2[%dma_start3A_111, %dma_start3A_112] : memref<1331200x16xf32, #tpu.memory_space<hbm>> -> memref<1331200x16xf32, #tpu.memory_space<hbm>>
      %dma_start3A_114 = tpu.memref_slice %arg10[%dma_start3A_103] : memref<2x!tpu.dma_semaphore, #tpu.memory_space<semaphore_mem>> -> memref<1x!tpu.dma_semaphore, #tpu.memory_space<semaphore_mem>>
      %dma_start3A_115 = tpu.memref_squeeze %dma_start3A_114 : memref<1x!tpu.dma_semaphore, #tpu.memory_space<semaphore_mem>> -> memref<!tpu.dma_semaphore, #tpu.memory_space<semaphore_mem>>
      tpu.enqueue_indirect_dma source(%dma_start3A_113 : memref<1331200x16xf32, #tpu.memory_space<hbm>>) target(%dma_start3A_107 : memref<128x16xf32, #tpu.memory_space<vmem>>) offsets(%dma_start3A_110 : memref<128xi32, #tpu.memory_space<vmem>>) semaphore(%dma_start3A_115 : memref<!tpu.dma_semaphore, #tpu.memory_space<semaphore_mem>>)
      %dma_start3A_116 = arith.constant 7 : i32
      %dma_start3A_117 = arith.constant 7 : i32
      %dma_start3A_118 = arith.constant 1 : i32
      %dma_start3A_119 = arith.constant 0 : i32
      %dma_start3A_120 = arith.constant 0 : i32
      %dma_start3A_121 = tpu.memref_slice %arg7[%dma_start3A_117, %dma_start3A_119, %dma_start3A_120] : memref<13x128x16xf32, #tpu.memory_space<vmem>> -> memref<1x128x16xf32, #tpu.memory_space<vmem>>
      %dma_start3A_122 = tpu.memref_squeeze %dma_start3A_121 : memref<1x128x16xf32, #tpu.memory_space<vmem>> -> memref<128x16xf32, #tpu.memory_space<vmem>>
      %dma_start3A_123 = arith.constant 0 : i32
      %dma_start3A_124 = tpu.memref_slice %arg6[%dma_start3A_116, %dma_start3A_123] : memref<13x128xi32, #tpu.memory_space<vmem>> -> memref<1x128xi32, #tpu.memory_space<vmem>>
      %dma_start3A_125 = tpu.memref_squeeze %dma_start3A_124 : memref<1x128xi32, #tpu.memory_space<vmem>> -> memref<128xi32, #tpu.memory_space<vmem>>
      %dma_start3A_126 = arith.constant 0 : i32
      %dma_start3A_127 = arith.constant 0 : i32
      %dma_start3A_128 = tpu.memref_slice %arg2[%dma_start3A_126, %dma_start3A_127] : memref<1331200x16xf32, #tpu.memory_space<hbm>> -> memref<1331200x16xf32, #tpu.memory_space<hbm>>
      %dma_start3A_129 = tpu.memref_slice %arg10[%dma_start3A_118] : memref<2x!tpu.dma_semaphore, #tpu.memory_space<semaphore_mem>> -> memref<1x!tpu.dma_semaphore, #tpu.memory_space<semaphore_mem>>
      %dma_start3A_130 = tpu.memref_squeeze %dma_start3A_129 : memref<1x!tpu.dma_semaphore, #tpu.memory_space<semaphore_mem>> -> memref<!tpu.dma_semaphore, #tpu.memory_space<semaphore_mem>>
      tpu.enqueue_indirect_dma source(%dma_start3A_128 : memref<1331200x16xf32, #tpu.memory_space<hbm>>) target(%dma_start3A_122 : memref<128x16xf32, #tpu.memory_space<vmem>>) offsets(%dma_start3A_125 : memref<128xi32, #tpu.memory_space<vmem>>) semaphore(%dma_start3A_130 : memref<!tpu.dma_semaphore, #tpu.memory_space<semaphore_mem>>)
      %dma_start3A_131 = arith.constant 8 : i32
      %dma_start3A_132 = arith.constant 8 : i32
      %dma_start3A_133 = arith.constant 1 : i32
      %dma_start3A_134 = arith.constant 0 : i32
      %dma_start3A_135 = arith.constant 0 : i32
      %dma_start3A_136 = tpu.memref_slice %arg7[%dma_start3A_132, %dma_start3A_134, %dma_start3A_135] : memref<13x128x16xf32, #tpu.memory_space<vmem>> -> memref<1x128x16xf32, #tpu.memory_space<vmem>>
      %dma_start3A_137 = tpu.memref_squeeze %dma_start3A_136 : memref<1x128x16xf32, #tpu.memory_space<vmem>> -> memref<128x16xf32, #tpu.memory_space<vmem>>
      %dma_start3A_138 = arith.constant 0 : i32
      %dma_start3A_139 = tpu.memref_slice %arg6[%dma_start3A_131, %dma_start3A_138] : memref<13x128xi32, #tpu.memory_space<vmem>> -> memref<1x128xi32, #tpu.memory_space<vmem>>
      %dma_start3A_140 = tpu.memref_squeeze %dma_start3A_139 : memref<1x128xi32, #tpu.memory_space<vmem>> -> memref<128xi32, #tpu.memory_space<vmem>>
      %dma_start3A_141 = arith.constant 0 : i32
      %dma_start3A_142 = arith.constant 0 : i32
      %dma_start3A_143 = tpu.memref_slice %arg2[%dma_start3A_141, %dma_start3A_142] : memref<1331200x16xf32, #tpu.memory_space<hbm>> -> memref<1331200x16xf32, #tpu.memory_space<hbm>>
      %dma_start3A_144 = tpu.memref_slice %arg10[%dma_start3A_133] : memref<2x!tpu.dma_semaphore, #tpu.memory_space<semaphore_mem>> -> memref<1x!tpu.dma_semaphore, #tpu.memory_space<semaphore_mem>>
      %dma_start3A_145 = tpu.memref_squeeze %dma_start3A_144 : memref<1x!tpu.dma_semaphore, #tpu.memory_space<semaphore_mem>> -> memref<!tpu.dma_semaphore, #tpu.memory_space<semaphore_mem>>
      tpu.enqueue_indirect_dma source(%dma_start3A_143 : memref<1331200x16xf32, #tpu.memory_space<hbm>>) target(%dma_start3A_137 : memref<128x16xf32, #tpu.memory_space<vmem>>) offsets(%dma_start3A_140 : memref<128xi32, #tpu.memory_space<vmem>>) semaphore(%dma_start3A_145 : memref<!tpu.dma_semaphore, #tpu.memory_space<semaphore_mem>>)
      %dma_start3A_146 = arith.constant 9 : i32
      %dma_start3A_147 = arith.constant 9 : i32
      %dma_start3A_148 = arith.constant 1 : i32
      %dma_start3A_149 = arith.constant 0 : i32
      %dma_start3A_150 = arith.constant 0 : i32
      %dma_start3A_151 = tpu.memref_slice %arg7[%dma_start3A_147, %dma_start3A_149, %dma_start3A_150] : memref<13x128x16xf32, #tpu.memory_space<vmem>> -> memref<1x128x16xf32, #tpu.memory_space<vmem>>
      %dma_start3A_152 = tpu.memref_squeeze %dma_start3A_151 : memref<1x128x16xf32, #tpu.memory_space<vmem>> -> memref<128x16xf32, #tpu.memory_space<vmem>>
      %dma_start3A_153 = arith.constant 0 : i32
      %dma_start3A_154 = tpu.memref_slice %arg6[%dma_start3A_146, %dma_start3A_153] : memref<13x128xi32, #tpu.memory_space<vmem>> -> memref<1x128xi32, #tpu.memory_space<vmem>>
      %dma_start3A_155 = tpu.memref_squeeze %dma_start3A_154 : memref<1x128xi32, #tpu.memory_space<vmem>> -> memref<128xi32, #tpu.memory_space<vmem>>
      %dma_start3A_156 = arith.constant 0 : i32
      %dma_start3A_157 = arith.constant 0 : i32
      %dma_start3A_158 = tpu.memref_slice %arg2[%dma_start3A_156, %dma_start3A_157] : memref<1331200x16xf32, #tpu.memory_space<hbm>> -> memref<1331200x16xf32, #tpu.memory_space<hbm>>
      %dma_start3A_159 = tpu.memref_slice %arg10[%dma_start3A_148] : memref<2x!tpu.dma_semaphore, #tpu.memory_space<semaphore_mem>> -> memref<1x!tpu.dma_semaphore, #tpu.memory_space<semaphore_mem>>
      %dma_start3A_160 = tpu.memref_squeeze %dma_start3A_159 : memref<1x!tpu.dma_semaphore, #tpu.memory_space<semaphore_mem>> -> memref<!tpu.dma_semaphore, #tpu.memory_space<semaphore_mem>>
      tpu.enqueue_indirect_dma source(%dma_start3A_158 : memref<1331200x16xf32, #tpu.memory_space<hbm>>) target(%dma_start3A_152 : memref<128x16xf32, #tpu.memory_space<vmem>>) offsets(%dma_start3A_155 : memref<128xi32, #tpu.memory_space<vmem>>) semaphore(%dma_start3A_160 : memref<!tpu.dma_semaphore, #tpu.memory_space<semaphore_mem>>)
      %dma_start3A_161 = arith.constant 10 : i32
      %dma_start3A_162 = arith.constant 10 : i32
      %dma_start3A_163 = arith.constant 1 : i32
      %dma_start3A_164 = arith.constant 0 : i32
      %dma_start3A_165 = arith.constant 0 : i32
      %dma_start3A_166 = tpu.memref_slice %arg7[%dma_start3A_162, %dma_start3A_164, %dma_start3A_165] : memref<13x128x16xf32, #tpu.memory_space<vmem>> -> memref<1x128x16xf32, #tpu.memory_space<vmem>>
      %dma_start3A_167 = tpu.memref_squeeze %dma_start3A_166 : memref<1x128x16xf32, #tpu.memory_space<vmem>> -> memref<128x16xf32, #tpu.memory_space<vmem>>
      %dma_start3A_168 = arith.constant 0 : i32
      %dma_start3A_169 = tpu.memref_slice %arg6[%dma_start3A_161, %dma_start3A_168] : memref<13x128xi32, #tpu.memory_space<vmem>> -> memref<1x128xi32, #tpu.memory_space<vmem>>
      %dma_start3A_170 = tpu.memref_squeeze %dma_start3A_169 : memref<1x128xi32, #tpu.memory_space<vmem>> -> memref<128xi32, #tpu.memory_space<vmem>>
      %dma_start3A_171 = arith.constant 0 : i32
      %dma_start3A_172 = arith.constant 0 : i32
      %dma_start3A_173 = tpu.memref_slice %arg2[%dma_start3A_171, %dma_start3A_172] : memref<1331200x16xf32, #tpu.memory_space<hbm>> -> memref<1331200x16xf32, #tpu.memory_space<hbm>>
      %dma_start3A_174 = tpu.memref_slice %arg10[%dma_start3A_163] : memref<2x!tpu.dma_semaphore, #tpu.memory_space<semaphore_mem>> -> memref<1x!tpu.dma_semaphore, #tpu.memory_space<semaphore_mem>>
      %dma_start3A_175 = tpu.memref_squeeze %dma_start3A_174 : memref<1x!tpu.dma_semaphore, #tpu.memory_space<semaphore_mem>> -> memref<!tpu.dma_semaphore, #tpu.memory_space<semaphore_mem>>
      tpu.enqueue_indirect_dma source(%dma_start3A_173 : memref<1331200x16xf32, #tpu.memory_space<hbm>>) target(%dma_start3A_167 : memref<128x16xf32, #tpu.memory_space<vmem>>) offsets(%dma_start3A_170 : memref<128xi32, #tpu.memory_space<vmem>>) semaphore(%dma_start3A_175 : memref<!tpu.dma_semaphore, #tpu.memory_space<semaphore_mem>>)
      %dma_start3A_176 = arith.constant 11 : i32
      %dma_start3A_177 = arith.constant 11 : i32
      %dma_start3A_178 = arith.constant 1 : i32
      %dma_start3A_179 = arith.constant 0 : i32
      %dma_start3A_180 = arith.constant 0 : i32
      %dma_start3A_181 = tpu.memref_slice %arg7[%dma_start3A_177, %dma_start3A_179, %dma_start3A_180] : memref<13x128x16xf32, #tpu.memory_space<vmem>> -> memref<1x128x16xf32, #tpu.memory_space<vmem>>
      %dma_start3A_182 = tpu.memref_squeeze %dma_start3A_181 : memref<1x128x16xf32, #tpu.memory_space<vmem>> -> memref<128x16xf32, #tpu.memory_space<vmem>>
      %dma_start3A_183 = arith.constant 0 : i32
      %dma_start3A_184 = tpu.memref_slice %arg6[%dma_start3A_176, %dma_start3A_183] : memref<13x128xi32, #tpu.memory_space<vmem>> -> memref<1x128xi32, #tpu.memory_space<vmem>>
      %dma_start3A_185 = tpu.memref_squeeze %dma_start3A_184 : memref<1x128xi32, #tpu.memory_space<vmem>> -> memref<128xi32, #tpu.memory_space<vmem>>
      %dma_start3A_186 = arith.constant 0 : i32
      %dma_start3A_187 = arith.constant 0 : i32
      %dma_start3A_188 = tpu.memref_slice %arg2[%dma_start3A_186, %dma_start3A_187] : memref<1331200x16xf32, #tpu.memory_space<hbm>> -> memref<1331200x16xf32, #tpu.memory_space<hbm>>
      %dma_start3A_189 = tpu.memref_slice %arg10[%dma_start3A_178] : memref<2x!tpu.dma_semaphore, #tpu.memory_space<semaphore_mem>> -> memref<1x!tpu.dma_semaphore, #tpu.memory_space<semaphore_mem>>
      %dma_start3A_190 = tpu.memref_squeeze %dma_start3A_189 : memref<1x!tpu.dma_semaphore, #tpu.memory_space<semaphore_mem>> -> memref<!tpu.dma_semaphore, #tpu.memory_space<semaphore_mem>>
      tpu.enqueue_indirect_dma source(%dma_start3A_188 : memref<1331200x16xf32, #tpu.memory_space<hbm>>) target(%dma_start3A_182 : memref<128x16xf32, #tpu.memory_space<vmem>>) offsets(%dma_start3A_185 : memref<128xi32, #tpu.memory_space<vmem>>) semaphore(%dma_start3A_190 : memref<!tpu.dma_semaphore, #tpu.memory_space<semaphore_mem>>)
      %dma_start3A_191 = arith.constant 12 : i32
      %dma_start3A_192 = arith.constant 12 : i32
      %dma_start3A_193 = arith.constant 1 : i32
      %dma_start3A_194 = arith.constant 0 : i32
      %dma_start3A_195 = arith.constant 0 : i32
      %dma_start3A_196 = tpu.memref_slice %arg7[%dma_start3A_192, %dma_start3A_194, %dma_start3A_195] : memref<13x128x16xf32, #tpu.memory_space<vmem>> -> memref<1x128x16xf32, #tpu.memory_space<vmem>>
      %dma_start3A_197 = tpu.memref_squeeze %dma_start3A_196 : memref<1x128x16xf32, #tpu.memory_space<vmem>> -> memref<128x16xf32, #tpu.memory_space<vmem>>
      %dma_start3A_198 = arith.constant 0 : i32
      %dma_start3A_199 = tpu.memref_slice %arg6[%dma_start3A_191, %dma_start3A_198] : memref<13x128xi32, #tpu.memory_space<vmem>> -> memref<1x128xi32, #tpu.memory_space<vmem>>
      %dma_start3A_200 = tpu.memref_squeeze %dma_start3A_199 : memref<1x128xi32, #tpu.memory_space<vmem>> -> memref<128xi32, #tpu.memory_space<vmem>>
      %dma_start3A_201 = arith.constant 0 : i32
      %dma_start3A_202 = arith.constant 0 : i32
      %dma_start3A_203 = tpu.memref_slice %arg2[%dma_start3A_201, %dma_start3A_202] : memref<1331200x16xf32, #tpu.memory_space<hbm>> -> memref<1331200x16xf32, #tpu.memory_space<hbm>>
      %dma_start3A_204 = tpu.memref_slice %arg10[%dma_start3A_193] : memref<2x!tpu.dma_semaphore, #tpu.memory_space<semaphore_mem>> -> memref<1x!tpu.dma_semaphore, #tpu.memory_space<semaphore_mem>>
      %dma_start3A_205 = tpu.memref_squeeze %dma_start3A_204 : memref<1x!tpu.dma_semaphore, #tpu.memory_space<semaphore_mem>> -> memref<!tpu.dma_semaphore, #tpu.memory_space<semaphore_mem>>
      tpu.enqueue_indirect_dma source(%dma_start3A_203 : memref<1331200x16xf32, #tpu.memory_space<hbm>>) target(%dma_start3A_197 : memref<128x16xf32, #tpu.memory_space<vmem>>) offsets(%dma_start3A_200 : memref<128xi32, #tpu.memory_space<vmem>>) semaphore(%dma_start3A_205 : memref<!tpu.dma_semaphore, #tpu.memory_space<semaphore_mem>>)
      "tpu.region"() ({
        %run_scoped3A = tpu.sem_alloc : memref<!tpu.dma_semaphore, #tpu.memory_space<semaphore_mem>>
        %dma_start3A_412 = arith.constant 0 : i32
        %dma_start3A_413 = tpu.memref_slice %arg4[%add3A_11, %dma_start3A_412] : memref<102400x32xf32, #tpu.memory_space<hbm>> -> memref<128x32xf32, #tpu.memory_space<hbm>>
        %dma_start3A_414 = arith.constant 0 : i32
        %dma_start3A_415 = tpu.memref_slice %arg4[%add3A_11, %dma_start3A_414] : memref<102400x32xf32, #tpu.memory_space<hbm>> -> memref<128x32xf32, #tpu.memory_space<hbm>>
        tpu.enqueue_dma source(%dma_start3A_415 : memref<128x32xf32, #tpu.memory_space<hbm>>) target(%arg9 : memref<128x32xf32, #tpu.memory_space<vmem>>) target_semaphore(%run_scoped3A : memref<!tpu.dma_semaphore, #tpu.memory_space<semaphore_mem>>)
        %dma_wait3A_416 = arith.constant 0 : i32
        %dma_wait3A_417 = tpu.memref_slice %arg4[%add3A_11, %dma_wait3A_416] : memref<102400x32xf32, #tpu.memory_space<hbm>> -> memref<128x32xf32, #tpu.memory_space<hbm>>
        %dma_wait3A_418 = arith.constant 0 : i32
        %dma_wait3A_419 = tpu.memref_slice %arg4[%add3A_11, %dma_wait3A_418] : memref<102400x32xf32, #tpu.memory_space<hbm>> -> memref<128x32xf32, #tpu.memory_space<hbm>>
        tpu.wait_dma2 semaphore(%run_scoped3A : memref<!tpu.dma_semaphore, #tpu.memory_space<semaphore_mem>>) src(%dma_wait3A_419 : memref<128x32xf32, #tpu.memory_space<hbm>>) dst(%arg9 : memref<128x32xf32, #tpu.memory_space<vmem>>)
        tpu.yield
      }) : () -> ()
      %dma_wait3A = arith.constant 0 : i32
      %dma_wait3A_206 = arith.constant 0 : i32
      %dma_wait3A_207 = arith.constant 0 : i32
      %dma_wait3A_208 = arith.constant 0 : i32
      %dma_wait3A_209 = arith.constant 0 : i32
      %dma_wait3A_210 = tpu.memref_slice %arg7[%dma_wait3A_206, %dma_wait3A_208, %dma_wait3A_209] : memref<13x128x16xf32, #tpu.memory_space<vmem>> -> memref<1x128x16xf32, #tpu.memory_space<vmem>>
      %dma_wait3A_211 = tpu.memref_squeeze %dma_wait3A_210 : memref<1x128x16xf32, #tpu.memory_space<vmem>> -> memref<128x16xf32, #tpu.memory_space<vmem>>
      %dma_wait3A_212 = arith.constant 0 : i32
      %dma_wait3A_213 = tpu.memref_slice %arg6[%dma_wait3A, %dma_wait3A_212] : memref<13x128xi32, #tpu.memory_space<vmem>> -> memref<1x128xi32, #tpu.memory_space<vmem>>
      %dma_wait3A_214 = tpu.memref_squeeze %dma_wait3A_213 : memref<1x128xi32, #tpu.memory_space<vmem>> -> memref<128xi32, #tpu.memory_space<vmem>>
      %dma_wait3A_215 = arith.constant 0 : i32
      %dma_wait3A_216 = arith.constant 0 : i32
      %dma_wait3A_217 = tpu.memref_slice %arg2[%dma_wait3A_215, %dma_wait3A_216] : memref<1331200x16xf32, #tpu.memory_space<hbm>> -> memref<1331200x16xf32, #tpu.memory_space<hbm>>
      %dma_wait3A_218 = tpu.memref_slice %arg10[%dma_wait3A_207] : memref<2x!tpu.dma_semaphore, #tpu.memory_space<semaphore_mem>> -> memref<1x!tpu.dma_semaphore, #tpu.memory_space<semaphore_mem>>
      %dma_wait3A_219 = tpu.memref_squeeze %dma_wait3A_218 : memref<1x!tpu.dma_semaphore, #tpu.memory_space<semaphore_mem>> -> memref<!tpu.dma_semaphore, #tpu.memory_space<semaphore_mem>>
      tpu.wait_indirect_dma semaphore(%dma_wait3A_219 : memref<!tpu.dma_semaphore, #tpu.memory_space<semaphore_mem>>) src(%dma_wait3A_217 : memref<1331200x16xf32, #tpu.memory_space<hbm>>) dst(%dma_wait3A_211 : memref<128x16xf32, #tpu.memory_space<vmem>>)
      %dma_wait3A_220 = arith.constant 1 : i32
      %dma_wait3A_221 = arith.constant 1 : i32
      %dma_wait3A_222 = arith.constant 0 : i32
      %dma_wait3A_223 = arith.constant 0 : i32
      %dma_wait3A_224 = arith.constant 0 : i32
      %dma_wait3A_225 = tpu.memref_slice %arg7[%dma_wait3A_221, %dma_wait3A_223, %dma_wait3A_224] : memref<13x128x16xf32, #tpu.memory_space<vmem>> -> memref<1x128x16xf32, #tpu.memory_space<vmem>>
      %dma_wait3A_226 = tpu.memref_squeeze %dma_wait3A_225 : memref<1x128x16xf32, #tpu.memory_space<vmem>> -> memref<128x16xf32, #tpu.memory_space<vmem>>
      %dma_wait3A_227 = arith.constant 0 : i32
      %dma_wait3A_228 = tpu.memref_slice %arg6[%dma_wait3A_220, %dma_wait3A_227] : memref<13x128xi32, #tpu.memory_space<vmem>> -> memref<1x128xi32, #tpu.memory_space<vmem>>
      %dma_wait3A_229 = tpu.memref_squeeze %dma_wait3A_228 : memref<1x128xi32, #tpu.memory_space<vmem>> -> memref<128xi32, #tpu.memory_space<vmem>>
      %dma_wait3A_230 = arith.constant 0 : i32
      %dma_wait3A_231 = arith.constant 0 : i32
      %dma_wait3A_232 = tpu.memref_slice %arg2[%dma_wait3A_230, %dma_wait3A_231] : memref<1331200x16xf32, #tpu.memory_space<hbm>> -> memref<1331200x16xf32, #tpu.memory_space<hbm>>
      %dma_wait3A_233 = tpu.memref_slice %arg10[%dma_wait3A_222] : memref<2x!tpu.dma_semaphore, #tpu.memory_space<semaphore_mem>> -> memref<1x!tpu.dma_semaphore, #tpu.memory_space<semaphore_mem>>
      %dma_wait3A_234 = tpu.memref_squeeze %dma_wait3A_233 : memref<1x!tpu.dma_semaphore, #tpu.memory_space<semaphore_mem>> -> memref<!tpu.dma_semaphore, #tpu.memory_space<semaphore_mem>>
      tpu.wait_indirect_dma semaphore(%dma_wait3A_234 : memref<!tpu.dma_semaphore, #tpu.memory_space<semaphore_mem>>) src(%dma_wait3A_232 : memref<1331200x16xf32, #tpu.memory_space<hbm>>) dst(%dma_wait3A_226 : memref<128x16xf32, #tpu.memory_space<vmem>>)
      %dma_wait3A_235 = arith.constant 2 : i32
      %dma_wait3A_236 = arith.constant 2 : i32
      %dma_wait3A_237 = arith.constant 0 : i32
      %dma_wait3A_238 = arith.constant 0 : i32
      %dma_wait3A_239 = arith.constant 0 : i32
      %dma_wait3A_240 = tpu.memref_slice %arg7[%dma_wait3A_236, %dma_wait3A_238, %dma_wait3A_239] : memref<13x128x16xf32, #tpu.memory_space<vmem>> -> memref<1x128x16xf32, #tpu.memory_space<vmem>>
      %dma_wait3A_241 = tpu.memref_squeeze %dma_wait3A_240 : memref<1x128x16xf32, #tpu.memory_space<vmem>> -> memref<128x16xf32, #tpu.memory_space<vmem>>
      %dma_wait3A_242 = arith.constant 0 : i32
      %dma_wait3A_243 = tpu.memref_slice %arg6[%dma_wait3A_235, %dma_wait3A_242] : memref<13x128xi32, #tpu.memory_space<vmem>> -> memref<1x128xi32, #tpu.memory_space<vmem>>
      %dma_wait3A_244 = tpu.memref_squeeze %dma_wait3A_243 : memref<1x128xi32, #tpu.memory_space<vmem>> -> memref<128xi32, #tpu.memory_space<vmem>>
      %dma_wait3A_245 = arith.constant 0 : i32
      %dma_wait3A_246 = arith.constant 0 : i32
      %dma_wait3A_247 = tpu.memref_slice %arg2[%dma_wait3A_245, %dma_wait3A_246] : memref<1331200x16xf32, #tpu.memory_space<hbm>> -> memref<1331200x16xf32, #tpu.memory_space<hbm>>
      %dma_wait3A_248 = tpu.memref_slice %arg10[%dma_wait3A_237] : memref<2x!tpu.dma_semaphore, #tpu.memory_space<semaphore_mem>> -> memref<1x!tpu.dma_semaphore, #tpu.memory_space<semaphore_mem>>
      %dma_wait3A_249 = tpu.memref_squeeze %dma_wait3A_248 : memref<1x!tpu.dma_semaphore, #tpu.memory_space<semaphore_mem>> -> memref<!tpu.dma_semaphore, #tpu.memory_space<semaphore_mem>>
      tpu.wait_indirect_dma semaphore(%dma_wait3A_249 : memref<!tpu.dma_semaphore, #tpu.memory_space<semaphore_mem>>) src(%dma_wait3A_247 : memref<1331200x16xf32, #tpu.memory_space<hbm>>) dst(%dma_wait3A_241 : memref<128x16xf32, #tpu.memory_space<vmem>>)
      %dma_wait3A_250 = arith.constant 3 : i32
      %dma_wait3A_251 = arith.constant 3 : i32
      %dma_wait3A_252 = arith.constant 0 : i32
      %dma_wait3A_253 = arith.constant 0 : i32
      %dma_wait3A_254 = arith.constant 0 : i32
      %dma_wait3A_255 = tpu.memref_slice %arg7[%dma_wait3A_251, %dma_wait3A_253, %dma_wait3A_254] : memref<13x128x16xf32, #tpu.memory_space<vmem>> -> memref<1x128x16xf32, #tpu.memory_space<vmem>>
      %dma_wait3A_256 = tpu.memref_squeeze %dma_wait3A_255 : memref<1x128x16xf32, #tpu.memory_space<vmem>> -> memref<128x16xf32, #tpu.memory_space<vmem>>
      %dma_wait3A_257 = arith.constant 0 : i32
      %dma_wait3A_258 = tpu.memref_slice %arg6[%dma_wait3A_250, %dma_wait3A_257] : memref<13x128xi32, #tpu.memory_space<vmem>> -> memref<1x128xi32, #tpu.memory_space<vmem>>
      %dma_wait3A_259 = tpu.memref_squeeze %dma_wait3A_258 : memref<1x128xi32, #tpu.memory_space<vmem>> -> memref<128xi32, #tpu.memory_space<vmem>>
      %dma_wait3A_260 = arith.constant 0 : i32
      %dma_wait3A_261 = arith.constant 0 : i32
      %dma_wait3A_262 = tpu.memref_slice %arg2[%dma_wait3A_260, %dma_wait3A_261] : memref<1331200x16xf32, #tpu.memory_space<hbm>> -> memref<1331200x16xf32, #tpu.memory_space<hbm>>
      %dma_wait3A_263 = tpu.memref_slice %arg10[%dma_wait3A_252] : memref<2x!tpu.dma_semaphore, #tpu.memory_space<semaphore_mem>> -> memref<1x!tpu.dma_semaphore, #tpu.memory_space<semaphore_mem>>
      %dma_wait3A_264 = tpu.memref_squeeze %dma_wait3A_263 : memref<1x!tpu.dma_semaphore, #tpu.memory_space<semaphore_mem>> -> memref<!tpu.dma_semaphore, #tpu.memory_space<semaphore_mem>>
      tpu.wait_indirect_dma semaphore(%dma_wait3A_264 : memref<!tpu.dma_semaphore, #tpu.memory_space<semaphore_mem>>) src(%dma_wait3A_262 : memref<1331200x16xf32, #tpu.memory_space<hbm>>) dst(%dma_wait3A_256 : memref<128x16xf32, #tpu.memory_space<vmem>>)
      %dma_wait3A_265 = arith.constant 4 : i32
      %dma_wait3A_266 = arith.constant 4 : i32
      %dma_wait3A_267 = arith.constant 0 : i32
      %dma_wait3A_268 = arith.constant 0 : i32
      %dma_wait3A_269 = arith.constant 0 : i32
      %dma_wait3A_270 = tpu.memref_slice %arg7[%dma_wait3A_266, %dma_wait3A_268, %dma_wait3A_269] : memref<13x128x16xf32, #tpu.memory_space<vmem>> -> memref<1x128x16xf32, #tpu.memory_space<vmem>>
      %dma_wait3A_271 = tpu.memref_squeeze %dma_wait3A_270 : memref<1x128x16xf32, #tpu.memory_space<vmem>> -> memref<128x16xf32, #tpu.memory_space<vmem>>
      %dma_wait3A_272 = arith.constant 0 : i32
      %dma_wait3A_273 = tpu.memref_slice %arg6[%dma_wait3A_265, %dma_wait3A_272] : memref<13x128xi32, #tpu.memory_space<vmem>> -> memref<1x128xi32, #tpu.memory_space<vmem>>
      %dma_wait3A_274 = tpu.memref_squeeze %dma_wait3A_273 : memref<1x128xi32, #tpu.memory_space<vmem>> -> memref<128xi32, #tpu.memory_space<vmem>>
      %dma_wait3A_275 = arith.constant 0 : i32
      %dma_wait3A_276 = arith.constant 0 : i32
      %dma_wait3A_277 = tpu.memref_slice %arg2[%dma_wait3A_275, %dma_wait3A_276] : memref<1331200x16xf32, #tpu.memory_space<hbm>> -> memref<1331200x16xf32, #tpu.memory_space<hbm>>
      %dma_wait3A_278 = tpu.memref_slice %arg10[%dma_wait3A_267] : memref<2x!tpu.dma_semaphore, #tpu.memory_space<semaphore_mem>> -> memref<1x!tpu.dma_semaphore, #tpu.memory_space<semaphore_mem>>
      %dma_wait3A_279 = tpu.memref_squeeze %dma_wait3A_278 : memref<1x!tpu.dma_semaphore, #tpu.memory_space<semaphore_mem>> -> memref<!tpu.dma_semaphore, #tpu.memory_space<semaphore_mem>>
      tpu.wait_indirect_dma semaphore(%dma_wait3A_279 : memref<!tpu.dma_semaphore, #tpu.memory_space<semaphore_mem>>) src(%dma_wait3A_277 : memref<1331200x16xf32, #tpu.memory_space<hbm>>) dst(%dma_wait3A_271 : memref<128x16xf32, #tpu.memory_space<vmem>>)
      %dma_wait3A_280 = arith.constant 5 : i32
      %dma_wait3A_281 = arith.constant 5 : i32
      %dma_wait3A_282 = arith.constant 0 : i32
      %dma_wait3A_283 = arith.constant 0 : i32
      %dma_wait3A_284 = arith.constant 0 : i32
      %dma_wait3A_285 = tpu.memref_slice %arg7[%dma_wait3A_281, %dma_wait3A_283, %dma_wait3A_284] : memref<13x128x16xf32, #tpu.memory_space<vmem>> -> memref<1x128x16xf32, #tpu.memory_space<vmem>>
      %dma_wait3A_286 = tpu.memref_squeeze %dma_wait3A_285 : memref<1x128x16xf32, #tpu.memory_space<vmem>> -> memref<128x16xf32, #tpu.memory_space<vmem>>
      %dma_wait3A_287 = arith.constant 0 : i32
      %dma_wait3A_288 = tpu.memref_slice %arg6[%dma_wait3A_280, %dma_wait3A_287] : memref<13x128xi32, #tpu.memory_space<vmem>> -> memref<1x128xi32, #tpu.memory_space<vmem>>
      %dma_wait3A_289 = tpu.memref_squeeze %dma_wait3A_288 : memref<1x128xi32, #tpu.memory_space<vmem>> -> memref<128xi32, #tpu.memory_space<vmem>>
      %dma_wait3A_290 = arith.constant 0 : i32
      %dma_wait3A_291 = arith.constant 0 : i32
      %dma_wait3A_292 = tpu.memref_slice %arg2[%dma_wait3A_290, %dma_wait3A_291] : memref<1331200x16xf32, #tpu.memory_space<hbm>> -> memref<1331200x16xf32, #tpu.memory_space<hbm>>
      %dma_wait3A_293 = tpu.memref_slice %arg10[%dma_wait3A_282] : memref<2x!tpu.dma_semaphore, #tpu.memory_space<semaphore_mem>> -> memref<1x!tpu.dma_semaphore, #tpu.memory_space<semaphore_mem>>
      %dma_wait3A_294 = tpu.memref_squeeze %dma_wait3A_293 : memref<1x!tpu.dma_semaphore, #tpu.memory_space<semaphore_mem>> -> memref<!tpu.dma_semaphore, #tpu.memory_space<semaphore_mem>>
      tpu.wait_indirect_dma semaphore(%dma_wait3A_294 : memref<!tpu.dma_semaphore, #tpu.memory_space<semaphore_mem>>) src(%dma_wait3A_292 : memref<1331200x16xf32, #tpu.memory_space<hbm>>) dst(%dma_wait3A_286 : memref<128x16xf32, #tpu.memory_space<vmem>>)
      %scan3A_295 = arith.constant 0 : i32
      %scan3A_296 = arith.constant 0 : i32
      %scan3A_297 = arith.constant 128 : i32
      %scan3A_298 = arith.addi %scan3A_296, %scan3A_297 : i32
      %scan3A_299 = arith.constant 1 : i32
      scf.for %scan3A_412 = %scan3A_296 to %scan3A_298 step %scan3A_299  : i32 {
        %get3A = arith.constant 0 : i32
        %get3A_413 = arith.index_cast %get3A : i32 to index
        %get3A_414 = arith.index_cast %scan3A_412 : i32 to index
        %get3A_415 = arith.constant 0 : index
        %get3A_416 = tpu.vector_load %arg7[%get3A_413, %get3A_414, %get3A_415] {strides = array<i32>} : memref<13x128x16xf32, #tpu.memory_space<vmem>>, vector<16xf32>,
        %bitcast3A = vector.bitcast %get3A_416 : vector<16xf32> to vector<32xbf16>
        %unpack3A = tpu.unpack_subelements %bitcast3A, 0 {pack_format = #tpu.pack_format<interleaved>} : vector<32xbf16> -> vector<16xf32>
        %unpack3A_417 = tpu.unpack_subelements %bitcast3A, 1 {pack_format = #tpu.pack_format<interleaved>} : vector<32xbf16> -> vector<16xf32>
        %get3A_418 = arith.constant 1 : i32
        %get3A_419 = arith.index_cast %get3A_418 : i32 to index
        %get3A_420 = arith.index_cast %scan3A_412 : i32 to index
        %get3A_421 = arith.constant 0 : index
        %get3A_422 = tpu.vector_load %arg7[%get3A_419, %get3A_420, %get3A_421] {strides = array<i32>} : memref<13x128x16xf32, #tpu.memory_space<vmem>>, vector<16xf32>,
        %bitcast3A_423 = vector.bitcast %get3A_422 : vector<16xf32> to vector<32xbf16>
        %unpack3A_424 = tpu.unpack_subelements %bitcast3A_423, 0 {pack_format = #tpu.pack_format<interleaved>} : vector<32xbf16> -> vector<16xf32>
        %unpack3A_425 = tpu.unpack_subelements %bitcast3A_423, 1 {pack_format = #tpu.pack_format<interleaved>} : vector<32xbf16> -> vector<16xf32>
        %add3A_426 = arith.addf %unpack3A, %unpack3A_424 : vector<16xf32>
        %add3A_427 = arith.addf %unpack3A_417, %unpack3A_425 : vector<16xf32>
        %get3A_428 = arith.constant 2 : i32
        %get3A_429 = arith.index_cast %get3A_428 : i32 to index
        %get3A_430 = arith.index_cast %scan3A_412 : i32 to index
        %get3A_431 = arith.constant 0 : index
        %get3A_432 = tpu.vector_load %arg7[%get3A_429, %get3A_430, %get3A_431] {strides = array<i32>} : memref<13x128x16xf32, #tpu.memory_space<vmem>>, vector<16xf32>,
        %bitcast3A_433 = vector.bitcast %get3A_432 : vector<16xf32> to vector<32xbf16>
        %unpack3A_434 = tpu.unpack_subelements %bitcast3A_433, 0 {pack_format = #tpu.pack_format<interleaved>} : vector<32xbf16> -> vector<16xf32>
        %unpack3A_435 = tpu.unpack_subelements %bitcast3A_433, 1 {pack_format = #tpu.pack_format<interleaved>} : vector<32xbf16> -> vector<16xf32>
        %add3A_436 = arith.addf %add3A_426, %unpack3A_434 : vector<16xf32>
        %add3A_437 = arith.addf %add3A_427, %unpack3A_435 : vector<16xf32>
        %get3A_438 = arith.constant 3 : i32
        %get3A_439 = arith.index_cast %get3A_438 : i32 to index
        %get3A_440 = arith.index_cast %scan3A_412 : i32 to index
        %get3A_441 = arith.constant 0 : index
        %get3A_442 = tpu.vector_load %arg7[%get3A_439, %get3A_440, %get3A_441] {strides = array<i32>} : memref<13x128x16xf32, #tpu.memory_space<vmem>>, vector<16xf32>,
        %bitcast3A_443 = vector.bitcast %get3A_442 : vector<16xf32> to vector<32xbf16>
        %unpack3A_444 = tpu.unpack_subelements %bitcast3A_443, 0 {pack_format = #tpu.pack_format<interleaved>} : vector<32xbf16> -> vector<16xf32>
        %unpack3A_445 = tpu.unpack_subelements %bitcast3A_443, 1 {pack_format = #tpu.pack_format<interleaved>} : vector<32xbf16> -> vector<16xf32>
        %add3A_446 = arith.addf %add3A_436, %unpack3A_444 : vector<16xf32>
        %add3A_447 = arith.addf %add3A_437, %unpack3A_445 : vector<16xf32>
        %get3A_448 = arith.constant 4 : i32
        %get3A_449 = arith.index_cast %get3A_448 : i32 to index
        %get3A_450 = arith.index_cast %scan3A_412 : i32 to index
        %get3A_451 = arith.constant 0 : index
        %get3A_452 = tpu.vector_load %arg7[%get3A_449, %get3A_450, %get3A_451] {strides = array<i32>} : memref<13x128x16xf32, #tpu.memory_space<vmem>>, vector<16xf32>,
        %bitcast3A_453 = vector.bitcast %get3A_452 : vector<16xf32> to vector<32xbf16>
        %unpack3A_454 = tpu.unpack_subelements %bitcast3A_453, 0 {pack_format = #tpu.pack_format<interleaved>} : vector<32xbf16> -> vector<16xf32>
        %unpack3A_455 = tpu.unpack_subelements %bitcast3A_453, 1 {pack_format = #tpu.pack_format<interleaved>} : vector<32xbf16> -> vector<16xf32>
        %add3A_456 = arith.addf %add3A_446, %unpack3A_454 : vector<16xf32>
        %add3A_457 = arith.addf %add3A_447, %unpack3A_455 : vector<16xf32>
        %get3A_458 = arith.constant 5 : i32
        %get3A_459 = arith.index_cast %get3A_458 : i32 to index
        %get3A_460 = arith.index_cast %scan3A_412 : i32 to index
        %get3A_461 = arith.constant 0 : index
        %get3A_462 = tpu.vector_load %arg7[%get3A_459, %get3A_460, %get3A_461] {strides = array<i32>} : memref<13x128x16xf32, #tpu.memory_space<vmem>>, vector<16xf32>,
        %bitcast3A_463 = vector.bitcast %get3A_462 : vector<16xf32> to vector<32xbf16>
        %unpack3A_464 = tpu.unpack_subelements %bitcast3A_463, 0 {pack_format = #tpu.pack_format<interleaved>} : vector<32xbf16> -> vector<16xf32>
        %unpack3A_465 = tpu.unpack_subelements %bitcast3A_463, 1 {pack_format = #tpu.pack_format<interleaved>} : vector<32xbf16> -> vector<16xf32>
        %add3A_466 = arith.addf %add3A_456, %unpack3A_464 : vector<16xf32>
        %add3A_467 = arith.addf %add3A_457, %unpack3A_465 : vector<16xf32>
        %get3A_468 = arith.index_cast %scan3A_412 : i32 to index
        %get3A_469 = arith.constant 0 : index
        %get3A_470 = tpu.vector_load %arg9[%get3A_468, %get3A_469] {strides = array<i32>} : memref<128x32xf32, #tpu.memory_space<vmem>>, vector<16xf32>,
        %add3A_471 = arith.addf %add3A_466, %get3A_470 : vector<16xf32>
        %get3A_472 = arith.index_cast %scan3A_412 : i32 to index
        %get3A_473 = arith.constant 16 : index
        %get3A_474 = tpu.vector_load %arg9[%get3A_472, %get3A_473] {strides = array<i32>} : memref<128x32xf32, #tpu.memory_space<vmem>>, vector<16xf32>,
        %add3A_475 = arith.addf %add3A_467, %get3A_474 : vector<16xf32>
        %swap3A = arith.index_cast %scan3A_412 : i32 to index
        %swap3A_476 = arith.constant 0 : index
        %swap3A_477 = tpu.vector_load %arg8[%swap3A, %swap3A_476] {strides = array<i32>} : memref<128x32xf32, #tpu.memory_space<vmem>>, vector<16xf32>,
        tpu.vector_store %arg8[%swap3A, %swap3A_476], %add3A_471 {strides = array<i32>} : memref<128x32xf32, #tpu.memory_space<vmem>>, vector<16xf32>,
        %swap3A_478 = arith.index_cast %scan3A_412 : i32 to index
        %swap3A_479 = arith.constant 16 : index
        %swap3A_480 = tpu.vector_load %arg8[%swap3A_478, %swap3A_479] {strides = array<i32>} : memref<128x32xf32, #tpu.memory_space<vmem>>, vector<16xf32>,
        tpu.vector_store %arg8[%swap3A_478, %swap3A_479], %add3A_475 {strides = array<i32>} : memref<128x32xf32, #tpu.memory_space<vmem>>, vector<16xf32>,
      }
      %scan3A_300 = arith.constant 128 : i32
      %dma_wait3A_301 = arith.constant 6 : i32
      %dma_wait3A_302 = arith.constant 6 : i32
      %dma_wait3A_303 = arith.constant 1 : i32
      %dma_wait3A_304 = arith.constant 0 : i32
      %dma_wait3A_305 = arith.constant 0 : i32
      %dma_wait3A_306 = tpu.memref_slice %arg7[%dma_wait3A_302, %dma_wait3A_304, %dma_wait3A_305] : memref<13x128x16xf32, #tpu.memory_space<vmem>> -> memref<1x128x16xf32, #tpu.memory_space<vmem>>
      %dma_wait3A_307 = tpu.memref_squeeze %dma_wait3A_306 : memref<1x128x16xf32, #tpu.memory_space<vmem>> -> memref<128x16xf32, #tpu.memory_space<vmem>>
      %dma_wait3A_308 = arith.constant 0 : i32
      %dma_wait3A_309 = tpu.memref_slice %arg6[%dma_wait3A_301, %dma_wait3A_308] : memref<13x128xi32, #tpu.memory_space<vmem>> -> memref<1x128xi32, #tpu.memory_space<vmem>>
      %dma_wait3A_310 = tpu.memref_squeeze %dma_wait3A_309 : memref<1x128xi32, #tpu.memory_space<vmem>> -> memref<128xi32, #tpu.memory_space<vmem>>
      %dma_wait3A_311 = arith.constant 0 : i32
      %dma_wait3A_312 = arith.constant 0 : i32
      %dma_wait3A_313 = tpu.memref_slice %arg2[%dma_wait3A_311, %dma_wait3A_312] : memref<1331200x16xf32, #tpu.memory_space<hbm>> -> memref<1331200x16xf32, #tpu.memory_space<hbm>>
      %dma_wait3A_314 = tpu.memref_slice %arg10[%dma_wait3A_303] : memref<2x!tpu.dma_semaphore, #tpu.memory_space<semaphore_mem>> -> memref<1x!tpu.dma_semaphore, #tpu.memory_space<semaphore_mem>>
      %dma_wait3A_315 = tpu.memref_squeeze %dma_wait3A_314 : memref<1x!tpu.dma_semaphore, #tpu.memory_space<semaphore_mem>> -> memref<!tpu.dma_semaphore, #tpu.memory_space<semaphore_mem>>
      tpu.wait_indirect_dma semaphore(%dma_wait3A_315 : memref<!tpu.dma_semaphore, #tpu.memory_space<semaphore_mem>>) src(%dma_wait3A_313 : memref<1331200x16xf32, #tpu.memory_space<hbm>>) dst(%dma_wait3A_307 : memref<128x16xf32, #tpu.memory_space<vmem>>)
      %dma_wait3A_316 = arith.constant 7 : i32
      %dma_wait3A_317 = arith.constant 7 : i32
      %dma_wait3A_318 = arith.constant 1 : i32
      %dma_wait3A_319 = arith.constant 0 : i32
      %dma_wait3A_320 = arith.constant 0 : i32
      %dma_wait3A_321 = tpu.memref_slice %arg7[%dma_wait3A_317, %dma_wait3A_319, %dma_wait3A_320] : memref<13x128x16xf32, #tpu.memory_space<vmem>> -> memref<1x128x16xf32, #tpu.memory_space<vmem>>
      %dma_wait3A_322 = tpu.memref_squeeze %dma_wait3A_321 : memref<1x128x16xf32, #tpu.memory_space<vmem>> -> memref<128x16xf32, #tpu.memory_space<vmem>>
      %dma_wait3A_323 = arith.constant 0 : i32
      %dma_wait3A_324 = tpu.memref_slice %arg6[%dma_wait3A_316, %dma_wait3A_323] : memref<13x128xi32, #tpu.memory_space<vmem>> -> memref<1x128xi32, #tpu.memory_space<vmem>>
      %dma_wait3A_325 = tpu.memref_squeeze %dma_wait3A_324 : memref<1x128xi32, #tpu.memory_space<vmem>> -> memref<128xi32, #tpu.memory_space<vmem>>
      %dma_wait3A_326 = arith.constant 0 : i32
      %dma_wait3A_327 = arith.constant 0 : i32
      %dma_wait3A_328 = tpu.memref_slice %arg2[%dma_wait3A_326, %dma_wait3A_327] : memref<1331200x16xf32, #tpu.memory_space<hbm>> -> memref<1331200x16xf32, #tpu.memory_space<hbm>>
      %dma_wait3A_329 = tpu.memref_slice %arg10[%dma_wait3A_318] : memref<2x!tpu.dma_semaphore, #tpu.memory_space<semaphore_mem>> -> memref<1x!tpu.dma_semaphore, #tpu.memory_space<semaphore_mem>>
      %dma_wait3A_330 = tpu.memref_squeeze %dma_wait3A_329 : memref<1x!tpu.dma_semaphore, #tpu.memory_space<semaphore_mem>> -> memref<!tpu.dma_semaphore, #tpu.memory_space<semaphore_mem>>
      tpu.wait_indirect_dma semaphore(%dma_wait3A_330 : memref<!tpu.dma_semaphore, #tpu.memory_space<semaphore_mem>>) src(%dma_wait3A_328 : memref<1331200x16xf32, #tpu.memory_space<hbm>>) dst(%dma_wait3A_322 : memref<128x16xf32, #tpu.memory_space<vmem>>)
      %dma_wait3A_331 = arith.constant 8 : i32
      %dma_wait3A_332 = arith.constant 8 : i32
      %dma_wait3A_333 = arith.constant 1 : i32
      %dma_wait3A_334 = arith.constant 0 : i32
      %dma_wait3A_335 = arith.constant 0 : i32
      %dma_wait3A_336 = tpu.memref_slice %arg7[%dma_wait3A_332, %dma_wait3A_334, %dma_wait3A_335] : memref<13x128x16xf32, #tpu.memory_space<vmem>> -> memref<1x128x16xf32, #tpu.memory_space<vmem>>
      %dma_wait3A_337 = tpu.memref_squeeze %dma_wait3A_336 : memref<1x128x16xf32, #tpu.memory_space<vmem>> -> memref<128x16xf32, #tpu.memory_space<vmem>>
      %dma_wait3A_338 = arith.constant 0 : i32
      %dma_wait3A_339 = tpu.memref_slice %arg6[%dma_wait3A_331, %dma_wait3A_338] : memref<13x128xi32, #tpu.memory_space<vmem>> -> memref<1x128xi32, #tpu.memory_space<vmem>>
      %dma_wait3A_340 = tpu.memref_squeeze %dma_wait3A_339 : memref<1x128xi32, #tpu.memory_space<vmem>> -> memref<128xi32, #tpu.memory_space<vmem>>
      %dma_wait3A_341 = arith.constant 0 : i32
      %dma_wait3A_342 = arith.constant 0 : i32
      %dma_wait3A_343 = tpu.memref_slice %arg2[%dma_wait3A_341, %dma_wait3A_342] : memref<1331200x16xf32, #tpu.memory_space<hbm>> -> memref<1331200x16xf32, #tpu.memory_space<hbm>>
      %dma_wait3A_344 = tpu.memref_slice %arg10[%dma_wait3A_333] : memref<2x!tpu.dma_semaphore, #tpu.memory_space<semaphore_mem>> -> memref<1x!tpu.dma_semaphore, #tpu.memory_space<semaphore_mem>>
      %dma_wait3A_345 = tpu.memref_squeeze %dma_wait3A_344 : memref<1x!tpu.dma_semaphore, #tpu.memory_space<semaphore_mem>> -> memref<!tpu.dma_semaphore, #tpu.memory_space<semaphore_mem>>
      tpu.wait_indirect_dma semaphore(%dma_wait3A_345 : memref<!tpu.dma_semaphore, #tpu.memory_space<semaphore_mem>>) src(%dma_wait3A_343 : memref<1331200x16xf32, #tpu.memory_space<hbm>>) dst(%dma_wait3A_337 : memref<128x16xf32, #tpu.memory_space<vmem>>)
      %dma_wait3A_346 = arith.constant 9 : i32
      %dma_wait3A_347 = arith.constant 9 : i32
      %dma_wait3A_348 = arith.constant 1 : i32
      %dma_wait3A_349 = arith.constant 0 : i32
      %dma_wait3A_350 = arith.constant 0 : i32
      %dma_wait3A_351 = tpu.memref_slice %arg7[%dma_wait3A_347, %dma_wait3A_349, %dma_wait3A_350] : memref<13x128x16xf32, #tpu.memory_space<vmem>> -> memref<1x128x16xf32, #tpu.memory_space<vmem>>
      %dma_wait3A_352 = tpu.memref_squeeze %dma_wait3A_351 : memref<1x128x16xf32, #tpu.memory_space<vmem>> -> memref<128x16xf32, #tpu.memory_space<vmem>>
      %dma_wait3A_353 = arith.constant 0 : i32
      %dma_wait3A_354 = tpu.memref_slice %arg6[%dma_wait3A_346, %dma_wait3A_353] : memref<13x128xi32, #tpu.memory_space<vmem>> -> memref<1x128xi32, #tpu.memory_space<vmem>>
      %dma_wait3A_355 = tpu.memref_squeeze %dma_wait3A_354 : memref<1x128xi32, #tpu.memory_space<vmem>> -> memref<128xi32, #tpu.memory_space<vmem>>
      %dma_wait3A_356 = arith.constant 0 : i32
      %dma_wait3A_357 = arith.constant 0 : i32
      %dma_wait3A_358 = tpu.memref_slice %arg2[%dma_wait3A_356, %dma_wait3A_357] : memref<1331200x16xf32, #tpu.memory_space<hbm>> -> memref<1331200x16xf32, #tpu.memory_space<hbm>>
      %dma_wait3A_359 = tpu.memref_slice %arg10[%dma_wait3A_348] : memref<2x!tpu.dma_semaphore, #tpu.memory_space<semaphore_mem>> -> memref<1x!tpu.dma_semaphore, #tpu.memory_space<semaphore_mem>>
      %dma_wait3A_360 = tpu.memref_squeeze %dma_wait3A_359 : memref<1x!tpu.dma_semaphore, #tpu.memory_space<semaphore_mem>> -> memref<!tpu.dma_semaphore, #tpu.memory_space<semaphore_mem>>
      tpu.wait_indirect_dma semaphore(%dma_wait3A_360 : memref<!tpu.dma_semaphore, #tpu.memory_space<semaphore_mem>>) src(%dma_wait3A_358 : memref<1331200x16xf32, #tpu.memory_space<hbm>>) dst(%dma_wait3A_352 : memref<128x16xf32, #tpu.memory_space<vmem>>)
      %dma_wait3A_361 = arith.constant 10 : i32
      %dma_wait3A_362 = arith.constant 10 : i32
      %dma_wait3A_363 = arith.constant 1 : i32
      %dma_wait3A_364 = arith.constant 0 : i32
      %dma_wait3A_365 = arith.constant 0 : i32
      %dma_wait3A_366 = tpu.memref_slice %arg7[%dma_wait3A_362, %dma_wait3A_364, %dma_wait3A_365] : memref<13x128x16xf32, #tpu.memory_space<vmem>> -> memref<1x128x16xf32, #tpu.memory_space<vmem>>
      %dma_wait3A_367 = tpu.memref_squeeze %dma_wait3A_366 : memref<1x128x16xf32, #tpu.memory_space<vmem>> -> memref<128x16xf32, #tpu.memory_space<vmem>>
      %dma_wait3A_368 = arith.constant 0 : i32
      %dma_wait3A_369 = tpu.memref_slice %arg6[%dma_wait3A_361, %dma_wait3A_368] : memref<13x128xi32, #tpu.memory_space<vmem>> -> memref<1x128xi32, #tpu.memory_space<vmem>>
      %dma_wait3A_370 = tpu.memref_squeeze %dma_wait3A_369 : memref<1x128xi32, #tpu.memory_space<vmem>> -> memref<128xi32, #tpu.memory_space<vmem>>
      %dma_wait3A_371 = arith.constant 0 : i32
      %dma_wait3A_372 = arith.constant 0 : i32
      %dma_wait3A_373 = tpu.memref_slice %arg2[%dma_wait3A_371, %dma_wait3A_372] : memref<1331200x16xf32, #tpu.memory_space<hbm>> -> memref<1331200x16xf32, #tpu.memory_space<hbm>>
      %dma_wait3A_374 = tpu.memref_slice %arg10[%dma_wait3A_363] : memref<2x!tpu.dma_semaphore, #tpu.memory_space<semaphore_mem>> -> memref<1x!tpu.dma_semaphore, #tpu.memory_space<semaphore_mem>>
      %dma_wait3A_375 = tpu.memref_squeeze %dma_wait3A_374 : memref<1x!tpu.dma_semaphore, #tpu.memory_space<semaphore_mem>> -> memref<!tpu.dma_semaphore, #tpu.memory_space<semaphore_mem>>
      tpu.wait_indirect_dma semaphore(%dma_wait3A_375 : memref<!tpu.dma_semaphore, #tpu.memory_space<semaphore_mem>>) src(%dma_wait3A_373 : memref<1331200x16xf32, #tpu.memory_space<hbm>>) dst(%dma_wait3A_367 : memref<128x16xf32, #tpu.memory_space<vmem>>)
      %dma_wait3A_376 = arith.constant 11 : i32
      %dma_wait3A_377 = arith.constant 11 : i32
      %dma_wait3A_378 = arith.constant 1 : i32
      %dma_wait3A_379 = arith.constant 0 : i32
      %dma_wait3A_380 = arith.constant 0 : i32
      %dma_wait3A_381 = tpu.memref_slice %arg7[%dma_wait3A_377, %dma_wait3A_379, %dma_wait3A_380] : memref<13x128x16xf32, #tpu.memory_space<vmem>> -> memref<1x128x16xf32, #tpu.memory_space<vmem>>
      %dma_wait3A_382 = tpu.memref_squeeze %dma_wait3A_381 : memref<1x128x16xf32, #tpu.memory_space<vmem>> -> memref<128x16xf32, #tpu.memory_space<vmem>>
      %dma_wait3A_383 = arith.constant 0 : i32
      %dma_wait3A_384 = tpu.memref_slice %arg6[%dma_wait3A_376, %dma_wait3A_383] : memref<13x128xi32, #tpu.memory_space<vmem>> -> memref<1x128xi32, #tpu.memory_space<vmem>>
      %dma_wait3A_385 = tpu.memref_squeeze %dma_wait3A_384 : memref<1x128xi32, #tpu.memory_space<vmem>> -> memref<128xi32, #tpu.memory_space<vmem>>
      %dma_wait3A_386 = arith.constant 0 : i32
      %dma_wait3A_387 = arith.constant 0 : i32
      %dma_wait3A_388 = tpu.memref_slice %arg2[%dma_wait3A_386, %dma_wait3A_387] : memref<1331200x16xf32, #tpu.memory_space<hbm>> -> memref<1331200x16xf32, #tpu.memory_space<hbm>>
      %dma_wait3A_389 = tpu.memref_slice %arg10[%dma_wait3A_378] : memref<2x!tpu.dma_semaphore, #tpu.memory_space<semaphore_mem>> -> memref<1x!tpu.dma_semaphore, #tpu.memory_space<semaphore_mem>>
      %dma_wait3A_390 = tpu.memref_squeeze %dma_wait3A_389 : memref<1x!tpu.dma_semaphore, #tpu.memory_space<semaphore_mem>> -> memref<!tpu.dma_semaphore, #tpu.memory_space<semaphore_mem>>
      tpu.wait_indirect_dma semaphore(%dma_wait3A_390 : memref<!tpu.dma_semaphore, #tpu.memory_space<semaphore_mem>>) src(%dma_wait3A_388 : memref<1331200x16xf32, #tpu.memory_space<hbm>>) dst(%dma_wait3A_382 : memref<128x16xf32, #tpu.memory_space<vmem>>)
      %dma_wait3A_391 = arith.constant 12 : i32
      %dma_wait3A_392 = arith.constant 12 : i32
      %dma_wait3A_393 = arith.constant 1 : i32
      %dma_wait3A_394 = arith.constant 0 : i32
      %dma_wait3A_395 = arith.constant 0 : i32
      %dma_wait3A_396 = tpu.memref_slice %arg7[%dma_wait3A_392, %dma_wait3A_394, %dma_wait3A_395] : memref<13x128x16xf32, #tpu.memory_space<vmem>> -> memref<1x128x16xf32, #tpu.memory_space<vmem>>
      %dma_wait3A_397 = tpu.memref_squeeze %dma_wait3A_396 : memref<1x128x16xf32, #tpu.memory_space<vmem>> -> memref<128x16xf32, #tpu.memory_space<vmem>>
      %dma_wait3A_398 = arith.constant 0 : i32
      %dma_wait3A_399 = tpu.memref_slice %arg6[%dma_wait3A_391, %dma_wait3A_398] : memref<13x128xi32, #tpu.memory_space<vmem>> -> memref<1x128xi32, #tpu.memory_space<vmem>>
      %dma_wait3A_400 = tpu.memref_squeeze %dma_wait3A_399 : memref<1x128xi32, #tpu.memory_space<vmem>> -> memref<128xi32, #tpu.memory_space<vmem>>
      %dma_wait3A_401 = arith.constant 0 : i32
      %dma_wait3A_402 = arith.constant 0 : i32
      %dma_wait3A_403 = tpu.memref_slice %arg2[%dma_wait3A_401, %dma_wait3A_402] : memref<1331200x16xf32, #tpu.memory_space<hbm>> -> memref<1331200x16xf32, #tpu.memory_space<hbm>>
      %dma_wait3A_404 = tpu.memref_slice %arg10[%dma_wait3A_393] : memref<2x!tpu.dma_semaphore, #tpu.memory_space<semaphore_mem>> -> memref<1x!tpu.dma_semaphore, #tpu.memory_space<semaphore_mem>>
      %dma_wait3A_405 = tpu.memref_squeeze %dma_wait3A_404 : memref<1x!tpu.dma_semaphore, #tpu.memory_space<semaphore_mem>> -> memref<!tpu.dma_semaphore, #tpu.memory_space<semaphore_mem>>
      tpu.wait_indirect_dma semaphore(%dma_wait3A_405 : memref<!tpu.dma_semaphore, #tpu.memory_space<semaphore_mem>>) src(%dma_wait3A_403 : memref<1331200x16xf32, #tpu.memory_space<hbm>>) dst(%dma_wait3A_397 : memref<128x16xf32, #tpu.memory_space<vmem>>)
      %scan3A_406 = arith.constant 0 : i32
      %scan3A_407 = arith.constant 0 : i32
      %scan3A_408 = arith.constant 128 : i32
      %scan3A_409 = arith.addi %scan3A_407, %scan3A_408 : i32
      %scan3A_410 = arith.constant 1 : i32
      scf.for %scan3A_412 = %scan3A_407 to %scan3A_409 step %scan3A_410  : i32 {
        %get3A = arith.constant 6 : i32
        %get3A_413 = arith.index_cast %get3A : i32 to index
        %get3A_414 = arith.index_cast %scan3A_412 : i32 to index
        %get3A_415 = arith.constant 0 : index
        %get3A_416 = tpu.vector_load %arg7[%get3A_413, %get3A_414, %get3A_415] {strides = array<i32>} : memref<13x128x16xf32, #tpu.memory_space<vmem>>, vector<16xf32>,
        %bitcast3A = vector.bitcast %get3A_416 : vector<16xf32> to vector<32xbf16>
        %unpack3A = tpu.unpack_subelements %bitcast3A, 0 {pack_format = #tpu.pack_format<interleaved>} : vector<32xbf16> -> vector<16xf32>
        %unpack3A_417 = tpu.unpack_subelements %bitcast3A, 1 {pack_format = #tpu.pack_format<interleaved>} : vector<32xbf16> -> vector<16xf32>
        %get3A_418 = arith.constant 7 : i32
        %get3A_419 = arith.index_cast %get3A_418 : i32 to index
        %get3A_420 = arith.index_cast %scan3A_412 : i32 to index
        %get3A_421 = arith.constant 0 : index
        %get3A_422 = tpu.vector_load %arg7[%get3A_419, %get3A_420, %get3A_421] {strides = array<i32>} : memref<13x128x16xf32, #tpu.memory_space<vmem>>, vector<16xf32>,
        %bitcast3A_423 = vector.bitcast %get3A_422 : vector<16xf32> to vector<32xbf16>
        %unpack3A_424 = tpu.unpack_subelements %bitcast3A_423, 0 {pack_format = #tpu.pack_format<interleaved>} : vector<32xbf16> -> vector<16xf32>
        %unpack3A_425 = tpu.unpack_subelements %bitcast3A_423, 1 {pack_format = #tpu.pack_format<interleaved>} : vector<32xbf16> -> vector<16xf32>
        %add3A_426 = arith.addf %unpack3A, %unpack3A_424 : vector<16xf32>
        %add3A_427 = arith.addf %unpack3A_417, %unpack3A_425 : vector<16xf32>
        %get3A_428 = arith.constant 8 : i32
        %get3A_429 = arith.index_cast %get3A_428 : i32 to index
        %get3A_430 = arith.index_cast %scan3A_412 : i32 to index
        %get3A_431 = arith.constant 0 : index
        %get3A_432 = tpu.vector_load %arg7[%get3A_429, %get3A_430, %get3A_431] {strides = array<i32>} : memref<13x128x16xf32, #tpu.memory_space<vmem>>, vector<16xf32>,
        %bitcast3A_433 = vector.bitcast %get3A_432 : vector<16xf32> to vector<32xbf16>
        %unpack3A_434 = tpu.unpack_subelements %bitcast3A_433, 0 {pack_format = #tpu.pack_format<interleaved>} : vector<32xbf16> -> vector<16xf32>
        %unpack3A_435 = tpu.unpack_subelements %bitcast3A_433, 1 {pack_format = #tpu.pack_format<interleaved>} : vector<32xbf16> -> vector<16xf32>
        %add3A_436 = arith.addf %add3A_426, %unpack3A_434 : vector<16xf32>
        %add3A_437 = arith.addf %add3A_427, %unpack3A_435 : vector<16xf32>
        %get3A_438 = arith.constant 9 : i32
        %get3A_439 = arith.index_cast %get3A_438 : i32 to index
        %get3A_440 = arith.index_cast %scan3A_412 : i32 to index
        %get3A_441 = arith.constant 0 : index
        %get3A_442 = tpu.vector_load %arg7[%get3A_439, %get3A_440, %get3A_441] {strides = array<i32>} : memref<13x128x16xf32, #tpu.memory_space<vmem>>, vector<16xf32>,
        %bitcast3A_443 = vector.bitcast %get3A_442 : vector<16xf32> to vector<32xbf16>
        %unpack3A_444 = tpu.unpack_subelements %bitcast3A_443, 0 {pack_format = #tpu.pack_format<interleaved>} : vector<32xbf16> -> vector<16xf32>
        %unpack3A_445 = tpu.unpack_subelements %bitcast3A_443, 1 {pack_format = #tpu.pack_format<interleaved>} : vector<32xbf16> -> vector<16xf32>
        %add3A_446 = arith.addf %add3A_436, %unpack3A_444 : vector<16xf32>
        %add3A_447 = arith.addf %add3A_437, %unpack3A_445 : vector<16xf32>
        %get3A_448 = arith.constant 10 : i32
        %get3A_449 = arith.index_cast %get3A_448 : i32 to index
        %get3A_450 = arith.index_cast %scan3A_412 : i32 to index
        %get3A_451 = arith.constant 0 : index
        %get3A_452 = tpu.vector_load %arg7[%get3A_449, %get3A_450, %get3A_451] {strides = array<i32>} : memref<13x128x16xf32, #tpu.memory_space<vmem>>, vector<16xf32>,
        %bitcast3A_453 = vector.bitcast %get3A_452 : vector<16xf32> to vector<32xbf16>
        %unpack3A_454 = tpu.unpack_subelements %bitcast3A_453, 0 {pack_format = #tpu.pack_format<interleaved>} : vector<32xbf16> -> vector<16xf32>
        %unpack3A_455 = tpu.unpack_subelements %bitcast3A_453, 1 {pack_format = #tpu.pack_format<interleaved>} : vector<32xbf16> -> vector<16xf32>
        %add3A_456 = arith.addf %add3A_446, %unpack3A_454 : vector<16xf32>
        %add3A_457 = arith.addf %add3A_447, %unpack3A_455 : vector<16xf32>
        %get3A_458 = arith.constant 11 : i32
        %get3A_459 = arith.index_cast %get3A_458 : i32 to index
        %get3A_460 = arith.index_cast %scan3A_412 : i32 to index
        %get3A_461 = arith.constant 0 : index
        %get3A_462 = tpu.vector_load %arg7[%get3A_459, %get3A_460, %get3A_461] {strides = array<i32>} : memref<13x128x16xf32, #tpu.memory_space<vmem>>, vector<16xf32>,
        %bitcast3A_463 = vector.bitcast %get3A_462 : vector<16xf32> to vector<32xbf16>
        %unpack3A_464 = tpu.unpack_subelements %bitcast3A_463, 0 {pack_format = #tpu.pack_format<interleaved>} : vector<32xbf16> -> vector<16xf32>
        %unpack3A_465 = tpu.unpack_subelements %bitcast3A_463, 1 {pack_format = #tpu.pack_format<interleaved>} : vector<32xbf16> -> vector<16xf32>
        %add3A_466 = arith.addf %add3A_456, %unpack3A_464 : vector<16xf32>
        %add3A_467 = arith.addf %add3A_457, %unpack3A_465 : vector<16xf32>
        %get3A_468 = arith.constant 12 : i32
        %get3A_469 = arith.index_cast %get3A_468 : i32 to index
        %get3A_470 = arith.index_cast %scan3A_412 : i32 to index
        %get3A_471 = arith.constant 0 : index
        %get3A_472 = tpu.vector_load %arg7[%get3A_469, %get3A_470, %get3A_471] {strides = array<i32>} : memref<13x128x16xf32, #tpu.memory_space<vmem>>, vector<16xf32>,
        %bitcast3A_473 = vector.bitcast %get3A_472 : vector<16xf32> to vector<32xbf16>
        %unpack3A_474 = tpu.unpack_subelements %bitcast3A_473, 0 {pack_format = #tpu.pack_format<interleaved>} : vector<32xbf16> -> vector<16xf32>
        %unpack3A_475 = tpu.unpack_subelements %bitcast3A_473, 1 {pack_format = #tpu.pack_format<interleaved>} : vector<32xbf16> -> vector<16xf32>
        %add3A_476 = arith.addf %add3A_466, %unpack3A_474 : vector<16xf32>
        %add3A_477 = arith.addf %add3A_467, %unpack3A_475 : vector<16xf32>
        %get3A_478 = arith.index_cast %scan3A_412 : i32 to index
        %get3A_479 = arith.constant 0 : index
        %get3A_480 = tpu.vector_load %arg8[%get3A_478, %get3A_479] {strides = array<i32>} : memref<128x32xf32, #tpu.memory_space<vmem>>, vector<16xf32>,
        %add3A_481 = arith.addf %get3A_480, %add3A_476 : vector<16xf32>
        %swap3A = arith.index_cast %scan3A_412 : i32 to index
        %swap3A_482 = arith.constant 0 : index
        %swap3A_483 = tpu.vector_load %arg8[%swap3A, %swap3A_482] {strides = array<i32>} : memref<128x32xf32, #tpu.memory_space<vmem>>, vector<16xf32>,
        tpu.vector_store %arg8[%swap3A, %swap3A_482], %add3A_481 {strides = array<i32>} : memref<128x32xf32, #tpu.memory_space<vmem>>, vector<16xf32>,
        %get3A_484 = arith.index_cast %scan3A_412 : i32 to index
        %get3A_485 = arith.constant 16 : index
        %get3A_486 = tpu.vector_load %arg8[%get3A_484, %get3A_485] {strides = array<i32>} : memref<128x32xf32, #tpu.memory_space<vmem>>, vector<16xf32>,
        %add3A_487 = arith.addf %get3A_486, %add3A_477 : vector<16xf32>
        %swap3A_488 = arith.index_cast %scan3A_412 : i32 to index
        %swap3A_489 = arith.constant 16 : index
        %swap3A_490 = tpu.vector_load %arg8[%swap3A_488, %swap3A_489] {strides = array<i32>} : memref<128x32xf32, #tpu.memory_space<vmem>>, vector<16xf32>,
        tpu.vector_store %arg8[%swap3A_488, %swap3A_489], %add3A_487 {strides = array<i32>} : memref<128x32xf32, #tpu.memory_space<vmem>>, vector<16xf32>,
      }
      %scan3A_411 = arith.constant 128 : i32
      "tpu.region"() ({
        %run_scoped3A = tpu.sem_alloc : memref<!tpu.dma_semaphore, #tpu.memory_space<semaphore_mem>>
        %dma_start3A_412 = arith.constant 0 : i32
        %dma_start3A_413 = tpu.memref_slice %arg5[%add3A_11, %dma_start3A_412] : memref<102400x32xf32, #tpu.memory_space<hbm>> -> memref<128x32xf32, #tpu.memory_space<hbm>>
        %dma_start3A_414 = arith.constant 0 : i32
        %dma_start3A_415 = tpu.memref_slice %arg5[%add3A_11, %dma_start3A_414] : memref<102400x32xf32, #tpu.memory_space<hbm>> -> memref<128x32xf32, #tpu.memory_space<hbm>>
        tpu.enqueue_dma source(%arg8 : memref<128x32xf32, #tpu.memory_space<vmem>>) target(%dma_start3A_415 : memref<128x32xf32, #tpu.memory_space<hbm>>) target_semaphore(%run_scoped3A : memref<!tpu.dma_semaphore, #tpu.memory_space<semaphore_mem>>)
        %dma_wait3A_416 = arith.constant 0 : i32
        %dma_wait3A_417 = tpu.memref_slice %arg5[%add3A_11, %dma_wait3A_416] : memref<102400x32xf32, #tpu.memory_space<hbm>> -> memref<128x32xf32, #tpu.memory_space<hbm>>
        %dma_wait3A_418 = arith.constant 0 : i32
        %dma_wait3A_419 = tpu.memref_slice %arg5[%add3A_11, %dma_wait3A_418] : memref<102400x32xf32, #tpu.memory_space<hbm>> -> memref<128x32xf32, #tpu.memory_space<hbm>>
        tpu.wait_dma2 semaphore(%run_scoped3A : memref<!tpu.dma_semaphore, #tpu.memory_space<semaphore_mem>>) src(%arg8 : memref<128x32xf32, #tpu.memory_space<vmem>>) dst(%dma_wait3A_419 : memref<128x32xf32, #tpu.memory_space<hbm>>)
        tpu.yield
      }) : () -> ()
    }
    %scan3A_5 = arith.constant 25 : i32
    return
  }
}

#map = affine_map<(d0, d1) -> (0, 0)>
#map1 = affine_map<(d0, d1) -> (0, 0, 0, 0)>
module attributes {stable_mosaic.version = 14 : i64} {
  func.func @body(%arg0: i32, %arg1: i32, %arg2: memref<1433600x16xf32, #tpu.memory_space<hbm>>, %arg3: memref<32x25x14x128xi32, #tpu.memory_space<hbm>>, %arg4: memref<102400x32xf32, #tpu.memory_space<hbm>>, %arg5: memref<14x128xi32, #tpu.memory_space<vmem>>, %arg6: memref<14x128x16xf32, #tpu.memory_space<vmem>>, %arg7: memref<128x32xf32, #tpu.memory_space<vmem>>, %arg8: memref<2x!tpu.dma_semaphore, #tpu.memory_space<semaphore_mem>>) attributes {dimension_semantics = [#tpu.dimension_semantics<core_parallel>, #tpu.dimension_semantics<subcore_parallel>], iteration_bounds = array<i64: 2, 16>, scalar_prefetch = 0 : i64, scratch_operands = 4 : i64, tpu.core_type = #tpu.core_type<sc_vector_subcore>, window_params = [{transform_indices = #map}, {transform_indices = #map1}, {transform_indices = #map}]} {
    %mul3A = arith.constant 2 : i32
    %mul3A_0 = arith.muli %arg1, %mul3A : i32
    %add3A = arith.addi %mul3A_0, %arg0 : i32
    %scan3A = arith.constant 0 : i32
    %scan3A_1 = arith.constant 0 : i32
    %scan3A_2 = arith.constant 25 : i32
    %scan3A_3 = arith.addi %scan3A_1, %scan3A_2 : i32
    %scan3A_4 = arith.constant 1 : i32
    scf.for %scan3A_6 = %scan3A_1 to %scan3A_3 step %scan3A_4  : i32 {
      %mul3A_7 = arith.constant 3200 : i32
      %mul3A_8 = arith.muli %add3A, %mul3A_7 : i32
      %mul3A_9 = arith.constant 128 : i32
      %mul3A_10 = arith.muli %scan3A_6, %mul3A_9 : i32
      %add3A_11 = arith.addi %mul3A_8, %mul3A_10 : i32
      "tpu.region"() ({
        %run_scoped3A = tpu.sem_alloc : memref<!tpu.dma_semaphore, #tpu.memory_space<semaphore_mem>>
        %dma_start3A_442 = arith.constant 0 : i32
        %dma_start3A_443 = arith.constant 0 : i32
        %dma_start3A_444 = tpu.memref_slice %arg3[%add3A, %scan3A_6, %dma_start3A_442, %dma_start3A_443] : memref<32x25x14x128xi32, #tpu.memory_space<hbm>> -> memref<1x1x14x128xi32, #tpu.memory_space<hbm>>
        %dma_start3A_445 = tpu.memref_squeeze %dma_start3A_444 : memref<1x1x14x128xi32, #tpu.memory_space<hbm>> -> memref<14x128xi32, #tpu.memory_space<hbm>>
        %dma_start3A_446 = arith.constant 0 : i32
        %dma_start3A_447 = arith.constant 0 : i32
        %dma_start3A_448 = tpu.memref_slice %arg3[%add3A, %scan3A_6, %dma_start3A_446, %dma_start3A_447] : memref<32x25x14x128xi32, #tpu.memory_space<hbm>> -> memref<1x1x14x128xi32, #tpu.memory_space<hbm>>
        %dma_start3A_449 = tpu.memref_squeeze %dma_start3A_448 : memref<1x1x14x128xi32, #tpu.memory_space<hbm>> -> memref<14x128xi32, #tpu.memory_space<hbm>>
        tpu.enqueue_dma source(%dma_start3A_449 : memref<14x128xi32, #tpu.memory_space<hbm>>) target(%arg5 : memref<14x128xi32, #tpu.memory_space<vmem>>) target_semaphore(%run_scoped3A : memref<!tpu.dma_semaphore, #tpu.memory_space<semaphore_mem>>)
        %dma_wait3A_450 = arith.constant 0 : i32
        %dma_wait3A_451 = arith.constant 0 : i32
        %dma_wait3A_452 = tpu.memref_slice %arg3[%add3A, %scan3A_6, %dma_wait3A_450, %dma_wait3A_451] : memref<32x25x14x128xi32, #tpu.memory_space<hbm>> -> memref<1x1x14x128xi32, #tpu.memory_space<hbm>>
        %dma_wait3A_453 = tpu.memref_squeeze %dma_wait3A_452 : memref<1x1x14x128xi32, #tpu.memory_space<hbm>> -> memref<14x128xi32, #tpu.memory_space<hbm>>
        %dma_wait3A_454 = arith.constant 0 : i32
        %dma_wait3A_455 = arith.constant 0 : i32
        %dma_wait3A_456 = tpu.memref_slice %arg3[%add3A, %scan3A_6, %dma_wait3A_454, %dma_wait3A_455] : memref<32x25x14x128xi32, #tpu.memory_space<hbm>> -> memref<1x1x14x128xi32, #tpu.memory_space<hbm>>
        %dma_wait3A_457 = tpu.memref_squeeze %dma_wait3A_456 : memref<1x1x14x128xi32, #tpu.memory_space<hbm>> -> memref<14x128xi32, #tpu.memory_space<hbm>>
        tpu.wait_dma2 semaphore(%run_scoped3A : memref<!tpu.dma_semaphore, #tpu.memory_space<semaphore_mem>>) src(%dma_wait3A_457 : memref<14x128xi32, #tpu.memory_space<hbm>>) dst(%arg5 : memref<14x128xi32, #tpu.memory_space<vmem>>)
        tpu.yield
      }) : () -> ()
      %dma_start3A = arith.constant 0 : i32
      %dma_start3A_12 = arith.constant 0 : i32
      %dma_start3A_13 = arith.constant 0 : i32
      %dma_start3A_14 = arith.constant 0 : i32
      %dma_start3A_15 = arith.constant 0 : i32
      %dma_start3A_16 = tpu.memref_slice %arg6[%dma_start3A_12, %dma_start3A_14, %dma_start3A_15] : memref<14x128x16xf32, #tpu.memory_space<vmem>> -> memref<1x128x16xf32, #tpu.memory_space<vmem>>
      %dma_start3A_17 = tpu.memref_squeeze %dma_start3A_16 : memref<1x128x16xf32, #tpu.memory_space<vmem>> -> memref<128x16xf32, #tpu.memory_space<vmem>>
      %dma_start3A_18 = arith.constant 0 : i32
      %dma_start3A_19 = tpu.memref_slice %arg5[%dma_start3A, %dma_start3A_18] : memref<14x128xi32, #tpu.memory_space<vmem>> -> memref<1x128xi32, #tpu.memory_space<vmem>>
      %dma_start3A_20 = tpu.memref_squeeze %dma_start3A_19 : memref<1x128xi32, #tpu.memory_space<vmem>> -> memref<128xi32, #tpu.memory_space<vmem>>
      %dma_start3A_21 = arith.constant 0 : i32
      %dma_start3A_22 = arith.constant 0 : i32
      %dma_start3A_23 = tpu.memref_slice %arg2[%dma_start3A_21, %dma_start3A_22] : memref<1433600x16xf32, #tpu.memory_space<hbm>> -> memref<1433600x16xf32, #tpu.memory_space<hbm>>
      %dma_start3A_24 = tpu.memref_slice %arg8[%dma_start3A_13] : memref<2x!tpu.dma_semaphore, #tpu.memory_space<semaphore_mem>> -> memref<1x!tpu.dma_semaphore, #tpu.memory_space<semaphore_mem>>
      %dma_start3A_25 = tpu.memref_squeeze %dma_start3A_24 : memref<1x!tpu.dma_semaphore, #tpu.memory_space<semaphore_mem>> -> memref<!tpu.dma_semaphore, #tpu.memory_space<semaphore_mem>>
      tpu.enqueue_indirect_dma source(%dma_start3A_23 : memref<1433600x16xf32, #tpu.memory_space<hbm>>) target(%dma_start3A_17 : memref<128x16xf32, #tpu.memory_space<vmem>>) offsets(%dma_start3A_20 : memref<128xi32, #tpu.memory_space<vmem>>) semaphore(%dma_start3A_25 : memref<!tpu.dma_semaphore, #tpu.memory_space<semaphore_mem>>)
      %dma_start3A_26 = arith.constant 1 : i32
      %dma_start3A_27 = arith.constant 1 : i32
      %dma_start3A_28 = arith.constant 0 : i32
      %dma_start3A_29 = arith.constant 0 : i32
      %dma_start3A_30 = arith.constant 0 : i32
      %dma_start3A_31 = tpu.memref_slice %arg6[%dma_start3A_27, %dma_start3A_29, %dma_start3A_30] : memref<14x128x16xf32, #tpu.memory_space<vmem>> -> memref<1x128x16xf32, #tpu.memory_space<vmem>>
      %dma_start3A_32 = tpu.memref_squeeze %dma_start3A_31 : memref<1x128x16xf32, #tpu.memory_space<vmem>> -> memref<128x16xf32, #tpu.memory_space<vmem>>
      %dma_start3A_33 = arith.constant 0 : i32
      %dma_start3A_34 = tpu.memref_slice %arg5[%dma_start3A_26, %dma_start3A_33] : memref<14x128xi32, #tpu.memory_space<vmem>> -> memref<1x128xi32, #tpu.memory_space<vmem>>
      %dma_start3A_35 = tpu.memref_squeeze %dma_start3A_34 : memref<1x128xi32, #tpu.memory_space<vmem>> -> memref<128xi32, #tpu.memory_space<vmem>>
      %dma_start3A_36 = arith.constant 0 : i32
      %dma_start3A_37 = arith.constant 0 : i32
      %dma_start3A_38 = tpu.memref_slice %arg2[%dma_start3A_36, %dma_start3A_37] : memref<1433600x16xf32, #tpu.memory_space<hbm>> -> memref<1433600x16xf32, #tpu.memory_space<hbm>>
      %dma_start3A_39 = tpu.memref_slice %arg8[%dma_start3A_28] : memref<2x!tpu.dma_semaphore, #tpu.memory_space<semaphore_mem>> -> memref<1x!tpu.dma_semaphore, #tpu.memory_space<semaphore_mem>>
      %dma_start3A_40 = tpu.memref_squeeze %dma_start3A_39 : memref<1x!tpu.dma_semaphore, #tpu.memory_space<semaphore_mem>> -> memref<!tpu.dma_semaphore, #tpu.memory_space<semaphore_mem>>
      tpu.enqueue_indirect_dma source(%dma_start3A_38 : memref<1433600x16xf32, #tpu.memory_space<hbm>>) target(%dma_start3A_32 : memref<128x16xf32, #tpu.memory_space<vmem>>) offsets(%dma_start3A_35 : memref<128xi32, #tpu.memory_space<vmem>>) semaphore(%dma_start3A_40 : memref<!tpu.dma_semaphore, #tpu.memory_space<semaphore_mem>>)
      %dma_start3A_41 = arith.constant 2 : i32
      %dma_start3A_42 = arith.constant 2 : i32
      %dma_start3A_43 = arith.constant 0 : i32
      %dma_start3A_44 = arith.constant 0 : i32
      %dma_start3A_45 = arith.constant 0 : i32
      %dma_start3A_46 = tpu.memref_slice %arg6[%dma_start3A_42, %dma_start3A_44, %dma_start3A_45] : memref<14x128x16xf32, #tpu.memory_space<vmem>> -> memref<1x128x16xf32, #tpu.memory_space<vmem>>
      %dma_start3A_47 = tpu.memref_squeeze %dma_start3A_46 : memref<1x128x16xf32, #tpu.memory_space<vmem>> -> memref<128x16xf32, #tpu.memory_space<vmem>>
      %dma_start3A_48 = arith.constant 0 : i32
      %dma_start3A_49 = tpu.memref_slice %arg5[%dma_start3A_41, %dma_start3A_48] : memref<14x128xi32, #tpu.memory_space<vmem>> -> memref<1x128xi32, #tpu.memory_space<vmem>>
      %dma_start3A_50 = tpu.memref_squeeze %dma_start3A_49 : memref<1x128xi32, #tpu.memory_space<vmem>> -> memref<128xi32, #tpu.memory_space<vmem>>
      %dma_start3A_51 = arith.constant 0 : i32
      %dma_start3A_52 = arith.constant 0 : i32
      %dma_start3A_53 = tpu.memref_slice %arg2[%dma_start3A_51, %dma_start3A_52] : memref<1433600x16xf32, #tpu.memory_space<hbm>> -> memref<1433600x16xf32, #tpu.memory_space<hbm>>
      %dma_start3A_54 = tpu.memref_slice %arg8[%dma_start3A_43] : memref<2x!tpu.dma_semaphore, #tpu.memory_space<semaphore_mem>> -> memref<1x!tpu.dma_semaphore, #tpu.memory_space<semaphore_mem>>
      %dma_start3A_55 = tpu.memref_squeeze %dma_start3A_54 : memref<1x!tpu.dma_semaphore, #tpu.memory_space<semaphore_mem>> -> memref<!tpu.dma_semaphore, #tpu.memory_space<semaphore_mem>>
      tpu.enqueue_indirect_dma source(%dma_start3A_53 : memref<1433600x16xf32, #tpu.memory_space<hbm>>) target(%dma_start3A_47 : memref<128x16xf32, #tpu.memory_space<vmem>>) offsets(%dma_start3A_50 : memref<128xi32, #tpu.memory_space<vmem>>) semaphore(%dma_start3A_55 : memref<!tpu.dma_semaphore, #tpu.memory_space<semaphore_mem>>)
      %dma_start3A_56 = arith.constant 3 : i32
      %dma_start3A_57 = arith.constant 3 : i32
      %dma_start3A_58 = arith.constant 0 : i32
      %dma_start3A_59 = arith.constant 0 : i32
      %dma_start3A_60 = arith.constant 0 : i32
      %dma_start3A_61 = tpu.memref_slice %arg6[%dma_start3A_57, %dma_start3A_59, %dma_start3A_60] : memref<14x128x16xf32, #tpu.memory_space<vmem>> -> memref<1x128x16xf32, #tpu.memory_space<vmem>>
      %dma_start3A_62 = tpu.memref_squeeze %dma_start3A_61 : memref<1x128x16xf32, #tpu.memory_space<vmem>> -> memref<128x16xf32, #tpu.memory_space<vmem>>
      %dma_start3A_63 = arith.constant 0 : i32
      %dma_start3A_64 = tpu.memref_slice %arg5[%dma_start3A_56, %dma_start3A_63] : memref<14x128xi32, #tpu.memory_space<vmem>> -> memref<1x128xi32, #tpu.memory_space<vmem>>
      %dma_start3A_65 = tpu.memref_squeeze %dma_start3A_64 : memref<1x128xi32, #tpu.memory_space<vmem>> -> memref<128xi32, #tpu.memory_space<vmem>>
      %dma_start3A_66 = arith.constant 0 : i32
      %dma_start3A_67 = arith.constant 0 : i32
      %dma_start3A_68 = tpu.memref_slice %arg2[%dma_start3A_66, %dma_start3A_67] : memref<1433600x16xf32, #tpu.memory_space<hbm>> -> memref<1433600x16xf32, #tpu.memory_space<hbm>>
      %dma_start3A_69 = tpu.memref_slice %arg8[%dma_start3A_58] : memref<2x!tpu.dma_semaphore, #tpu.memory_space<semaphore_mem>> -> memref<1x!tpu.dma_semaphore, #tpu.memory_space<semaphore_mem>>
      %dma_start3A_70 = tpu.memref_squeeze %dma_start3A_69 : memref<1x!tpu.dma_semaphore, #tpu.memory_space<semaphore_mem>> -> memref<!tpu.dma_semaphore, #tpu.memory_space<semaphore_mem>>
      tpu.enqueue_indirect_dma source(%dma_start3A_68 : memref<1433600x16xf32, #tpu.memory_space<hbm>>) target(%dma_start3A_62 : memref<128x16xf32, #tpu.memory_space<vmem>>) offsets(%dma_start3A_65 : memref<128xi32, #tpu.memory_space<vmem>>) semaphore(%dma_start3A_70 : memref<!tpu.dma_semaphore, #tpu.memory_space<semaphore_mem>>)
      %dma_start3A_71 = arith.constant 4 : i32
      %dma_start3A_72 = arith.constant 4 : i32
      %dma_start3A_73 = arith.constant 0 : i32
      %dma_start3A_74 = arith.constant 0 : i32
      %dma_start3A_75 = arith.constant 0 : i32
      %dma_start3A_76 = tpu.memref_slice %arg6[%dma_start3A_72, %dma_start3A_74, %dma_start3A_75] : memref<14x128x16xf32, #tpu.memory_space<vmem>> -> memref<1x128x16xf32, #tpu.memory_space<vmem>>
      %dma_start3A_77 = tpu.memref_squeeze %dma_start3A_76 : memref<1x128x16xf32, #tpu.memory_space<vmem>> -> memref<128x16xf32, #tpu.memory_space<vmem>>
      %dma_start3A_78 = arith.constant 0 : i32
      %dma_start3A_79 = tpu.memref_slice %arg5[%dma_start3A_71, %dma_start3A_78] : memref<14x128xi32, #tpu.memory_space<vmem>> -> memref<1x128xi32, #tpu.memory_space<vmem>>
      %dma_start3A_80 = tpu.memref_squeeze %dma_start3A_79 : memref<1x128xi32, #tpu.memory_space<vmem>> -> memref<128xi32, #tpu.memory_space<vmem>>
      %dma_start3A_81 = arith.constant 0 : i32
      %dma_start3A_82 = arith.constant 0 : i32
      %dma_start3A_83 = tpu.memref_slice %arg2[%dma_start3A_81, %dma_start3A_82] : memref<1433600x16xf32, #tpu.memory_space<hbm>> -> memref<1433600x16xf32, #tpu.memory_space<hbm>>
      %dma_start3A_84 = tpu.memref_slice %arg8[%dma_start3A_73] : memref<2x!tpu.dma_semaphore, #tpu.memory_space<semaphore_mem>> -> memref<1x!tpu.dma_semaphore, #tpu.memory_space<semaphore_mem>>
      %dma_start3A_85 = tpu.memref_squeeze %dma_start3A_84 : memref<1x!tpu.dma_semaphore, #tpu.memory_space<semaphore_mem>> -> memref<!tpu.dma_semaphore, #tpu.memory_space<semaphore_mem>>
      tpu.enqueue_indirect_dma source(%dma_start3A_83 : memref<1433600x16xf32, #tpu.memory_space<hbm>>) target(%dma_start3A_77 : memref<128x16xf32, #tpu.memory_space<vmem>>) offsets(%dma_start3A_80 : memref<128xi32, #tpu.memory_space<vmem>>) semaphore(%dma_start3A_85 : memref<!tpu.dma_semaphore, #tpu.memory_space<semaphore_mem>>)
      %dma_start3A_86 = arith.constant 5 : i32
      %dma_start3A_87 = arith.constant 5 : i32
      %dma_start3A_88 = arith.constant 0 : i32
      %dma_start3A_89 = arith.constant 0 : i32
      %dma_start3A_90 = arith.constant 0 : i32
      %dma_start3A_91 = tpu.memref_slice %arg6[%dma_start3A_87, %dma_start3A_89, %dma_start3A_90] : memref<14x128x16xf32, #tpu.memory_space<vmem>> -> memref<1x128x16xf32, #tpu.memory_space<vmem>>
      %dma_start3A_92 = tpu.memref_squeeze %dma_start3A_91 : memref<1x128x16xf32, #tpu.memory_space<vmem>> -> memref<128x16xf32, #tpu.memory_space<vmem>>
      %dma_start3A_93 = arith.constant 0 : i32
      %dma_start3A_94 = tpu.memref_slice %arg5[%dma_start3A_86, %dma_start3A_93] : memref<14x128xi32, #tpu.memory_space<vmem>> -> memref<1x128xi32, #tpu.memory_space<vmem>>
      %dma_start3A_95 = tpu.memref_squeeze %dma_start3A_94 : memref<1x128xi32, #tpu.memory_space<vmem>> -> memref<128xi32, #tpu.memory_space<vmem>>
      %dma_start3A_96 = arith.constant 0 : i32
      %dma_start3A_97 = arith.constant 0 : i32
      %dma_start3A_98 = tpu.memref_slice %arg2[%dma_start3A_96, %dma_start3A_97] : memref<1433600x16xf32, #tpu.memory_space<hbm>> -> memref<1433600x16xf32, #tpu.memory_space<hbm>>
      %dma_start3A_99 = tpu.memref_slice %arg8[%dma_start3A_88] : memref<2x!tpu.dma_semaphore, #tpu.memory_space<semaphore_mem>> -> memref<1x!tpu.dma_semaphore, #tpu.memory_space<semaphore_mem>>
      %dma_start3A_100 = tpu.memref_squeeze %dma_start3A_99 : memref<1x!tpu.dma_semaphore, #tpu.memory_space<semaphore_mem>> -> memref<!tpu.dma_semaphore, #tpu.memory_space<semaphore_mem>>
      tpu.enqueue_indirect_dma source(%dma_start3A_98 : memref<1433600x16xf32, #tpu.memory_space<hbm>>) target(%dma_start3A_92 : memref<128x16xf32, #tpu.memory_space<vmem>>) offsets(%dma_start3A_95 : memref<128xi32, #tpu.memory_space<vmem>>) semaphore(%dma_start3A_100 : memref<!tpu.dma_semaphore, #tpu.memory_space<semaphore_mem>>)
      %dma_start3A_101 = arith.constant 6 : i32
      %dma_start3A_102 = arith.constant 6 : i32
      %dma_start3A_103 = arith.constant 0 : i32
      %dma_start3A_104 = arith.constant 0 : i32
      %dma_start3A_105 = arith.constant 0 : i32
      %dma_start3A_106 = tpu.memref_slice %arg6[%dma_start3A_102, %dma_start3A_104, %dma_start3A_105] : memref<14x128x16xf32, #tpu.memory_space<vmem>> -> memref<1x128x16xf32, #tpu.memory_space<vmem>>
      %dma_start3A_107 = tpu.memref_squeeze %dma_start3A_106 : memref<1x128x16xf32, #tpu.memory_space<vmem>> -> memref<128x16xf32, #tpu.memory_space<vmem>>
      %dma_start3A_108 = arith.constant 0 : i32
      %dma_start3A_109 = tpu.memref_slice %arg5[%dma_start3A_101, %dma_start3A_108] : memref<14x128xi32, #tpu.memory_space<vmem>> -> memref<1x128xi32, #tpu.memory_space<vmem>>
      %dma_start3A_110 = tpu.memref_squeeze %dma_start3A_109 : memref<1x128xi32, #tpu.memory_space<vmem>> -> memref<128xi32, #tpu.memory_space<vmem>>
      %dma_start3A_111 = arith.constant 0 : i32
      %dma_start3A_112 = arith.constant 0 : i32
      %dma_start3A_113 = tpu.memref_slice %arg2[%dma_start3A_111, %dma_start3A_112] : memref<1433600x16xf32, #tpu.memory_space<hbm>> -> memref<1433600x16xf32, #tpu.memory_space<hbm>>
      %dma_start3A_114 = tpu.memref_slice %arg8[%dma_start3A_103] : memref<2x!tpu.dma_semaphore, #tpu.memory_space<semaphore_mem>> -> memref<1x!tpu.dma_semaphore, #tpu.memory_space<semaphore_mem>>
      %dma_start3A_115 = tpu.memref_squeeze %dma_start3A_114 : memref<1x!tpu.dma_semaphore, #tpu.memory_space<semaphore_mem>> -> memref<!tpu.dma_semaphore, #tpu.memory_space<semaphore_mem>>
      tpu.enqueue_indirect_dma source(%dma_start3A_113 : memref<1433600x16xf32, #tpu.memory_space<hbm>>) target(%dma_start3A_107 : memref<128x16xf32, #tpu.memory_space<vmem>>) offsets(%dma_start3A_110 : memref<128xi32, #tpu.memory_space<vmem>>) semaphore(%dma_start3A_115 : memref<!tpu.dma_semaphore, #tpu.memory_space<semaphore_mem>>)
      %dma_start3A_116 = arith.constant 7 : i32
      %dma_start3A_117 = arith.constant 7 : i32
      %dma_start3A_118 = arith.constant 1 : i32
      %dma_start3A_119 = arith.constant 0 : i32
      %dma_start3A_120 = arith.constant 0 : i32
      %dma_start3A_121 = tpu.memref_slice %arg6[%dma_start3A_117, %dma_start3A_119, %dma_start3A_120] : memref<14x128x16xf32, #tpu.memory_space<vmem>> -> memref<1x128x16xf32, #tpu.memory_space<vmem>>
      %dma_start3A_122 = tpu.memref_squeeze %dma_start3A_121 : memref<1x128x16xf32, #tpu.memory_space<vmem>> -> memref<128x16xf32, #tpu.memory_space<vmem>>
      %dma_start3A_123 = arith.constant 0 : i32
      %dma_start3A_124 = tpu.memref_slice %arg5[%dma_start3A_116, %dma_start3A_123] : memref<14x128xi32, #tpu.memory_space<vmem>> -> memref<1x128xi32, #tpu.memory_space<vmem>>
      %dma_start3A_125 = tpu.memref_squeeze %dma_start3A_124 : memref<1x128xi32, #tpu.memory_space<vmem>> -> memref<128xi32, #tpu.memory_space<vmem>>
      %dma_start3A_126 = arith.constant 0 : i32
      %dma_start3A_127 = arith.constant 0 : i32
      %dma_start3A_128 = tpu.memref_slice %arg2[%dma_start3A_126, %dma_start3A_127] : memref<1433600x16xf32, #tpu.memory_space<hbm>> -> memref<1433600x16xf32, #tpu.memory_space<hbm>>
      %dma_start3A_129 = tpu.memref_slice %arg8[%dma_start3A_118] : memref<2x!tpu.dma_semaphore, #tpu.memory_space<semaphore_mem>> -> memref<1x!tpu.dma_semaphore, #tpu.memory_space<semaphore_mem>>
      %dma_start3A_130 = tpu.memref_squeeze %dma_start3A_129 : memref<1x!tpu.dma_semaphore, #tpu.memory_space<semaphore_mem>> -> memref<!tpu.dma_semaphore, #tpu.memory_space<semaphore_mem>>
      tpu.enqueue_indirect_dma source(%dma_start3A_128 : memref<1433600x16xf32, #tpu.memory_space<hbm>>) target(%dma_start3A_122 : memref<128x16xf32, #tpu.memory_space<vmem>>) offsets(%dma_start3A_125 : memref<128xi32, #tpu.memory_space<vmem>>) semaphore(%dma_start3A_130 : memref<!tpu.dma_semaphore, #tpu.memory_space<semaphore_mem>>)
      %dma_start3A_131 = arith.constant 8 : i32
      %dma_start3A_132 = arith.constant 8 : i32
      %dma_start3A_133 = arith.constant 1 : i32
      %dma_start3A_134 = arith.constant 0 : i32
      %dma_start3A_135 = arith.constant 0 : i32
      %dma_start3A_136 = tpu.memref_slice %arg6[%dma_start3A_132, %dma_start3A_134, %dma_start3A_135] : memref<14x128x16xf32, #tpu.memory_space<vmem>> -> memref<1x128x16xf32, #tpu.memory_space<vmem>>
      %dma_start3A_137 = tpu.memref_squeeze %dma_start3A_136 : memref<1x128x16xf32, #tpu.memory_space<vmem>> -> memref<128x16xf32, #tpu.memory_space<vmem>>
      %dma_start3A_138 = arith.constant 0 : i32
      %dma_start3A_139 = tpu.memref_slice %arg5[%dma_start3A_131, %dma_start3A_138] : memref<14x128xi32, #tpu.memory_space<vmem>> -> memref<1x128xi32, #tpu.memory_space<vmem>>
      %dma_start3A_140 = tpu.memref_squeeze %dma_start3A_139 : memref<1x128xi32, #tpu.memory_space<vmem>> -> memref<128xi32, #tpu.memory_space<vmem>>
      %dma_start3A_141 = arith.constant 0 : i32
      %dma_start3A_142 = arith.constant 0 : i32
      %dma_start3A_143 = tpu.memref_slice %arg2[%dma_start3A_141, %dma_start3A_142] : memref<1433600x16xf32, #tpu.memory_space<hbm>> -> memref<1433600x16xf32, #tpu.memory_space<hbm>>
      %dma_start3A_144 = tpu.memref_slice %arg8[%dma_start3A_133] : memref<2x!tpu.dma_semaphore, #tpu.memory_space<semaphore_mem>> -> memref<1x!tpu.dma_semaphore, #tpu.memory_space<semaphore_mem>>
      %dma_start3A_145 = tpu.memref_squeeze %dma_start3A_144 : memref<1x!tpu.dma_semaphore, #tpu.memory_space<semaphore_mem>> -> memref<!tpu.dma_semaphore, #tpu.memory_space<semaphore_mem>>
      tpu.enqueue_indirect_dma source(%dma_start3A_143 : memref<1433600x16xf32, #tpu.memory_space<hbm>>) target(%dma_start3A_137 : memref<128x16xf32, #tpu.memory_space<vmem>>) offsets(%dma_start3A_140 : memref<128xi32, #tpu.memory_space<vmem>>) semaphore(%dma_start3A_145 : memref<!tpu.dma_semaphore, #tpu.memory_space<semaphore_mem>>)
      %dma_start3A_146 = arith.constant 9 : i32
      %dma_start3A_147 = arith.constant 9 : i32
      %dma_start3A_148 = arith.constant 1 : i32
      %dma_start3A_149 = arith.constant 0 : i32
      %dma_start3A_150 = arith.constant 0 : i32
      %dma_start3A_151 = tpu.memref_slice %arg6[%dma_start3A_147, %dma_start3A_149, %dma_start3A_150] : memref<14x128x16xf32, #tpu.memory_space<vmem>> -> memref<1x128x16xf32, #tpu.memory_space<vmem>>
      %dma_start3A_152 = tpu.memref_squeeze %dma_start3A_151 : memref<1x128x16xf32, #tpu.memory_space<vmem>> -> memref<128x16xf32, #tpu.memory_space<vmem>>
      %dma_start3A_153 = arith.constant 0 : i32
      %dma_start3A_154 = tpu.memref_slice %arg5[%dma_start3A_146, %dma_start3A_153] : memref<14x128xi32, #tpu.memory_space<vmem>> -> memref<1x128xi32, #tpu.memory_space<vmem>>
      %dma_start3A_155 = tpu.memref_squeeze %dma_start3A_154 : memref<1x128xi32, #tpu.memory_space<vmem>> -> memref<128xi32, #tpu.memory_space<vmem>>
      %dma_start3A_156 = arith.constant 0 : i32
      %dma_start3A_157 = arith.constant 0 : i32
      %dma_start3A_158 = tpu.memref_slice %arg2[%dma_start3A_156, %dma_start3A_157] : memref<1433600x16xf32, #tpu.memory_space<hbm>> -> memref<1433600x16xf32, #tpu.memory_space<hbm>>
      %dma_start3A_159 = tpu.memref_slice %arg8[%dma_start3A_148] : memref<2x!tpu.dma_semaphore, #tpu.memory_space<semaphore_mem>> -> memref<1x!tpu.dma_semaphore, #tpu.memory_space<semaphore_mem>>
      %dma_start3A_160 = tpu.memref_squeeze %dma_start3A_159 : memref<1x!tpu.dma_semaphore, #tpu.memory_space<semaphore_mem>> -> memref<!tpu.dma_semaphore, #tpu.memory_space<semaphore_mem>>
      tpu.enqueue_indirect_dma source(%dma_start3A_158 : memref<1433600x16xf32, #tpu.memory_space<hbm>>) target(%dma_start3A_152 : memref<128x16xf32, #tpu.memory_space<vmem>>) offsets(%dma_start3A_155 : memref<128xi32, #tpu.memory_space<vmem>>) semaphore(%dma_start3A_160 : memref<!tpu.dma_semaphore, #tpu.memory_space<semaphore_mem>>)
      %dma_start3A_161 = arith.constant 10 : i32
      %dma_start3A_162 = arith.constant 10 : i32
      %dma_start3A_163 = arith.constant 1 : i32
      %dma_start3A_164 = arith.constant 0 : i32
      %dma_start3A_165 = arith.constant 0 : i32
      %dma_start3A_166 = tpu.memref_slice %arg6[%dma_start3A_162, %dma_start3A_164, %dma_start3A_165] : memref<14x128x16xf32, #tpu.memory_space<vmem>> -> memref<1x128x16xf32, #tpu.memory_space<vmem>>
      %dma_start3A_167 = tpu.memref_squeeze %dma_start3A_166 : memref<1x128x16xf32, #tpu.memory_space<vmem>> -> memref<128x16xf32, #tpu.memory_space<vmem>>
      %dma_start3A_168 = arith.constant 0 : i32
      %dma_start3A_169 = tpu.memref_slice %arg5[%dma_start3A_161, %dma_start3A_168] : memref<14x128xi32, #tpu.memory_space<vmem>> -> memref<1x128xi32, #tpu.memory_space<vmem>>
      %dma_start3A_170 = tpu.memref_squeeze %dma_start3A_169 : memref<1x128xi32, #tpu.memory_space<vmem>> -> memref<128xi32, #tpu.memory_space<vmem>>
      %dma_start3A_171 = arith.constant 0 : i32
      %dma_start3A_172 = arith.constant 0 : i32
      %dma_start3A_173 = tpu.memref_slice %arg2[%dma_start3A_171, %dma_start3A_172] : memref<1433600x16xf32, #tpu.memory_space<hbm>> -> memref<1433600x16xf32, #tpu.memory_space<hbm>>
      %dma_start3A_174 = tpu.memref_slice %arg8[%dma_start3A_163] : memref<2x!tpu.dma_semaphore, #tpu.memory_space<semaphore_mem>> -> memref<1x!tpu.dma_semaphore, #tpu.memory_space<semaphore_mem>>
      %dma_start3A_175 = tpu.memref_squeeze %dma_start3A_174 : memref<1x!tpu.dma_semaphore, #tpu.memory_space<semaphore_mem>> -> memref<!tpu.dma_semaphore, #tpu.memory_space<semaphore_mem>>
      tpu.enqueue_indirect_dma source(%dma_start3A_173 : memref<1433600x16xf32, #tpu.memory_space<hbm>>) target(%dma_start3A_167 : memref<128x16xf32, #tpu.memory_space<vmem>>) offsets(%dma_start3A_170 : memref<128xi32, #tpu.memory_space<vmem>>) semaphore(%dma_start3A_175 : memref<!tpu.dma_semaphore, #tpu.memory_space<semaphore_mem>>)
      %dma_start3A_176 = arith.constant 11 : i32
      %dma_start3A_177 = arith.constant 11 : i32
      %dma_start3A_178 = arith.constant 1 : i32
      %dma_start3A_179 = arith.constant 0 : i32
      %dma_start3A_180 = arith.constant 0 : i32
      %dma_start3A_181 = tpu.memref_slice %arg6[%dma_start3A_177, %dma_start3A_179, %dma_start3A_180] : memref<14x128x16xf32, #tpu.memory_space<vmem>> -> memref<1x128x16xf32, #tpu.memory_space<vmem>>
      %dma_start3A_182 = tpu.memref_squeeze %dma_start3A_181 : memref<1x128x16xf32, #tpu.memory_space<vmem>> -> memref<128x16xf32, #tpu.memory_space<vmem>>
      %dma_start3A_183 = arith.constant 0 : i32
      %dma_start3A_184 = tpu.memref_slice %arg5[%dma_start3A_176, %dma_start3A_183] : memref<14x128xi32, #tpu.memory_space<vmem>> -> memref<1x128xi32, #tpu.memory_space<vmem>>
      %dma_start3A_185 = tpu.memref_squeeze %dma_start3A_184 : memref<1x128xi32, #tpu.memory_space<vmem>> -> memref<128xi32, #tpu.memory_space<vmem>>
      %dma_start3A_186 = arith.constant 0 : i32
      %dma_start3A_187 = arith.constant 0 : i32
      %dma_start3A_188 = tpu.memref_slice %arg2[%dma_start3A_186, %dma_start3A_187] : memref<1433600x16xf32, #tpu.memory_space<hbm>> -> memref<1433600x16xf32, #tpu.memory_space<hbm>>
      %dma_start3A_189 = tpu.memref_slice %arg8[%dma_start3A_178] : memref<2x!tpu.dma_semaphore, #tpu.memory_space<semaphore_mem>> -> memref<1x!tpu.dma_semaphore, #tpu.memory_space<semaphore_mem>>
      %dma_start3A_190 = tpu.memref_squeeze %dma_start3A_189 : memref<1x!tpu.dma_semaphore, #tpu.memory_space<semaphore_mem>> -> memref<!tpu.dma_semaphore, #tpu.memory_space<semaphore_mem>>
      tpu.enqueue_indirect_dma source(%dma_start3A_188 : memref<1433600x16xf32, #tpu.memory_space<hbm>>) target(%dma_start3A_182 : memref<128x16xf32, #tpu.memory_space<vmem>>) offsets(%dma_start3A_185 : memref<128xi32, #tpu.memory_space<vmem>>) semaphore(%dma_start3A_190 : memref<!tpu.dma_semaphore, #tpu.memory_space<semaphore_mem>>)
      %dma_start3A_191 = arith.constant 12 : i32
      %dma_start3A_192 = arith.constant 12 : i32
      %dma_start3A_193 = arith.constant 1 : i32
      %dma_start3A_194 = arith.constant 0 : i32
      %dma_start3A_195 = arith.constant 0 : i32
      %dma_start3A_196 = tpu.memref_slice %arg6[%dma_start3A_192, %dma_start3A_194, %dma_start3A_195] : memref<14x128x16xf32, #tpu.memory_space<vmem>> -> memref<1x128x16xf32, #tpu.memory_space<vmem>>
      %dma_start3A_197 = tpu.memref_squeeze %dma_start3A_196 : memref<1x128x16xf32, #tpu.memory_space<vmem>> -> memref<128x16xf32, #tpu.memory_space<vmem>>
      %dma_start3A_198 = arith.constant 0 : i32
      %dma_start3A_199 = tpu.memref_slice %arg5[%dma_start3A_191, %dma_start3A_198] : memref<14x128xi32, #tpu.memory_space<vmem>> -> memref<1x128xi32, #tpu.memory_space<vmem>>
      %dma_start3A_200 = tpu.memref_squeeze %dma_start3A_199 : memref<1x128xi32, #tpu.memory_space<vmem>> -> memref<128xi32, #tpu.memory_space<vmem>>
      %dma_start3A_201 = arith.constant 0 : i32
      %dma_start3A_202 = arith.constant 0 : i32
      %dma_start3A_203 = tpu.memref_slice %arg2[%dma_start3A_201, %dma_start3A_202] : memref<1433600x16xf32, #tpu.memory_space<hbm>> -> memref<1433600x16xf32, #tpu.memory_space<hbm>>
      %dma_start3A_204 = tpu.memref_slice %arg8[%dma_start3A_193] : memref<2x!tpu.dma_semaphore, #tpu.memory_space<semaphore_mem>> -> memref<1x!tpu.dma_semaphore, #tpu.memory_space<semaphore_mem>>
      %dma_start3A_205 = tpu.memref_squeeze %dma_start3A_204 : memref<1x!tpu.dma_semaphore, #tpu.memory_space<semaphore_mem>> -> memref<!tpu.dma_semaphore, #tpu.memory_space<semaphore_mem>>
      tpu.enqueue_indirect_dma source(%dma_start3A_203 : memref<1433600x16xf32, #tpu.memory_space<hbm>>) target(%dma_start3A_197 : memref<128x16xf32, #tpu.memory_space<vmem>>) offsets(%dma_start3A_200 : memref<128xi32, #tpu.memory_space<vmem>>) semaphore(%dma_start3A_205 : memref<!tpu.dma_semaphore, #tpu.memory_space<semaphore_mem>>)
      %dma_start3A_206 = arith.constant 13 : i32
      %dma_start3A_207 = arith.constant 13 : i32
      %dma_start3A_208 = arith.constant 1 : i32
      %dma_start3A_209 = arith.constant 0 : i32
      %dma_start3A_210 = arith.constant 0 : i32
      %dma_start3A_211 = tpu.memref_slice %arg6[%dma_start3A_207, %dma_start3A_209, %dma_start3A_210] : memref<14x128x16xf32, #tpu.memory_space<vmem>> -> memref<1x128x16xf32, #tpu.memory_space<vmem>>
      %dma_start3A_212 = tpu.memref_squeeze %dma_start3A_211 : memref<1x128x16xf32, #tpu.memory_space<vmem>> -> memref<128x16xf32, #tpu.memory_space<vmem>>
      %dma_start3A_213 = arith.constant 0 : i32
      %dma_start3A_214 = tpu.memref_slice %arg5[%dma_start3A_206, %dma_start3A_213] : memref<14x128xi32, #tpu.memory_space<vmem>> -> memref<1x128xi32, #tpu.memory_space<vmem>>
      %dma_start3A_215 = tpu.memref_squeeze %dma_start3A_214 : memref<1x128xi32, #tpu.memory_space<vmem>> -> memref<128xi32, #tpu.memory_space<vmem>>
      %dma_start3A_216 = arith.constant 0 : i32
      %dma_start3A_217 = arith.constant 0 : i32
      %dma_start3A_218 = tpu.memref_slice %arg2[%dma_start3A_216, %dma_start3A_217] : memref<1433600x16xf32, #tpu.memory_space<hbm>> -> memref<1433600x16xf32, #tpu.memory_space<hbm>>
      %dma_start3A_219 = tpu.memref_slice %arg8[%dma_start3A_208] : memref<2x!tpu.dma_semaphore, #tpu.memory_space<semaphore_mem>> -> memref<1x!tpu.dma_semaphore, #tpu.memory_space<semaphore_mem>>
      %dma_start3A_220 = tpu.memref_squeeze %dma_start3A_219 : memref<1x!tpu.dma_semaphore, #tpu.memory_space<semaphore_mem>> -> memref<!tpu.dma_semaphore, #tpu.memory_space<semaphore_mem>>
      tpu.enqueue_indirect_dma source(%dma_start3A_218 : memref<1433600x16xf32, #tpu.memory_space<hbm>>) target(%dma_start3A_212 : memref<128x16xf32, #tpu.memory_space<vmem>>) offsets(%dma_start3A_215 : memref<128xi32, #tpu.memory_space<vmem>>) semaphore(%dma_start3A_220 : memref<!tpu.dma_semaphore, #tpu.memory_space<semaphore_mem>>)
      %dma_wait3A = arith.constant 0 : i32
      %dma_wait3A_221 = arith.constant 0 : i32
      %dma_wait3A_222 = arith.constant 0 : i32
      %dma_wait3A_223 = arith.constant 0 : i32
      %dma_wait3A_224 = arith.constant 0 : i32
      %dma_wait3A_225 = tpu.memref_slice %arg6[%dma_wait3A_221, %dma_wait3A_223, %dma_wait3A_224] : memref<14x128x16xf32, #tpu.memory_space<vmem>> -> memref<1x128x16xf32, #tpu.memory_space<vmem>>
      %dma_wait3A_226 = tpu.memref_squeeze %dma_wait3A_225 : memref<1x128x16xf32, #tpu.memory_space<vmem>> -> memref<128x16xf32, #tpu.memory_space<vmem>>
      %dma_wait3A_227 = arith.constant 0 : i32
      %dma_wait3A_228 = tpu.memref_slice %arg5[%dma_wait3A, %dma_wait3A_227] : memref<14x128xi32, #tpu.memory_space<vmem>> -> memref<1x128xi32, #tpu.memory_space<vmem>>
      %dma_wait3A_229 = tpu.memref_squeeze %dma_wait3A_228 : memref<1x128xi32, #tpu.memory_space<vmem>> -> memref<128xi32, #tpu.memory_space<vmem>>
      %dma_wait3A_230 = arith.constant 0 : i32
      %dma_wait3A_231 = arith.constant 0 : i32
      %dma_wait3A_232 = tpu.memref_slice %arg2[%dma_wait3A_230, %dma_wait3A_231] : memref<1433600x16xf32, #tpu.memory_space<hbm>> -> memref<1433600x16xf32, #tpu.memory_space<hbm>>
      %dma_wait3A_233 = tpu.memref_slice %arg8[%dma_wait3A_222] : memref<2x!tpu.dma_semaphore, #tpu.memory_space<semaphore_mem>> -> memref<1x!tpu.dma_semaphore, #tpu.memory_space<semaphore_mem>>
      %dma_wait3A_234 = tpu.memref_squeeze %dma_wait3A_233 : memref<1x!tpu.dma_semaphore, #tpu.memory_space<semaphore_mem>> -> memref<!tpu.dma_semaphore, #tpu.memory_space<semaphore_mem>>
      tpu.wait_indirect_dma semaphore(%dma_wait3A_234 : memref<!tpu.dma_semaphore, #tpu.memory_space<semaphore_mem>>) src(%dma_wait3A_232 : memref<1433600x16xf32, #tpu.memory_space<hbm>>) dst(%dma_wait3A_226 : memref<128x16xf32, #tpu.memory_space<vmem>>)
      %dma_wait3A_235 = arith.constant 1 : i32
      %dma_wait3A_236 = arith.constant 1 : i32
      %dma_wait3A_237 = arith.constant 0 : i32
      %dma_wait3A_238 = arith.constant 0 : i32
      %dma_wait3A_239 = arith.constant 0 : i32
      %dma_wait3A_240 = tpu.memref_slice %arg6[%dma_wait3A_236, %dma_wait3A_238, %dma_wait3A_239] : memref<14x128x16xf32, #tpu.memory_space<vmem>> -> memref<1x128x16xf32, #tpu.memory_space<vmem>>
      %dma_wait3A_241 = tpu.memref_squeeze %dma_wait3A_240 : memref<1x128x16xf32, #tpu.memory_space<vmem>> -> memref<128x16xf32, #tpu.memory_space<vmem>>
      %dma_wait3A_242 = arith.constant 0 : i32
      %dma_wait3A_243 = tpu.memref_slice %arg5[%dma_wait3A_235, %dma_wait3A_242] : memref<14x128xi32, #tpu.memory_space<vmem>> -> memref<1x128xi32, #tpu.memory_space<vmem>>
      %dma_wait3A_244 = tpu.memref_squeeze %dma_wait3A_243 : memref<1x128xi32, #tpu.memory_space<vmem>> -> memref<128xi32, #tpu.memory_space<vmem>>
      %dma_wait3A_245 = arith.constant 0 : i32
      %dma_wait3A_246 = arith.constant 0 : i32
      %dma_wait3A_247 = tpu.memref_slice %arg2[%dma_wait3A_245, %dma_wait3A_246] : memref<1433600x16xf32, #tpu.memory_space<hbm>> -> memref<1433600x16xf32, #tpu.memory_space<hbm>>
      %dma_wait3A_248 = tpu.memref_slice %arg8[%dma_wait3A_237] : memref<2x!tpu.dma_semaphore, #tpu.memory_space<semaphore_mem>> -> memref<1x!tpu.dma_semaphore, #tpu.memory_space<semaphore_mem>>
      %dma_wait3A_249 = tpu.memref_squeeze %dma_wait3A_248 : memref<1x!tpu.dma_semaphore, #tpu.memory_space<semaphore_mem>> -> memref<!tpu.dma_semaphore, #tpu.memory_space<semaphore_mem>>
      tpu.wait_indirect_dma semaphore(%dma_wait3A_249 : memref<!tpu.dma_semaphore, #tpu.memory_space<semaphore_mem>>) src(%dma_wait3A_247 : memref<1433600x16xf32, #tpu.memory_space<hbm>>) dst(%dma_wait3A_241 : memref<128x16xf32, #tpu.memory_space<vmem>>)
      %dma_wait3A_250 = arith.constant 2 : i32
      %dma_wait3A_251 = arith.constant 2 : i32
      %dma_wait3A_252 = arith.constant 0 : i32
      %dma_wait3A_253 = arith.constant 0 : i32
      %dma_wait3A_254 = arith.constant 0 : i32
      %dma_wait3A_255 = tpu.memref_slice %arg6[%dma_wait3A_251, %dma_wait3A_253, %dma_wait3A_254] : memref<14x128x16xf32, #tpu.memory_space<vmem>> -> memref<1x128x16xf32, #tpu.memory_space<vmem>>
      %dma_wait3A_256 = tpu.memref_squeeze %dma_wait3A_255 : memref<1x128x16xf32, #tpu.memory_space<vmem>> -> memref<128x16xf32, #tpu.memory_space<vmem>>
      %dma_wait3A_257 = arith.constant 0 : i32
      %dma_wait3A_258 = tpu.memref_slice %arg5[%dma_wait3A_250, %dma_wait3A_257] : memref<14x128xi32, #tpu.memory_space<vmem>> -> memref<1x128xi32, #tpu.memory_space<vmem>>
      %dma_wait3A_259 = tpu.memref_squeeze %dma_wait3A_258 : memref<1x128xi32, #tpu.memory_space<vmem>> -> memref<128xi32, #tpu.memory_space<vmem>>
      %dma_wait3A_260 = arith.constant 0 : i32
      %dma_wait3A_261 = arith.constant 0 : i32
      %dma_wait3A_262 = tpu.memref_slice %arg2[%dma_wait3A_260, %dma_wait3A_261] : memref<1433600x16xf32, #tpu.memory_space<hbm>> -> memref<1433600x16xf32, #tpu.memory_space<hbm>>
      %dma_wait3A_263 = tpu.memref_slice %arg8[%dma_wait3A_252] : memref<2x!tpu.dma_semaphore, #tpu.memory_space<semaphore_mem>> -> memref<1x!tpu.dma_semaphore, #tpu.memory_space<semaphore_mem>>
      %dma_wait3A_264 = tpu.memref_squeeze %dma_wait3A_263 : memref<1x!tpu.dma_semaphore, #tpu.memory_space<semaphore_mem>> -> memref<!tpu.dma_semaphore, #tpu.memory_space<semaphore_mem>>
      tpu.wait_indirect_dma semaphore(%dma_wait3A_264 : memref<!tpu.dma_semaphore, #tpu.memory_space<semaphore_mem>>) src(%dma_wait3A_262 : memref<1433600x16xf32, #tpu.memory_space<hbm>>) dst(%dma_wait3A_256 : memref<128x16xf32, #tpu.memory_space<vmem>>)
      %dma_wait3A_265 = arith.constant 3 : i32
      %dma_wait3A_266 = arith.constant 3 : i32
      %dma_wait3A_267 = arith.constant 0 : i32
      %dma_wait3A_268 = arith.constant 0 : i32
      %dma_wait3A_269 = arith.constant 0 : i32
      %dma_wait3A_270 = tpu.memref_slice %arg6[%dma_wait3A_266, %dma_wait3A_268, %dma_wait3A_269] : memref<14x128x16xf32, #tpu.memory_space<vmem>> -> memref<1x128x16xf32, #tpu.memory_space<vmem>>
      %dma_wait3A_271 = tpu.memref_squeeze %dma_wait3A_270 : memref<1x128x16xf32, #tpu.memory_space<vmem>> -> memref<128x16xf32, #tpu.memory_space<vmem>>
      %dma_wait3A_272 = arith.constant 0 : i32
      %dma_wait3A_273 = tpu.memref_slice %arg5[%dma_wait3A_265, %dma_wait3A_272] : memref<14x128xi32, #tpu.memory_space<vmem>> -> memref<1x128xi32, #tpu.memory_space<vmem>>
      %dma_wait3A_274 = tpu.memref_squeeze %dma_wait3A_273 : memref<1x128xi32, #tpu.memory_space<vmem>> -> memref<128xi32, #tpu.memory_space<vmem>>
      %dma_wait3A_275 = arith.constant 0 : i32
      %dma_wait3A_276 = arith.constant 0 : i32
      %dma_wait3A_277 = tpu.memref_slice %arg2[%dma_wait3A_275, %dma_wait3A_276] : memref<1433600x16xf32, #tpu.memory_space<hbm>> -> memref<1433600x16xf32, #tpu.memory_space<hbm>>
      %dma_wait3A_278 = tpu.memref_slice %arg8[%dma_wait3A_267] : memref<2x!tpu.dma_semaphore, #tpu.memory_space<semaphore_mem>> -> memref<1x!tpu.dma_semaphore, #tpu.memory_space<semaphore_mem>>
      %dma_wait3A_279 = tpu.memref_squeeze %dma_wait3A_278 : memref<1x!tpu.dma_semaphore, #tpu.memory_space<semaphore_mem>> -> memref<!tpu.dma_semaphore, #tpu.memory_space<semaphore_mem>>
      tpu.wait_indirect_dma semaphore(%dma_wait3A_279 : memref<!tpu.dma_semaphore, #tpu.memory_space<semaphore_mem>>) src(%dma_wait3A_277 : memref<1433600x16xf32, #tpu.memory_space<hbm>>) dst(%dma_wait3A_271 : memref<128x16xf32, #tpu.memory_space<vmem>>)
      %dma_wait3A_280 = arith.constant 4 : i32
      %dma_wait3A_281 = arith.constant 4 : i32
      %dma_wait3A_282 = arith.constant 0 : i32
      %dma_wait3A_283 = arith.constant 0 : i32
      %dma_wait3A_284 = arith.constant 0 : i32
      %dma_wait3A_285 = tpu.memref_slice %arg6[%dma_wait3A_281, %dma_wait3A_283, %dma_wait3A_284] : memref<14x128x16xf32, #tpu.memory_space<vmem>> -> memref<1x128x16xf32, #tpu.memory_space<vmem>>
      %dma_wait3A_286 = tpu.memref_squeeze %dma_wait3A_285 : memref<1x128x16xf32, #tpu.memory_space<vmem>> -> memref<128x16xf32, #tpu.memory_space<vmem>>
      %dma_wait3A_287 = arith.constant 0 : i32
      %dma_wait3A_288 = tpu.memref_slice %arg5[%dma_wait3A_280, %dma_wait3A_287] : memref<14x128xi32, #tpu.memory_space<vmem>> -> memref<1x128xi32, #tpu.memory_space<vmem>>
      %dma_wait3A_289 = tpu.memref_squeeze %dma_wait3A_288 : memref<1x128xi32, #tpu.memory_space<vmem>> -> memref<128xi32, #tpu.memory_space<vmem>>
      %dma_wait3A_290 = arith.constant 0 : i32
      %dma_wait3A_291 = arith.constant 0 : i32
      %dma_wait3A_292 = tpu.memref_slice %arg2[%dma_wait3A_290, %dma_wait3A_291] : memref<1433600x16xf32, #tpu.memory_space<hbm>> -> memref<1433600x16xf32, #tpu.memory_space<hbm>>
      %dma_wait3A_293 = tpu.memref_slice %arg8[%dma_wait3A_282] : memref<2x!tpu.dma_semaphore, #tpu.memory_space<semaphore_mem>> -> memref<1x!tpu.dma_semaphore, #tpu.memory_space<semaphore_mem>>
      %dma_wait3A_294 = tpu.memref_squeeze %dma_wait3A_293 : memref<1x!tpu.dma_semaphore, #tpu.memory_space<semaphore_mem>> -> memref<!tpu.dma_semaphore, #tpu.memory_space<semaphore_mem>>
      tpu.wait_indirect_dma semaphore(%dma_wait3A_294 : memref<!tpu.dma_semaphore, #tpu.memory_space<semaphore_mem>>) src(%dma_wait3A_292 : memref<1433600x16xf32, #tpu.memory_space<hbm>>) dst(%dma_wait3A_286 : memref<128x16xf32, #tpu.memory_space<vmem>>)
      %dma_wait3A_295 = arith.constant 5 : i32
      %dma_wait3A_296 = arith.constant 5 : i32
      %dma_wait3A_297 = arith.constant 0 : i32
      %dma_wait3A_298 = arith.constant 0 : i32
      %dma_wait3A_299 = arith.constant 0 : i32
      %dma_wait3A_300 = tpu.memref_slice %arg6[%dma_wait3A_296, %dma_wait3A_298, %dma_wait3A_299] : memref<14x128x16xf32, #tpu.memory_space<vmem>> -> memref<1x128x16xf32, #tpu.memory_space<vmem>>
      %dma_wait3A_301 = tpu.memref_squeeze %dma_wait3A_300 : memref<1x128x16xf32, #tpu.memory_space<vmem>> -> memref<128x16xf32, #tpu.memory_space<vmem>>
      %dma_wait3A_302 = arith.constant 0 : i32
      %dma_wait3A_303 = tpu.memref_slice %arg5[%dma_wait3A_295, %dma_wait3A_302] : memref<14x128xi32, #tpu.memory_space<vmem>> -> memref<1x128xi32, #tpu.memory_space<vmem>>
      %dma_wait3A_304 = tpu.memref_squeeze %dma_wait3A_303 : memref<1x128xi32, #tpu.memory_space<vmem>> -> memref<128xi32, #tpu.memory_space<vmem>>
      %dma_wait3A_305 = arith.constant 0 : i32
      %dma_wait3A_306 = arith.constant 0 : i32
      %dma_wait3A_307 = tpu.memref_slice %arg2[%dma_wait3A_305, %dma_wait3A_306] : memref<1433600x16xf32, #tpu.memory_space<hbm>> -> memref<1433600x16xf32, #tpu.memory_space<hbm>>
      %dma_wait3A_308 = tpu.memref_slice %arg8[%dma_wait3A_297] : memref<2x!tpu.dma_semaphore, #tpu.memory_space<semaphore_mem>> -> memref<1x!tpu.dma_semaphore, #tpu.memory_space<semaphore_mem>>
      %dma_wait3A_309 = tpu.memref_squeeze %dma_wait3A_308 : memref<1x!tpu.dma_semaphore, #tpu.memory_space<semaphore_mem>> -> memref<!tpu.dma_semaphore, #tpu.memory_space<semaphore_mem>>
      tpu.wait_indirect_dma semaphore(%dma_wait3A_309 : memref<!tpu.dma_semaphore, #tpu.memory_space<semaphore_mem>>) src(%dma_wait3A_307 : memref<1433600x16xf32, #tpu.memory_space<hbm>>) dst(%dma_wait3A_301 : memref<128x16xf32, #tpu.memory_space<vmem>>)
      %dma_wait3A_310 = arith.constant 6 : i32
      %dma_wait3A_311 = arith.constant 6 : i32
      %dma_wait3A_312 = arith.constant 0 : i32
      %dma_wait3A_313 = arith.constant 0 : i32
      %dma_wait3A_314 = arith.constant 0 : i32
      %dma_wait3A_315 = tpu.memref_slice %arg6[%dma_wait3A_311, %dma_wait3A_313, %dma_wait3A_314] : memref<14x128x16xf32, #tpu.memory_space<vmem>> -> memref<1x128x16xf32, #tpu.memory_space<vmem>>
      %dma_wait3A_316 = tpu.memref_squeeze %dma_wait3A_315 : memref<1x128x16xf32, #tpu.memory_space<vmem>> -> memref<128x16xf32, #tpu.memory_space<vmem>>
      %dma_wait3A_317 = arith.constant 0 : i32
      %dma_wait3A_318 = tpu.memref_slice %arg5[%dma_wait3A_310, %dma_wait3A_317] : memref<14x128xi32, #tpu.memory_space<vmem>> -> memref<1x128xi32, #tpu.memory_space<vmem>>
      %dma_wait3A_319 = tpu.memref_squeeze %dma_wait3A_318 : memref<1x128xi32, #tpu.memory_space<vmem>> -> memref<128xi32, #tpu.memory_space<vmem>>
      %dma_wait3A_320 = arith.constant 0 : i32
      %dma_wait3A_321 = arith.constant 0 : i32
      %dma_wait3A_322 = tpu.memref_slice %arg2[%dma_wait3A_320, %dma_wait3A_321] : memref<1433600x16xf32, #tpu.memory_space<hbm>> -> memref<1433600x16xf32, #tpu.memory_space<hbm>>
      %dma_wait3A_323 = tpu.memref_slice %arg8[%dma_wait3A_312] : memref<2x!tpu.dma_semaphore, #tpu.memory_space<semaphore_mem>> -> memref<1x!tpu.dma_semaphore, #tpu.memory_space<semaphore_mem>>
      %dma_wait3A_324 = tpu.memref_squeeze %dma_wait3A_323 : memref<1x!tpu.dma_semaphore, #tpu.memory_space<semaphore_mem>> -> memref<!tpu.dma_semaphore, #tpu.memory_space<semaphore_mem>>
      tpu.wait_indirect_dma semaphore(%dma_wait3A_324 : memref<!tpu.dma_semaphore, #tpu.memory_space<semaphore_mem>>) src(%dma_wait3A_322 : memref<1433600x16xf32, #tpu.memory_space<hbm>>) dst(%dma_wait3A_316 : memref<128x16xf32, #tpu.memory_space<vmem>>)
      %scan3A_325 = arith.constant 0 : i32
      %scan3A_326 = arith.constant 0 : i32
      %scan3A_327 = arith.constant 128 : i32
      %scan3A_328 = arith.addi %scan3A_326, %scan3A_327 : i32
      %scan3A_329 = arith.constant 1 : i32
      scf.for %scan3A_442 = %scan3A_326 to %scan3A_328 step %scan3A_329  : i32 {
        %get3A = arith.constant 0 : i32
        %get3A_443 = arith.index_cast %get3A : i32 to index
        %get3A_444 = arith.index_cast %scan3A_442 : i32 to index
        %get3A_445 = arith.constant 0 : index
        %get3A_446 = tpu.vector_load %arg6[%get3A_443, %get3A_444, %get3A_445] {strides = array<i32>} : memref<14x128x16xf32, #tpu.memory_space<vmem>>, vector<16xf32>,
        %bitcast3A = vector.bitcast %get3A_446 : vector<16xf32> to vector<32xbf16>
        %unpack3A = tpu.unpack_subelements %bitcast3A, 0 {pack_format = #tpu.pack_format<interleaved>} : vector<32xbf16> -> vector<16xf32>
        %unpack3A_447 = tpu.unpack_subelements %bitcast3A, 1 {pack_format = #tpu.pack_format<interleaved>} : vector<32xbf16> -> vector<16xf32>
        %get3A_448 = arith.constant 1 : i32
        %get3A_449 = arith.index_cast %get3A_448 : i32 to index
        %get3A_450 = arith.index_cast %scan3A_442 : i32 to index
        %get3A_451 = arith.constant 0 : index
        %get3A_452 = tpu.vector_load %arg6[%get3A_449, %get3A_450, %get3A_451] {strides = array<i32>} : memref<14x128x16xf32, #tpu.memory_space<vmem>>, vector<16xf32>,
        %bitcast3A_453 = vector.bitcast %get3A_452 : vector<16xf32> to vector<32xbf16>
        %unpack3A_454 = tpu.unpack_subelements %bitcast3A_453, 0 {pack_format = #tpu.pack_format<interleaved>} : vector<32xbf16> -> vector<16xf32>
        %unpack3A_455 = tpu.unpack_subelements %bitcast3A_453, 1 {pack_format = #tpu.pack_format<interleaved>} : vector<32xbf16> -> vector<16xf32>
        %add3A_456 = arith.addf %unpack3A, %unpack3A_454 : vector<16xf32>
        %add3A_457 = arith.addf %unpack3A_447, %unpack3A_455 : vector<16xf32>
        %get3A_458 = arith.constant 2 : i32
        %get3A_459 = arith.index_cast %get3A_458 : i32 to index
        %get3A_460 = arith.index_cast %scan3A_442 : i32 to index
        %get3A_461 = arith.constant 0 : index
        %get3A_462 = tpu.vector_load %arg6[%get3A_459, %get3A_460, %get3A_461] {strides = array<i32>} : memref<14x128x16xf32, #tpu.memory_space<vmem>>, vector<16xf32>,
        %bitcast3A_463 = vector.bitcast %get3A_462 : vector<16xf32> to vector<32xbf16>
        %unpack3A_464 = tpu.unpack_subelements %bitcast3A_463, 0 {pack_format = #tpu.pack_format<interleaved>} : vector<32xbf16> -> vector<16xf32>
        %unpack3A_465 = tpu.unpack_subelements %bitcast3A_463, 1 {pack_format = #tpu.pack_format<interleaved>} : vector<32xbf16> -> vector<16xf32>
        %add3A_466 = arith.addf %add3A_456, %unpack3A_464 : vector<16xf32>
        %add3A_467 = arith.addf %add3A_457, %unpack3A_465 : vector<16xf32>
        %get3A_468 = arith.constant 3 : i32
        %get3A_469 = arith.index_cast %get3A_468 : i32 to index
        %get3A_470 = arith.index_cast %scan3A_442 : i32 to index
        %get3A_471 = arith.constant 0 : index
        %get3A_472 = tpu.vector_load %arg6[%get3A_469, %get3A_470, %get3A_471] {strides = array<i32>} : memref<14x128x16xf32, #tpu.memory_space<vmem>>, vector<16xf32>,
        %bitcast3A_473 = vector.bitcast %get3A_472 : vector<16xf32> to vector<32xbf16>
        %unpack3A_474 = tpu.unpack_subelements %bitcast3A_473, 0 {pack_format = #tpu.pack_format<interleaved>} : vector<32xbf16> -> vector<16xf32>
        %unpack3A_475 = tpu.unpack_subelements %bitcast3A_473, 1 {pack_format = #tpu.pack_format<interleaved>} : vector<32xbf16> -> vector<16xf32>
        %add3A_476 = arith.addf %add3A_466, %unpack3A_474 : vector<16xf32>
        %add3A_477 = arith.addf %add3A_467, %unpack3A_475 : vector<16xf32>
        %get3A_478 = arith.constant 4 : i32
        %get3A_479 = arith.index_cast %get3A_478 : i32 to index
        %get3A_480 = arith.index_cast %scan3A_442 : i32 to index
        %get3A_481 = arith.constant 0 : index
        %get3A_482 = tpu.vector_load %arg6[%get3A_479, %get3A_480, %get3A_481] {strides = array<i32>} : memref<14x128x16xf32, #tpu.memory_space<vmem>>, vector<16xf32>,
        %bitcast3A_483 = vector.bitcast %get3A_482 : vector<16xf32> to vector<32xbf16>
        %unpack3A_484 = tpu.unpack_subelements %bitcast3A_483, 0 {pack_format = #tpu.pack_format<interleaved>} : vector<32xbf16> -> vector<16xf32>
        %unpack3A_485 = tpu.unpack_subelements %bitcast3A_483, 1 {pack_format = #tpu.pack_format<interleaved>} : vector<32xbf16> -> vector<16xf32>
        %add3A_486 = arith.addf %add3A_476, %unpack3A_484 : vector<16xf32>
        %add3A_487 = arith.addf %add3A_477, %unpack3A_485 : vector<16xf32>
        %get3A_488 = arith.constant 5 : i32
        %get3A_489 = arith.index_cast %get3A_488 : i32 to index
        %get3A_490 = arith.index_cast %scan3A_442 : i32 to index
        %get3A_491 = arith.constant 0 : index
        %get3A_492 = tpu.vector_load %arg6[%get3A_489, %get3A_490, %get3A_491] {strides = array<i32>} : memref<14x128x16xf32, #tpu.memory_space<vmem>>, vector<16xf32>,
        %bitcast3A_493 = vector.bitcast %get3A_492 : vector<16xf32> to vector<32xbf16>
        %unpack3A_494 = tpu.unpack_subelements %bitcast3A_493, 0 {pack_format = #tpu.pack_format<interleaved>} : vector<32xbf16> -> vector<16xf32>
        %unpack3A_495 = tpu.unpack_subelements %bitcast3A_493, 1 {pack_format = #tpu.pack_format<interleaved>} : vector<32xbf16> -> vector<16xf32>
        %add3A_496 = arith.addf %add3A_486, %unpack3A_494 : vector<16xf32>
        %add3A_497 = arith.addf %add3A_487, %unpack3A_495 : vector<16xf32>
        %get3A_498 = arith.constant 6 : i32
        %get3A_499 = arith.index_cast %get3A_498 : i32 to index
        %get3A_500 = arith.index_cast %scan3A_442 : i32 to index
        %get3A_501 = arith.constant 0 : index
        %get3A_502 = tpu.vector_load %arg6[%get3A_499, %get3A_500, %get3A_501] {strides = array<i32>} : memref<14x128x16xf32, #tpu.memory_space<vmem>>, vector<16xf32>,
        %bitcast3A_503 = vector.bitcast %get3A_502 : vector<16xf32> to vector<32xbf16>
        %unpack3A_504 = tpu.unpack_subelements %bitcast3A_503, 0 {pack_format = #tpu.pack_format<interleaved>} : vector<32xbf16> -> vector<16xf32>
        %unpack3A_505 = tpu.unpack_subelements %bitcast3A_503, 1 {pack_format = #tpu.pack_format<interleaved>} : vector<32xbf16> -> vector<16xf32>
        %add3A_506 = arith.addf %add3A_496, %unpack3A_504 : vector<16xf32>
        %add3A_507 = arith.addf %add3A_497, %unpack3A_505 : vector<16xf32>
        %swap3A = arith.index_cast %scan3A_442 : i32 to index
        %swap3A_508 = arith.constant 0 : index
        %swap3A_509 = tpu.vector_load %arg7[%swap3A, %swap3A_508] {strides = array<i32>} : memref<128x32xf32, #tpu.memory_space<vmem>>, vector<16xf32>,
        tpu.vector_store %arg7[%swap3A, %swap3A_508], %add3A_506 {strides = array<i32>} : memref<128x32xf32, #tpu.memory_space<vmem>>, vector<16xf32>,
        %swap3A_510 = arith.index_cast %scan3A_442 : i32 to index
        %swap3A_511 = arith.constant 16 : index
        %swap3A_512 = tpu.vector_load %arg7[%swap3A_510, %swap3A_511] {strides = array<i32>} : memref<128x32xf32, #tpu.memory_space<vmem>>, vector<16xf32>,
        tpu.vector_store %arg7[%swap3A_510, %swap3A_511], %add3A_507 {strides = array<i32>} : memref<128x32xf32, #tpu.memory_space<vmem>>, vector<16xf32>,
      }
      %scan3A_330 = arith.constant 128 : i32
      %dma_wait3A_331 = arith.constant 7 : i32
      %dma_wait3A_332 = arith.constant 7 : i32
      %dma_wait3A_333 = arith.constant 1 : i32
      %dma_wait3A_334 = arith.constant 0 : i32
      %dma_wait3A_335 = arith.constant 0 : i32
      %dma_wait3A_336 = tpu.memref_slice %arg6[%dma_wait3A_332, %dma_wait3A_334, %dma_wait3A_335] : memref<14x128x16xf32, #tpu.memory_space<vmem>> -> memref<1x128x16xf32, #tpu.memory_space<vmem>>
      %dma_wait3A_337 = tpu.memref_squeeze %dma_wait3A_336 : memref<1x128x16xf32, #tpu.memory_space<vmem>> -> memref<128x16xf32, #tpu.memory_space<vmem>>
      %dma_wait3A_338 = arith.constant 0 : i32
      %dma_wait3A_339 = tpu.memref_slice %arg5[%dma_wait3A_331, %dma_wait3A_338] : memref<14x128xi32, #tpu.memory_space<vmem>> -> memref<1x128xi32, #tpu.memory_space<vmem>>
      %dma_wait3A_340 = tpu.memref_squeeze %dma_wait3A_339 : memref<1x128xi32, #tpu.memory_space<vmem>> -> memref<128xi32, #tpu.memory_space<vmem>>
      %dma_wait3A_341 = arith.constant 0 : i32
      %dma_wait3A_342 = arith.constant 0 : i32
      %dma_wait3A_343 = tpu.memref_slice %arg2[%dma_wait3A_341, %dma_wait3A_342] : memref<1433600x16xf32, #tpu.memory_space<hbm>> -> memref<1433600x16xf32, #tpu.memory_space<hbm>>
      %dma_wait3A_344 = tpu.memref_slice %arg8[%dma_wait3A_333] : memref<2x!tpu.dma_semaphore, #tpu.memory_space<semaphore_mem>> -> memref<1x!tpu.dma_semaphore, #tpu.memory_space<semaphore_mem>>
      %dma_wait3A_345 = tpu.memref_squeeze %dma_wait3A_344 : memref<1x!tpu.dma_semaphore, #tpu.memory_space<semaphore_mem>> -> memref<!tpu.dma_semaphore, #tpu.memory_space<semaphore_mem>>
      tpu.wait_indirect_dma semaphore(%dma_wait3A_345 : memref<!tpu.dma_semaphore, #tpu.memory_space<semaphore_mem>>) src(%dma_wait3A_343 : memref<1433600x16xf32, #tpu.memory_space<hbm>>) dst(%dma_wait3A_337 : memref<128x16xf32, #tpu.memory_space<vmem>>)
      %dma_wait3A_346 = arith.constant 8 : i32
      %dma_wait3A_347 = arith.constant 8 : i32
      %dma_wait3A_348 = arith.constant 1 : i32
      %dma_wait3A_349 = arith.constant 0 : i32
      %dma_wait3A_350 = arith.constant 0 : i32
      %dma_wait3A_351 = tpu.memref_slice %arg6[%dma_wait3A_347, %dma_wait3A_349, %dma_wait3A_350] : memref<14x128x16xf32, #tpu.memory_space<vmem>> -> memref<1x128x16xf32, #tpu.memory_space<vmem>>
      %dma_wait3A_352 = tpu.memref_squeeze %dma_wait3A_351 : memref<1x128x16xf32, #tpu.memory_space<vmem>> -> memref<128x16xf32, #tpu.memory_space<vmem>>
      %dma_wait3A_353 = arith.constant 0 : i32
      %dma_wait3A_354 = tpu.memref_slice %arg5[%dma_wait3A_346, %dma_wait3A_353] : memref<14x128xi32, #tpu.memory_space<vmem>> -> memref<1x128xi32, #tpu.memory_space<vmem>>
      %dma_wait3A_355 = tpu.memref_squeeze %dma_wait3A_354 : memref<1x128xi32, #tpu.memory_space<vmem>> -> memref<128xi32, #tpu.memory_space<vmem>>
      %dma_wait3A_356 = arith.constant 0 : i32
      %dma_wait3A_357 = arith.constant 0 : i32
      %dma_wait3A_358 = tpu.memref_slice %arg2[%dma_wait3A_356, %dma_wait3A_357] : memref<1433600x16xf32, #tpu.memory_space<hbm>> -> memref<1433600x16xf32, #tpu.memory_space<hbm>>
      %dma_wait3A_359 = tpu.memref_slice %arg8[%dma_wait3A_348] : memref<2x!tpu.dma_semaphore, #tpu.memory_space<semaphore_mem>> -> memref<1x!tpu.dma_semaphore, #tpu.memory_space<semaphore_mem>>
      %dma_wait3A_360 = tpu.memref_squeeze %dma_wait3A_359 : memref<1x!tpu.dma_semaphore, #tpu.memory_space<semaphore_mem>> -> memref<!tpu.dma_semaphore, #tpu.memory_space<semaphore_mem>>
      tpu.wait_indirect_dma semaphore(%dma_wait3A_360 : memref<!tpu.dma_semaphore, #tpu.memory_space<semaphore_mem>>) src(%dma_wait3A_358 : memref<1433600x16xf32, #tpu.memory_space<hbm>>) dst(%dma_wait3A_352 : memref<128x16xf32, #tpu.memory_space<vmem>>)
      %dma_wait3A_361 = arith.constant 9 : i32
      %dma_wait3A_362 = arith.constant 9 : i32
      %dma_wait3A_363 = arith.constant 1 : i32
      %dma_wait3A_364 = arith.constant 0 : i32
      %dma_wait3A_365 = arith.constant 0 : i32
      %dma_wait3A_366 = tpu.memref_slice %arg6[%dma_wait3A_362, %dma_wait3A_364, %dma_wait3A_365] : memref<14x128x16xf32, #tpu.memory_space<vmem>> -> memref<1x128x16xf32, #tpu.memory_space<vmem>>
      %dma_wait3A_367 = tpu.memref_squeeze %dma_wait3A_366 : memref<1x128x16xf32, #tpu.memory_space<vmem>> -> memref<128x16xf32, #tpu.memory_space<vmem>>
      %dma_wait3A_368 = arith.constant 0 : i32
      %dma_wait3A_369 = tpu.memref_slice %arg5[%dma_wait3A_361, %dma_wait3A_368] : memref<14x128xi32, #tpu.memory_space<vmem>> -> memref<1x128xi32, #tpu.memory_space<vmem>>
      %dma_wait3A_370 = tpu.memref_squeeze %dma_wait3A_369 : memref<1x128xi32, #tpu.memory_space<vmem>> -> memref<128xi32, #tpu.memory_space<vmem>>
      %dma_wait3A_371 = arith.constant 0 : i32
      %dma_wait3A_372 = arith.constant 0 : i32
      %dma_wait3A_373 = tpu.memref_slice %arg2[%dma_wait3A_371, %dma_wait3A_372] : memref<1433600x16xf32, #tpu.memory_space<hbm>> -> memref<1433600x16xf32, #tpu.memory_space<hbm>>
      %dma_wait3A_374 = tpu.memref_slice %arg8[%dma_wait3A_363] : memref<2x!tpu.dma_semaphore, #tpu.memory_space<semaphore_mem>> -> memref<1x!tpu.dma_semaphore, #tpu.memory_space<semaphore_mem>>
      %dma_wait3A_375 = tpu.memref_squeeze %dma_wait3A_374 : memref<1x!tpu.dma_semaphore, #tpu.memory_space<semaphore_mem>> -> memref<!tpu.dma_semaphore, #tpu.memory_space<semaphore_mem>>
      tpu.wait_indirect_dma semaphore(%dma_wait3A_375 : memref<!tpu.dma_semaphore, #tpu.memory_space<semaphore_mem>>) src(%dma_wait3A_373 : memref<1433600x16xf32, #tpu.memory_space<hbm>>) dst(%dma_wait3A_367 : memref<128x16xf32, #tpu.memory_space<vmem>>)
      %dma_wait3A_376 = arith.constant 10 : i32
      %dma_wait3A_377 = arith.constant 10 : i32
      %dma_wait3A_378 = arith.constant 1 : i32
      %dma_wait3A_379 = arith.constant 0 : i32
      %dma_wait3A_380 = arith.constant 0 : i32
      %dma_wait3A_381 = tpu.memref_slice %arg6[%dma_wait3A_377, %dma_wait3A_379, %dma_wait3A_380] : memref<14x128x16xf32, #tpu.memory_space<vmem>> -> memref<1x128x16xf32, #tpu.memory_space<vmem>>
      %dma_wait3A_382 = tpu.memref_squeeze %dma_wait3A_381 : memref<1x128x16xf32, #tpu.memory_space<vmem>> -> memref<128x16xf32, #tpu.memory_space<vmem>>
      %dma_wait3A_383 = arith.constant 0 : i32
      %dma_wait3A_384 = tpu.memref_slice %arg5[%dma_wait3A_376, %dma_wait3A_383] : memref<14x128xi32, #tpu.memory_space<vmem>> -> memref<1x128xi32, #tpu.memory_space<vmem>>
      %dma_wait3A_385 = tpu.memref_squeeze %dma_wait3A_384 : memref<1x128xi32, #tpu.memory_space<vmem>> -> memref<128xi32, #tpu.memory_space<vmem>>
      %dma_wait3A_386 = arith.constant 0 : i32
      %dma_wait3A_387 = arith.constant 0 : i32
      %dma_wait3A_388 = tpu.memref_slice %arg2[%dma_wait3A_386, %dma_wait3A_387] : memref<1433600x16xf32, #tpu.memory_space<hbm>> -> memref<1433600x16xf32, #tpu.memory_space<hbm>>
      %dma_wait3A_389 = tpu.memref_slice %arg8[%dma_wait3A_378] : memref<2x!tpu.dma_semaphore, #tpu.memory_space<semaphore_mem>> -> memref<1x!tpu.dma_semaphore, #tpu.memory_space<semaphore_mem>>
      %dma_wait3A_390 = tpu.memref_squeeze %dma_wait3A_389 : memref<1x!tpu.dma_semaphore, #tpu.memory_space<semaphore_mem>> -> memref<!tpu.dma_semaphore, #tpu.memory_space<semaphore_mem>>
      tpu.wait_indirect_dma semaphore(%dma_wait3A_390 : memref<!tpu.dma_semaphore, #tpu.memory_space<semaphore_mem>>) src(%dma_wait3A_388 : memref<1433600x16xf32, #tpu.memory_space<hbm>>) dst(%dma_wait3A_382 : memref<128x16xf32, #tpu.memory_space<vmem>>)
      %dma_wait3A_391 = arith.constant 11 : i32
      %dma_wait3A_392 = arith.constant 11 : i32
      %dma_wait3A_393 = arith.constant 1 : i32
      %dma_wait3A_394 = arith.constant 0 : i32
      %dma_wait3A_395 = arith.constant 0 : i32
      %dma_wait3A_396 = tpu.memref_slice %arg6[%dma_wait3A_392, %dma_wait3A_394, %dma_wait3A_395] : memref<14x128x16xf32, #tpu.memory_space<vmem>> -> memref<1x128x16xf32, #tpu.memory_space<vmem>>
      %dma_wait3A_397 = tpu.memref_squeeze %dma_wait3A_396 : memref<1x128x16xf32, #tpu.memory_space<vmem>> -> memref<128x16xf32, #tpu.memory_space<vmem>>
      %dma_wait3A_398 = arith.constant 0 : i32
      %dma_wait3A_399 = tpu.memref_slice %arg5[%dma_wait3A_391, %dma_wait3A_398] : memref<14x128xi32, #tpu.memory_space<vmem>> -> memref<1x128xi32, #tpu.memory_space<vmem>>
      %dma_wait3A_400 = tpu.memref_squeeze %dma_wait3A_399 : memref<1x128xi32, #tpu.memory_space<vmem>> -> memref<128xi32, #tpu.memory_space<vmem>>
      %dma_wait3A_401 = arith.constant 0 : i32
      %dma_wait3A_402 = arith.constant 0 : i32
      %dma_wait3A_403 = tpu.memref_slice %arg2[%dma_wait3A_401, %dma_wait3A_402] : memref<1433600x16xf32, #tpu.memory_space<hbm>> -> memref<1433600x16xf32, #tpu.memory_space<hbm>>
      %dma_wait3A_404 = tpu.memref_slice %arg8[%dma_wait3A_393] : memref<2x!tpu.dma_semaphore, #tpu.memory_space<semaphore_mem>> -> memref<1x!tpu.dma_semaphore, #tpu.memory_space<semaphore_mem>>
      %dma_wait3A_405 = tpu.memref_squeeze %dma_wait3A_404 : memref<1x!tpu.dma_semaphore, #tpu.memory_space<semaphore_mem>> -> memref<!tpu.dma_semaphore, #tpu.memory_space<semaphore_mem>>
      tpu.wait_indirect_dma semaphore(%dma_wait3A_405 : memref<!tpu.dma_semaphore, #tpu.memory_space<semaphore_mem>>) src(%dma_wait3A_403 : memref<1433600x16xf32, #tpu.memory_space<hbm>>) dst(%dma_wait3A_397 : memref<128x16xf32, #tpu.memory_space<vmem>>)
      %dma_wait3A_406 = arith.constant 12 : i32
      %dma_wait3A_407 = arith.constant 12 : i32
      %dma_wait3A_408 = arith.constant 1 : i32
      %dma_wait3A_409 = arith.constant 0 : i32
      %dma_wait3A_410 = arith.constant 0 : i32
      %dma_wait3A_411 = tpu.memref_slice %arg6[%dma_wait3A_407, %dma_wait3A_409, %dma_wait3A_410] : memref<14x128x16xf32, #tpu.memory_space<vmem>> -> memref<1x128x16xf32, #tpu.memory_space<vmem>>
      %dma_wait3A_412 = tpu.memref_squeeze %dma_wait3A_411 : memref<1x128x16xf32, #tpu.memory_space<vmem>> -> memref<128x16xf32, #tpu.memory_space<vmem>>
      %dma_wait3A_413 = arith.constant 0 : i32
      %dma_wait3A_414 = tpu.memref_slice %arg5[%dma_wait3A_406, %dma_wait3A_413] : memref<14x128xi32, #tpu.memory_space<vmem>> -> memref<1x128xi32, #tpu.memory_space<vmem>>
      %dma_wait3A_415 = tpu.memref_squeeze %dma_wait3A_414 : memref<1x128xi32, #tpu.memory_space<vmem>> -> memref<128xi32, #tpu.memory_space<vmem>>
      %dma_wait3A_416 = arith.constant 0 : i32
      %dma_wait3A_417 = arith.constant 0 : i32
      %dma_wait3A_418 = tpu.memref_slice %arg2[%dma_wait3A_416, %dma_wait3A_417] : memref<1433600x16xf32, #tpu.memory_space<hbm>> -> memref<1433600x16xf32, #tpu.memory_space<hbm>>
      %dma_wait3A_419 = tpu.memref_slice %arg8[%dma_wait3A_408] : memref<2x!tpu.dma_semaphore, #tpu.memory_space<semaphore_mem>> -> memref<1x!tpu.dma_semaphore, #tpu.memory_space<semaphore_mem>>
      %dma_wait3A_420 = tpu.memref_squeeze %dma_wait3A_419 : memref<1x!tpu.dma_semaphore, #tpu.memory_space<semaphore_mem>> -> memref<!tpu.dma_semaphore, #tpu.memory_space<semaphore_mem>>
      tpu.wait_indirect_dma semaphore(%dma_wait3A_420 : memref<!tpu.dma_semaphore, #tpu.memory_space<semaphore_mem>>) src(%dma_wait3A_418 : memref<1433600x16xf32, #tpu.memory_space<hbm>>) dst(%dma_wait3A_412 : memref<128x16xf32, #tpu.memory_space<vmem>>)
      %dma_wait3A_421 = arith.constant 13 : i32
      %dma_wait3A_422 = arith.constant 13 : i32
      %dma_wait3A_423 = arith.constant 1 : i32
      %dma_wait3A_424 = arith.constant 0 : i32
      %dma_wait3A_425 = arith.constant 0 : i32
      %dma_wait3A_426 = tpu.memref_slice %arg6[%dma_wait3A_422, %dma_wait3A_424, %dma_wait3A_425] : memref<14x128x16xf32, #tpu.memory_space<vmem>> -> memref<1x128x16xf32, #tpu.memory_space<vmem>>
      %dma_wait3A_427 = tpu.memref_squeeze %dma_wait3A_426 : memref<1x128x16xf32, #tpu.memory_space<vmem>> -> memref<128x16xf32, #tpu.memory_space<vmem>>
      %dma_wait3A_428 = arith.constant 0 : i32
      %dma_wait3A_429 = tpu.memref_slice %arg5[%dma_wait3A_421, %dma_wait3A_428] : memref<14x128xi32, #tpu.memory_space<vmem>> -> memref<1x128xi32, #tpu.memory_space<vmem>>
      %dma_wait3A_430 = tpu.memref_squeeze %dma_wait3A_429 : memref<1x128xi32, #tpu.memory_space<vmem>> -> memref<128xi32, #tpu.memory_space<vmem>>
      %dma_wait3A_431 = arith.constant 0 : i32
      %dma_wait3A_432 = arith.constant 0 : i32
      %dma_wait3A_433 = tpu.memref_slice %arg2[%dma_wait3A_431, %dma_wait3A_432] : memref<1433600x16xf32, #tpu.memory_space<hbm>> -> memref<1433600x16xf32, #tpu.memory_space<hbm>>
      %dma_wait3A_434 = tpu.memref_slice %arg8[%dma_wait3A_423] : memref<2x!tpu.dma_semaphore, #tpu.memory_space<semaphore_mem>> -> memref<1x!tpu.dma_semaphore, #tpu.memory_space<semaphore_mem>>
      %dma_wait3A_435 = tpu.memref_squeeze %dma_wait3A_434 : memref<1x!tpu.dma_semaphore, #tpu.memory_space<semaphore_mem>> -> memref<!tpu.dma_semaphore, #tpu.memory_space<semaphore_mem>>
      tpu.wait_indirect_dma semaphore(%dma_wait3A_435 : memref<!tpu.dma_semaphore, #tpu.memory_space<semaphore_mem>>) src(%dma_wait3A_433 : memref<1433600x16xf32, #tpu.memory_space<hbm>>) dst(%dma_wait3A_427 : memref<128x16xf32, #tpu.memory_space<vmem>>)
      %scan3A_436 = arith.constant 0 : i32
      %scan3A_437 = arith.constant 0 : i32
      %scan3A_438 = arith.constant 128 : i32
      %scan3A_439 = arith.addi %scan3A_437, %scan3A_438 : i32
      %scan3A_440 = arith.constant 1 : i32
      scf.for %scan3A_442 = %scan3A_437 to %scan3A_439 step %scan3A_440  : i32 {
        %get3A = arith.constant 7 : i32
        %get3A_443 = arith.index_cast %get3A : i32 to index
        %get3A_444 = arith.index_cast %scan3A_442 : i32 to index
        %get3A_445 = arith.constant 0 : index
        %get3A_446 = tpu.vector_load %arg6[%get3A_443, %get3A_444, %get3A_445] {strides = array<i32>} : memref<14x128x16xf32, #tpu.memory_space<vmem>>, vector<16xf32>,
        %bitcast3A = vector.bitcast %get3A_446 : vector<16xf32> to vector<32xbf16>
        %unpack3A = tpu.unpack_subelements %bitcast3A, 0 {pack_format = #tpu.pack_format<interleaved>} : vector<32xbf16> -> vector<16xf32>
        %unpack3A_447 = tpu.unpack_subelements %bitcast3A, 1 {pack_format = #tpu.pack_format<interleaved>} : vector<32xbf16> -> vector<16xf32>
        %get3A_448 = arith.constant 8 : i32
        %get3A_449 = arith.index_cast %get3A_448 : i32 to index
        %get3A_450 = arith.index_cast %scan3A_442 : i32 to index
        %get3A_451 = arith.constant 0 : index
        %get3A_452 = tpu.vector_load %arg6[%get3A_449, %get3A_450, %get3A_451] {strides = array<i32>} : memref<14x128x16xf32, #tpu.memory_space<vmem>>, vector<16xf32>,
        %bitcast3A_453 = vector.bitcast %get3A_452 : vector<16xf32> to vector<32xbf16>
        %unpack3A_454 = tpu.unpack_subelements %bitcast3A_453, 0 {pack_format = #tpu.pack_format<interleaved>} : vector<32xbf16> -> vector<16xf32>
        %unpack3A_455 = tpu.unpack_subelements %bitcast3A_453, 1 {pack_format = #tpu.pack_format<interleaved>} : vector<32xbf16> -> vector<16xf32>
        %add3A_456 = arith.addf %unpack3A, %unpack3A_454 : vector<16xf32>
        %add3A_457 = arith.addf %unpack3A_447, %unpack3A_455 : vector<16xf32>
        %get3A_458 = arith.constant 9 : i32
        %get3A_459 = arith.index_cast %get3A_458 : i32 to index
        %get3A_460 = arith.index_cast %scan3A_442 : i32 to index
        %get3A_461 = arith.constant 0 : index
        %get3A_462 = tpu.vector_load %arg6[%get3A_459, %get3A_460, %get3A_461] {strides = array<i32>} : memref<14x128x16xf32, #tpu.memory_space<vmem>>, vector<16xf32>,
        %bitcast3A_463 = vector.bitcast %get3A_462 : vector<16xf32> to vector<32xbf16>
        %unpack3A_464 = tpu.unpack_subelements %bitcast3A_463, 0 {pack_format = #tpu.pack_format<interleaved>} : vector<32xbf16> -> vector<16xf32>
        %unpack3A_465 = tpu.unpack_subelements %bitcast3A_463, 1 {pack_format = #tpu.pack_format<interleaved>} : vector<32xbf16> -> vector<16xf32>
        %add3A_466 = arith.addf %add3A_456, %unpack3A_464 : vector<16xf32>
        %add3A_467 = arith.addf %add3A_457, %unpack3A_465 : vector<16xf32>
        %get3A_468 = arith.constant 10 : i32
        %get3A_469 = arith.index_cast %get3A_468 : i32 to index
        %get3A_470 = arith.index_cast %scan3A_442 : i32 to index
        %get3A_471 = arith.constant 0 : index
        %get3A_472 = tpu.vector_load %arg6[%get3A_469, %get3A_470, %get3A_471] {strides = array<i32>} : memref<14x128x16xf32, #tpu.memory_space<vmem>>, vector<16xf32>,
        %bitcast3A_473 = vector.bitcast %get3A_472 : vector<16xf32> to vector<32xbf16>
        %unpack3A_474 = tpu.unpack_subelements %bitcast3A_473, 0 {pack_format = #tpu.pack_format<interleaved>} : vector<32xbf16> -> vector<16xf32>
        %unpack3A_475 = tpu.unpack_subelements %bitcast3A_473, 1 {pack_format = #tpu.pack_format<interleaved>} : vector<32xbf16> -> vector<16xf32>
        %add3A_476 = arith.addf %add3A_466, %unpack3A_474 : vector<16xf32>
        %add3A_477 = arith.addf %add3A_467, %unpack3A_475 : vector<16xf32>
        %get3A_478 = arith.constant 11 : i32
        %get3A_479 = arith.index_cast %get3A_478 : i32 to index
        %get3A_480 = arith.index_cast %scan3A_442 : i32 to index
        %get3A_481 = arith.constant 0 : index
        %get3A_482 = tpu.vector_load %arg6[%get3A_479, %get3A_480, %get3A_481] {strides = array<i32>} : memref<14x128x16xf32, #tpu.memory_space<vmem>>, vector<16xf32>,
        %bitcast3A_483 = vector.bitcast %get3A_482 : vector<16xf32> to vector<32xbf16>
        %unpack3A_484 = tpu.unpack_subelements %bitcast3A_483, 0 {pack_format = #tpu.pack_format<interleaved>} : vector<32xbf16> -> vector<16xf32>
        %unpack3A_485 = tpu.unpack_subelements %bitcast3A_483, 1 {pack_format = #tpu.pack_format<interleaved>} : vector<32xbf16> -> vector<16xf32>
        %add3A_486 = arith.addf %add3A_476, %unpack3A_484 : vector<16xf32>
        %add3A_487 = arith.addf %add3A_477, %unpack3A_485 : vector<16xf32>
        %get3A_488 = arith.constant 12 : i32
        %get3A_489 = arith.index_cast %get3A_488 : i32 to index
        %get3A_490 = arith.index_cast %scan3A_442 : i32 to index
        %get3A_491 = arith.constant 0 : index
        %get3A_492 = tpu.vector_load %arg6[%get3A_489, %get3A_490, %get3A_491] {strides = array<i32>} : memref<14x128x16xf32, #tpu.memory_space<vmem>>, vector<16xf32>,
        %bitcast3A_493 = vector.bitcast %get3A_492 : vector<16xf32> to vector<32xbf16>
        %unpack3A_494 = tpu.unpack_subelements %bitcast3A_493, 0 {pack_format = #tpu.pack_format<interleaved>} : vector<32xbf16> -> vector<16xf32>
        %unpack3A_495 = tpu.unpack_subelements %bitcast3A_493, 1 {pack_format = #tpu.pack_format<interleaved>} : vector<32xbf16> -> vector<16xf32>
        %add3A_496 = arith.addf %add3A_486, %unpack3A_494 : vector<16xf32>
        %add3A_497 = arith.addf %add3A_487, %unpack3A_495 : vector<16xf32>
        %get3A_498 = arith.constant 13 : i32
        %get3A_499 = arith.index_cast %get3A_498 : i32 to index
        %get3A_500 = arith.index_cast %scan3A_442 : i32 to index
        %get3A_501 = arith.constant 0 : index
        %get3A_502 = tpu.vector_load %arg6[%get3A_499, %get3A_500, %get3A_501] {strides = array<i32>} : memref<14x128x16xf32, #tpu.memory_space<vmem>>, vector<16xf32>,
        %bitcast3A_503 = vector.bitcast %get3A_502 : vector<16xf32> to vector<32xbf16>
        %unpack3A_504 = tpu.unpack_subelements %bitcast3A_503, 0 {pack_format = #tpu.pack_format<interleaved>} : vector<32xbf16> -> vector<16xf32>
        %unpack3A_505 = tpu.unpack_subelements %bitcast3A_503, 1 {pack_format = #tpu.pack_format<interleaved>} : vector<32xbf16> -> vector<16xf32>
        %add3A_506 = arith.addf %add3A_496, %unpack3A_504 : vector<16xf32>
        %add3A_507 = arith.addf %add3A_497, %unpack3A_505 : vector<16xf32>
        %get3A_508 = arith.index_cast %scan3A_442 : i32 to index
        %get3A_509 = arith.constant 0 : index
        %get3A_510 = tpu.vector_load %arg7[%get3A_508, %get3A_509] {strides = array<i32>} : memref<128x32xf32, #tpu.memory_space<vmem>>, vector<16xf32>,
        %add3A_511 = arith.addf %get3A_510, %add3A_506 : vector<16xf32>
        %swap3A = arith.index_cast %scan3A_442 : i32 to index
        %swap3A_512 = arith.constant 0 : index
        %swap3A_513 = tpu.vector_load %arg7[%swap3A, %swap3A_512] {strides = array<i32>} : memref<128x32xf32, #tpu.memory_space<vmem>>, vector<16xf32>,
        tpu.vector_store %arg7[%swap3A, %swap3A_512], %add3A_511 {strides = array<i32>} : memref<128x32xf32, #tpu.memory_space<vmem>>, vector<16xf32>,
        %get3A_514 = arith.index_cast %scan3A_442 : i32 to index
        %get3A_515 = arith.constant 16 : index
        %get3A_516 = tpu.vector_load %arg7[%get3A_514, %get3A_515] {strides = array<i32>} : memref<128x32xf32, #tpu.memory_space<vmem>>, vector<16xf32>,
        %add3A_517 = arith.addf %get3A_516, %add3A_507 : vector<16xf32>
        %swap3A_518 = arith.index_cast %scan3A_442 : i32 to index
        %swap3A_519 = arith.constant 16 : index
        %swap3A_520 = tpu.vector_load %arg7[%swap3A_518, %swap3A_519] {strides = array<i32>} : memref<128x32xf32, #tpu.memory_space<vmem>>, vector<16xf32>,
        tpu.vector_store %arg7[%swap3A_518, %swap3A_519], %add3A_517 {strides = array<i32>} : memref<128x32xf32, #tpu.memory_space<vmem>>, vector<16xf32>,
      }
      %scan3A_441 = arith.constant 128 : i32
      "tpu.region"() ({
        %run_scoped3A = tpu.sem_alloc : memref<!tpu.dma_semaphore, #tpu.memory_space<semaphore_mem>>
        %dma_start3A_442 = arith.constant 0 : i32
        %dma_start3A_443 = tpu.memref_slice %arg4[%add3A_11, %dma_start3A_442] : memref<102400x32xf32, #tpu.memory_space<hbm>> -> memref<128x32xf32, #tpu.memory_space<hbm>>
        %dma_start3A_444 = arith.constant 0 : i32
        %dma_start3A_445 = tpu.memref_slice %arg4[%add3A_11, %dma_start3A_444] : memref<102400x32xf32, #tpu.memory_space<hbm>> -> memref<128x32xf32, #tpu.memory_space<hbm>>
        tpu.enqueue_dma source(%arg7 : memref<128x32xf32, #tpu.memory_space<vmem>>) target(%dma_start3A_445 : memref<128x32xf32, #tpu.memory_space<hbm>>) target_semaphore(%run_scoped3A : memref<!tpu.dma_semaphore, #tpu.memory_space<semaphore_mem>>)
        %dma_wait3A_446 = arith.constant 0 : i32
        %dma_wait3A_447 = tpu.memref_slice %arg4[%add3A_11, %dma_wait3A_446] : memref<102400x32xf32, #tpu.memory_space<hbm>> -> memref<128x32xf32, #tpu.memory_space<hbm>>
        %dma_wait3A_448 = arith.constant 0 : i32
        %dma_wait3A_449 = tpu.memref_slice %arg4[%add3A_11, %dma_wait3A_448] : memref<102400x32xf32, #tpu.memory_space<hbm>> -> memref<128x32xf32, #tpu.memory_space<hbm>>
        tpu.wait_dma2 semaphore(%run_scoped3A : memref<!tpu.dma_semaphore, #tpu.memory_space<semaphore_mem>>) src(%arg7 : memref<128x32xf32, #tpu.memory_space<vmem>>) dst(%dma_wait3A_449 : memref<128x32xf32, #tpu.memory_space<hbm>>)
        tpu.yield
      }) : () -> ()
    }
    %scan3A_5 = arith.constant 25 : i32
    return
  }
}

module attributes {stable_mosaic.version = 14 : i64} {
  func.func @_mm_body(%arg0: i32, %arg1: i32, %arg2: memref<1600x512xbf16, #tpu.memory_space<vmem>>, %arg3: memref<14x512x128xbf16, #tpu.memory_space<vmem>>, %arg4: memref<14x512x128xbf16, #tpu.memory_space<vmem>>, %arg5: memref<14x1x128xf32, #tpu.memory_space<vmem>>, %arg6: memref<14x1x128xf32, #tpu.memory_space<vmem>>, %arg7: memref<1600x128xf32, #tpu.memory_space<vmem>>) attributes {dimension_semantics = [#tpu.dimension_semantics<arbitrary>, #tpu.dimension_semantics<arbitrary>], iteration_bounds = array<i64: 8, 14>, scalar_prefetch = 0 : i64, scratch_operands = 0 : i64, tpu.core_type = #tpu.core_type<tc>, window_params = [{transform_indices = @transform_0, window_bounds = array<i64: 1600, 512>}, {pipeline_mode = #tpu.pipeline_mode<synchronous>, transform_indices = @transform_1, window_bounds = array<i64: 14, 512, 128>}, {pipeline_mode = #tpu.pipeline_mode<synchronous>, transform_indices = @transform_2, window_bounds = array<i64: 14, 512, 128>}, {pipeline_mode = #tpu.pipeline_mode<synchronous>, transform_indices = @transform_3, window_bounds = array<i64: 14, 1, 128>}, {pipeline_mode = #tpu.pipeline_mode<synchronous>, transform_indices = @transform_4, window_bounds = array<i64: 14, 1, 128>}, {transform_indices = @transform_5, window_bounds = array<i64: 1600, 128>}]} {
    %get3A = arith.constant 0 : index
    %get3A_0 = arith.constant 0 : index
    %get3A_1 = vector.load %arg2[%get3A, %get3A_0] : memref<1600x512xbf16, #tpu.memory_space<vmem>>, vector<1600x512xbf16>
    %get3A_2 = arith.index_cast %arg1 : i32 to index
    %get3A_3 = arith.constant 0 : index
    %get3A_4 = arith.constant 0 : index
    %get3A_5 = vector.load %arg3[%get3A_2, %get3A_3, %get3A_4] : memref<14x512x128xbf16, #tpu.memory_space<vmem>>, vector<1x512x128xbf16>
    %get3A_6 = vector.shape_cast %get3A_5 : vector<1x512x128xbf16> to vector<512x128xbf16>
    %dot_general3A = arith.constant dense<0.000000e+00> : vector<1600x128xf32>
    %dot_general3A_7 = tpu.matmul %get3A_1, %get3A_6, %dot_general3A {dimension_numbers = #tpu.dot_dimension_numbers<[1], [0], [0], [1], [0, 0, 1, 1], [], []>, transpose_lhs_hint = false} : vector<1600x512xbf16>, vector<512x128xbf16>, vector<1600x128xf32> -> vector<1600x128xf32>
    %get3A_8 = arith.index_cast %arg1 : i32 to index
    %get3A_9 = arith.constant 0 : index
    %get3A_10 = arith.constant 0 : index
    %get3A_11 = vector.load %arg5[%get3A_8, %get3A_9, %get3A_10] : memref<14x1x128xf32, #tpu.memory_space<vmem>>, vector<1x1x128xf32>
    %get3A_12 = vector.shape_cast %get3A_11 : vector<1x1x128xf32> to vector<128xf32>
    %broadcast_in_dim3A = vector.shape_cast %get3A_12 : vector<128xf32> to vector<1x128xf32>
    %add3A = vector.broadcast %broadcast_in_dim3A : vector<1x128xf32> to vector<1600x128xf32>
    %add3A_13 = arith.addf %dot_general3A_7, %add3A : vector<1600x128xf32>
    %get3A_14 = arith.index_cast %arg1 : i32 to index
    %get3A_15 = arith.constant 0 : index
    %get3A_16 = arith.constant 0 : index
    %get3A_17 = vector.load %arg4[%get3A_14, %get3A_15, %get3A_16] : memref<14x512x128xbf16, #tpu.memory_space<vmem>>, vector<1x512x128xbf16>
    %get3A_18 = vector.shape_cast %get3A_17 : vector<1x512x128xbf16> to vector<512x128xbf16>
    %dot_general3A_19 = arith.constant dense<0.000000e+00> : vector<1600x128xf32>
    %dot_general3A_20 = tpu.matmul %get3A_1, %get3A_18, %dot_general3A_19 {dimension_numbers = #tpu.dot_dimension_numbers<[1], [0], [0], [1], [0, 0, 1, 1], [], []>, transpose_lhs_hint = false} : vector<1600x512xbf16>, vector<512x128xbf16>, vector<1600x128xf32> -> vector<1600x128xf32>
    %get3A_21 = arith.index_cast %arg1 : i32 to index
    %get3A_22 = arith.constant 0 : index
    %get3A_23 = arith.constant 0 : index
    %get3A_24 = vector.load %arg6[%get3A_21, %get3A_22, %get3A_23] : memref<14x1x128xf32, #tpu.memory_space<vmem>>, vector<1x1x128xf32>
    %get3A_25 = vector.shape_cast %get3A_24 : vector<1x1x128xf32> to vector<128xf32>
    %broadcast_in_dim3A_26 = vector.shape_cast %get3A_25 : vector<128xf32> to vector<1x128xf32>
    %add3A_27 = vector.broadcast %broadcast_in_dim3A_26 : vector<1x128xf32> to vector<1600x128xf32>
    %add3A_28 = arith.addf %dot_general3A_20, %add3A_27 : vector<1600x128xf32>
    %bitcast_convert_type3A = tpu.bitcast %add3A_28 : vector<1600x128xf32> -> vector<1600x128xi32>
    %add3A_29 = arith.constant 32767 : i32
    %add3A_30 = vector.broadcast %add3A_29 : i32 to vector<1600x128xi32>
    %add3A_31 = arith.addi %bitcast_convert_type3A, %add3A_30 : vector<1600x128xi32>
    %shift_right_logical3A = arith.constant 16 : i32
    %shift_right_logical3A_32 = vector.broadcast %shift_right_logical3A : i32 to vector<1600x128xi32>
    %shift_right_logical3A_33 = arith.shrui %bitcast_convert_type3A, %shift_right_logical3A_32 : vector<1600x128xi32>
    %and3A = arith.constant 1 : i32
    %and3A_34 = vector.broadcast %and3A : i32 to vector<1600x128xi32>
    %and3A_35 = arith.andi %shift_right_logical3A_33, %and3A_34 : vector<1600x128xi32>
    %add3A_36 = arith.addi %add3A_31, %and3A_35 : vector<1600x128xi32>
    %and3A_37 = arith.constant -65536 : i32
    %and3A_38 = vector.broadcast %and3A_37 : i32 to vector<1600x128xi32>
    %and3A_39 = arith.andi %add3A_36, %and3A_38 : vector<1600x128xi32>
    %bitcast_convert_type3A_40 = tpu.bitcast %add3A_13 : vector<1600x128xf32> -> vector<1600x128xi32>
    %add3A_41 = arith.constant 32767 : i32
    %add3A_42 = vector.broadcast %add3A_41 : i32 to vector<1600x128xi32>
    %add3A_43 = arith.addi %bitcast_convert_type3A_40, %add3A_42 : vector<1600x128xi32>
    %shift_right_logical3A_44 = arith.constant 16 : i32
    %shift_right_logical3A_45 = vector.broadcast %shift_right_logical3A_44 : i32 to vector<1600x128xi32>
    %shift_right_logical3A_46 = arith.shrui %bitcast_convert_type3A_40, %shift_right_logical3A_45 : vector<1600x128xi32>
    %and3A_47 = arith.constant 1 : i32
    %and3A_48 = vector.broadcast %and3A_47 : i32 to vector<1600x128xi32>
    %and3A_49 = arith.andi %shift_right_logical3A_46, %and3A_48 : vector<1600x128xi32>
    %add3A_50 = arith.addi %add3A_43, %and3A_49 : vector<1600x128xi32>
    %shift_right_logical3A_51 = arith.constant 16 : i32
    %shift_right_logical3A_52 = vector.broadcast %shift_right_logical3A_51 : i32 to vector<1600x128xi32>
    %shift_right_logical3A_53 = arith.shrui %add3A_50, %shift_right_logical3A_52 : vector<1600x128xi32>
    %or3A = arith.ori %and3A_39, %shift_right_logical3A_53 : vector<1600x128xi32>
    %bitcast_convert_type3A_54 = tpu.bitcast %or3A : vector<1600x128xi32> -> vector<1600x128xf32>
    %swap3A = arith.constant 0 : index
    %swap3A_55 = arith.constant 0 : index
    %swap3A_56 = vector.load %arg7[%swap3A, %swap3A_55] : memref<1600x128xf32, #tpu.memory_space<vmem>>, vector<1600x128xf32>
    tpu.vector_store %arg7[%swap3A, %swap3A_55], %bitcast_convert_type3A_54 {strides = array<i32>} : memref<1600x128xf32, #tpu.memory_space<vmem>>, vector<1600x128xf32>,
    return
  }
  func.func @transform_0(%arg0: i32, %arg1: i32) -> (i32, i32) {
    %c0_i32 = arith.constant 0 : i32
    %c0_i32_0 = arith.constant 0 : i32
    return %arg0, %c0_i32 : i32, i32
  }
  func.func @transform_1(%arg0: i32, %arg1: i32) -> (i32, i32, i32) {
    %c0_i32 = arith.constant 0 : i32
    %c0_i32_0 = arith.constant 0 : i32
    %c0_i32_1 = arith.constant 0 : i32
    %c0_i32_2 = arith.constant 0 : i32
    return %c0_i32, %c0_i32_0, %c0_i32_1 : i32, i32, i32
  }
  func.func @transform_2(%arg0: i32, %arg1: i32) -> (i32, i32, i32) {
    %c0_i32 = arith.constant 0 : i32
    %c0_i32_0 = arith.constant 0 : i32
    %c0_i32_1 = arith.constant 0 : i32
    %c0_i32_2 = arith.constant 0 : i32
    return %c0_i32, %c0_i32_0, %c0_i32_1 : i32, i32, i32
  }
  func.func @transform_3(%arg0: i32, %arg1: i32) -> (i32, i32, i32) {
    %c0_i32 = arith.constant 0 : i32
    %c0_i32_0 = arith.constant 0 : i32
    %c0_i32_1 = arith.constant 0 : i32
    %c0_i32_2 = arith.constant 0 : i32
    return %c0_i32, %c0_i32_0, %c0_i32_1 : i32, i32, i32
  }
  func.func @transform_4(%arg0: i32, %arg1: i32) -> (i32, i32, i32) {
    %c0_i32 = arith.constant 0 : i32
    %c0_i32_0 = arith.constant 0 : i32
    %c0_i32_1 = arith.constant 0 : i32
    %c0_i32_2 = arith.constant 0 : i32
    return %c0_i32, %c0_i32_0, %c0_i32_1 : i32, i32, i32
  }
  func.func @transform_5(%arg0: i32, %arg1: i32) -> (i32, i32) {
    %mul3A = arith.constant 8 : i32
    %mul3A_0 = arith.muli %arg1, %mul3A : i32
    %add3A = arith.addi %mul3A_0, %arg0 : i32
    %c0_i32 = arith.constant 0 : i32
    %c0_i32_1 = arith.constant 0 : i32
    return %add3A, %c0_i32 : i32, i32
  }
}

module attributes {stable_mosaic.version = 14 : i64} {
  func.func @_mm_body(%arg0: i32, %arg1: i32, %arg2: memref<1600x512xbf16, #tpu.memory_space<vmem>>, %arg3: memref<13x512x128xbf16, #tpu.memory_space<vmem>>, %arg4: memref<13x512x128xbf16, #tpu.memory_space<vmem>>, %arg5: memref<13x1x128xf32, #tpu.memory_space<vmem>>, %arg6: memref<13x1x128xf32, #tpu.memory_space<vmem>>, %arg7: memref<1600x128xf32, #tpu.memory_space<vmem>>) attributes {dimension_semantics = [#tpu.dimension_semantics<arbitrary>, #tpu.dimension_semantics<arbitrary>], iteration_bounds = array<i64: 8, 13>, scalar_prefetch = 0 : i64, scratch_operands = 0 : i64, tpu.core_type = #tpu.core_type<tc>, window_params = [{transform_indices = @transform_0, window_bounds = array<i64: 1600, 512>}, {pipeline_mode = #tpu.pipeline_mode<synchronous>, transform_indices = @transform_1, window_bounds = array<i64: 13, 512, 128>}, {pipeline_mode = #tpu.pipeline_mode<synchronous>, transform_indices = @transform_2, window_bounds = array<i64: 13, 512, 128>}, {pipeline_mode = #tpu.pipeline_mode<synchronous>, transform_indices = @transform_3, window_bounds = array<i64: 13, 1, 128>}, {pipeline_mode = #tpu.pipeline_mode<synchronous>, transform_indices = @transform_4, window_bounds = array<i64: 13, 1, 128>}, {transform_indices = @transform_5, window_bounds = array<i64: 1600, 128>}]} {
    %get3A = arith.constant 0 : index
    %get3A_0 = arith.constant 0 : index
    %get3A_1 = vector.load %arg2[%get3A, %get3A_0] : memref<1600x512xbf16, #tpu.memory_space<vmem>>, vector<1600x512xbf16>
    %get3A_2 = arith.index_cast %arg1 : i32 to index
    %get3A_3 = arith.constant 0 : index
    %get3A_4 = arith.constant 0 : index
    %get3A_5 = vector.load %arg3[%get3A_2, %get3A_3, %get3A_4] : memref<13x512x128xbf16, #tpu.memory_space<vmem>>, vector<1x512x128xbf16>
    %get3A_6 = vector.shape_cast %get3A_5 : vector<1x512x128xbf16> to vector<512x128xbf16>
    %dot_general3A = arith.constant dense<0.000000e+00> : vector<1600x128xf32>
    %dot_general3A_7 = tpu.matmul %get3A_1, %get3A_6, %dot_general3A {dimension_numbers = #tpu.dot_dimension_numbers<[1], [0], [0], [1], [0, 0, 1, 1], [], []>, transpose_lhs_hint = false} : vector<1600x512xbf16>, vector<512x128xbf16>, vector<1600x128xf32> -> vector<1600x128xf32>
    %get3A_8 = arith.index_cast %arg1 : i32 to index
    %get3A_9 = arith.constant 0 : index
    %get3A_10 = arith.constant 0 : index
    %get3A_11 = vector.load %arg5[%get3A_8, %get3A_9, %get3A_10] : memref<13x1x128xf32, #tpu.memory_space<vmem>>, vector<1x1x128xf32>
    %get3A_12 = vector.shape_cast %get3A_11 : vector<1x1x128xf32> to vector<128xf32>
    %broadcast_in_dim3A = vector.shape_cast %get3A_12 : vector<128xf32> to vector<1x128xf32>
    %add3A = vector.broadcast %broadcast_in_dim3A : vector<1x128xf32> to vector<1600x128xf32>
    %add3A_13 = arith.addf %dot_general3A_7, %add3A : vector<1600x128xf32>
    %get3A_14 = arith.index_cast %arg1 : i32 to index
    %get3A_15 = arith.constant 0 : index
    %get3A_16 = arith.constant 0 : index
    %get3A_17 = vector.load %arg4[%get3A_14, %get3A_15, %get3A_16] : memref<13x512x128xbf16, #tpu.memory_space<vmem>>, vector<1x512x128xbf16>
    %get3A_18 = vector.shape_cast %get3A_17 : vector<1x512x128xbf16> to vector<512x128xbf16>
    %dot_general3A_19 = arith.constant dense<0.000000e+00> : vector<1600x128xf32>
    %dot_general3A_20 = tpu.matmul %get3A_1, %get3A_18, %dot_general3A_19 {dimension_numbers = #tpu.dot_dimension_numbers<[1], [0], [0], [1], [0, 0, 1, 1], [], []>, transpose_lhs_hint = false} : vector<1600x512xbf16>, vector<512x128xbf16>, vector<1600x128xf32> -> vector<1600x128xf32>
    %get3A_21 = arith.index_cast %arg1 : i32 to index
    %get3A_22 = arith.constant 0 : index
    %get3A_23 = arith.constant 0 : index
    %get3A_24 = vector.load %arg6[%get3A_21, %get3A_22, %get3A_23] : memref<13x1x128xf32, #tpu.memory_space<vmem>>, vector<1x1x128xf32>
    %get3A_25 = vector.shape_cast %get3A_24 : vector<1x1x128xf32> to vector<128xf32>
    %broadcast_in_dim3A_26 = vector.shape_cast %get3A_25 : vector<128xf32> to vector<1x128xf32>
    %add3A_27 = vector.broadcast %broadcast_in_dim3A_26 : vector<1x128xf32> to vector<1600x128xf32>
    %add3A_28 = arith.addf %dot_general3A_20, %add3A_27 : vector<1600x128xf32>
    %bitcast_convert_type3A = tpu.bitcast %add3A_28 : vector<1600x128xf32> -> vector<1600x128xi32>
    %add3A_29 = arith.constant 32767 : i32
    %add3A_30 = vector.broadcast %add3A_29 : i32 to vector<1600x128xi32>
    %add3A_31 = arith.addi %bitcast_convert_type3A, %add3A_30 : vector<1600x128xi32>
    %shift_right_logical3A = arith.constant 16 : i32
    %shift_right_logical3A_32 = vector.broadcast %shift_right_logical3A : i32 to vector<1600x128xi32>
    %shift_right_logical3A_33 = arith.shrui %bitcast_convert_type3A, %shift_right_logical3A_32 : vector<1600x128xi32>
    %and3A = arith.constant 1 : i32
    %and3A_34 = vector.broadcast %and3A : i32 to vector<1600x128xi32>
    %and3A_35 = arith.andi %shift_right_logical3A_33, %and3A_34 : vector<1600x128xi32>
    %add3A_36 = arith.addi %add3A_31, %and3A_35 : vector<1600x128xi32>
    %and3A_37 = arith.constant -65536 : i32
    %and3A_38 = vector.broadcast %and3A_37 : i32 to vector<1600x128xi32>
    %and3A_39 = arith.andi %add3A_36, %and3A_38 : vector<1600x128xi32>
    %bitcast_convert_type3A_40 = tpu.bitcast %add3A_13 : vector<1600x128xf32> -> vector<1600x128xi32>
    %add3A_41 = arith.constant 32767 : i32
    %add3A_42 = vector.broadcast %add3A_41 : i32 to vector<1600x128xi32>
    %add3A_43 = arith.addi %bitcast_convert_type3A_40, %add3A_42 : vector<1600x128xi32>
    %shift_right_logical3A_44 = arith.constant 16 : i32
    %shift_right_logical3A_45 = vector.broadcast %shift_right_logical3A_44 : i32 to vector<1600x128xi32>
    %shift_right_logical3A_46 = arith.shrui %bitcast_convert_type3A_40, %shift_right_logical3A_45 : vector<1600x128xi32>
    %and3A_47 = arith.constant 1 : i32
    %and3A_48 = vector.broadcast %and3A_47 : i32 to vector<1600x128xi32>
    %and3A_49 = arith.andi %shift_right_logical3A_46, %and3A_48 : vector<1600x128xi32>
    %add3A_50 = arith.addi %add3A_43, %and3A_49 : vector<1600x128xi32>
    %shift_right_logical3A_51 = arith.constant 16 : i32
    %shift_right_logical3A_52 = vector.broadcast %shift_right_logical3A_51 : i32 to vector<1600x128xi32>
    %shift_right_logical3A_53 = arith.shrui %add3A_50, %shift_right_logical3A_52 : vector<1600x128xi32>
    %or3A = arith.ori %and3A_39, %shift_right_logical3A_53 : vector<1600x128xi32>
    %bitcast_convert_type3A_54 = tpu.bitcast %or3A : vector<1600x128xi32> -> vector<1600x128xf32>
    %swap3A = arith.constant 0 : index
    %swap3A_55 = arith.constant 0 : index
    %swap3A_56 = vector.load %arg7[%swap3A, %swap3A_55] : memref<1600x128xf32, #tpu.memory_space<vmem>>, vector<1600x128xf32>
    tpu.vector_store %arg7[%swap3A, %swap3A_55], %bitcast_convert_type3A_54 {strides = array<i32>} : memref<1600x128xf32, #tpu.memory_space<vmem>>, vector<1600x128xf32>,
    return
  }
  func.func @transform_0(%arg0: i32, %arg1: i32) -> (i32, i32) {
    %c0_i32 = arith.constant 0 : i32
    %c0_i32_0 = arith.constant 0 : i32
    return %arg0, %c0_i32 : i32, i32
  }
  func.func @transform_1(%arg0: i32, %arg1: i32) -> (i32, i32, i32) {
    %c0_i32 = arith.constant 0 : i32
    %c0_i32_0 = arith.constant 0 : i32
    %c0_i32_1 = arith.constant 0 : i32
    %c0_i32_2 = arith.constant 0 : i32
    return %c0_i32, %c0_i32_0, %c0_i32_1 : i32, i32, i32
  }
  func.func @transform_2(%arg0: i32, %arg1: i32) -> (i32, i32, i32) {
    %c0_i32 = arith.constant 0 : i32
    %c0_i32_0 = arith.constant 0 : i32
    %c0_i32_1 = arith.constant 0 : i32
    %c0_i32_2 = arith.constant 0 : i32
    return %c0_i32, %c0_i32_0, %c0_i32_1 : i32, i32, i32
  }
  func.func @transform_3(%arg0: i32, %arg1: i32) -> (i32, i32, i32) {
    %c0_i32 = arith.constant 0 : i32
    %c0_i32_0 = arith.constant 0 : i32
    %c0_i32_1 = arith.constant 0 : i32
    %c0_i32_2 = arith.constant 0 : i32
    return %c0_i32, %c0_i32_0, %c0_i32_1 : i32, i32, i32
  }
  func.func @transform_4(%arg0: i32, %arg1: i32) -> (i32, i32, i32) {
    %c0_i32 = arith.constant 0 : i32
    %c0_i32_0 = arith.constant 0 : i32
    %c0_i32_1 = arith.constant 0 : i32
    %c0_i32_2 = arith.constant 0 : i32
    return %c0_i32, %c0_i32_0, %c0_i32_1 : i32, i32, i32
  }
  func.func @transform_5(%arg0: i32, %arg1: i32) -> (i32, i32) {
    %mul3A = arith.constant 8 : i32
    %mul3A_0 = arith.muli %arg1, %mul3A : i32
    %add3A = arith.addi %mul3A_0, %arg0 : i32
    %c0_i32 = arith.constant 0 : i32
    %c0_i32_1 = arith.constant 0 : i32
    return %add3A, %c0_i32 : i32, i32
  }
}

</mosaic_0001>

<sc_bundles>
// kernel: kernel.6.cloned.1.call-start
scs
__scs_entry_jumppad:
0x0: {  	(pc) =	sbr.rel $0x88, $3  }
0x1: {  	(tag) =	ssettag $0x0;
	lr =	simm.s32 $0x1  }
0x2: {  	[smem:$0x3F9B] =	sst lr;
	_ =	strace $0xD0000000  }
0x3: {  	_ = 	snop  }
0x4: {  	_ = 	snop  }
0x5: {  	_ = 	snop  }
0x6: {  	_ = 	snop  }
0x7: {  	_ = 	snop  }
__scs_overlays_trampoline_lowered:
0x8: {  	[smem:$0x3FAA] =	sst s0  }
0x9: {  	[smem:$0x3FAB] =	sst s1  }
0xa: {  	[smem:$0x3FAC] =	sst s2  }
0xb: {  	[smem:$0x3FAD] =	sst s3  }
0xc: {  	[smem:$0x3FAE] =	sst s4  }
0xd: {  	[smem:$0x3FAF] =	sst s5  }
0xe: {  	[smem:$0x3FB0] =	sst s6  }
0xf: {  	[smem:$0x3FB1] =	sst s7  }
0x10: {  	[smem:$0x3FB2] =	sst s8  }
0x11: {  	[smem:$0x3FB3] =	sst s9;
	s0 =	simm.s32 @!p0 $0x0  }
0x12: {  	s1 =	sld [smem:$0x3F99];
	s0 =	simm.s32 @p0 $0x1  }
0x13: {  	[smem:$0x3FB4] =	sst s0;
	s0 =	simm.s32 @!p1 $0x0  }
0x14: {  	s2 =	sld [smem:$0x3F98];
	s0 =	simm.s32 @p1 $0x1  }
0x15: {  	[smem:$0x3FB5] =	sst s0;
	s0 =	simm.s32 @!p2 $0x0  }
0x16: {  	s3 =	sld [smem:$0x3FDB];
	s0 =	simm.s32 @p2 $0x1  }
0x17: {  	s4 =	simm.s32 $0x1BF5;
	[smem:$0x3FB7] =	sst s0  }
0x18: {  	s0 =	sld [smem:$0x3F9A];
	_ =	swait.ge [sflag:s4], $0x0  }
0x19: {  	s7 =	sld [smem:$0x3F9B]  }
0x1a: {  	s8 =	sadd.s32 $0xFFFFE003, lr  }
0x1b: {  	s9 =	sadd.s32 $0xFFFFFEF7, lr;
	s5 =	simm.s32 $0xFFFFFFFF;
	p2 =	slt.u32 s8, $0xFFFFF086  }
0x1c: {  	p1 =	slt.u32 s9, $0xF7A;
	s5 =	simm.s32 @!p2 $0x0  }
0x1d: {  	s5 =	simm.s32 @p1 $0x1;
	p0 =	seq.s32 s7, s2  }
0x1e: {  	s7 =	smul.u32 @!p0 $0xF7A, s2;
	p2 =	seq.s32 @!p0 s5, $0x0  }
0x1f: {  	s9 =	smul.u32 $0xF7A, s1;
	s8 =	simm.s32 @!p0 $0x1BF5;
	p2 =	por !p2, p0  }
0x20: {  	[sflag:s8] =	ssyncset.s32 @!p0 $0xFFFFF086;
	s6 =	sadd.s32 @!p0 s3, s7;
	s7 =	simm.s32 @!p0 $0x108  }
0x21: {  	s3 =	sadd.s32 s3, s9;
	s6 =	sadd.s32 @!p0 $0x88, s6;
	s7 =	simm.s32 @p2 $0x1082  }
0x22: {  	[simem:s7], [sflag:s8] =	dma.local @!p0 [hbm:s6], $0xF7A  }
0x23: {  	s9 =	sor.u32 $0xD0000000, s2;
	s6 =	simm.s32 $0x108;
	_ =	swait.ge @!p0 [sflag:s8], $0x0  }
0x24: {  	s3 =	sadd.s32 $0x88, s3;
	s6 =	simm.s32 @!p1 $0x1082;
	[sflag:s4] =	ssyncset.s32 $0xFFFFF086  }
0x25: {  	[simem:s6], [sflag:s4] =	dma.local [hbm:s3], $0xF7A  }
0x26: {  	[smem:$0x3F9B] =	sst s1;
	(tag) =	ssettag s2;
	_ =	strace s9  }
0x27: {  	s1 =	sld [smem:$0x3FAB]  }
0x28: {  	s2 =	sld [smem:$0x3FAC]  }
0x29: {  	s4 =	sld [smem:$0x3FAE]  }
0x2a: {  	p0 =	seq.s32 s5, $0x0;
	s5 =	sld [smem:$0x3FAF]  }
0x2b: {  	s6 =	sld [smem:$0x3FB0]  }
0x2c: {  	s7 =	sld [smem:$0x3FB1]  }
0x2d: {  	s3 =	simm.s32 $0x108;
	s8 =	sld [smem:$0x3FB2]  }
0x2e: {  	s3 =	simm.s32 @!p0 $0x1082;
	s9 =	sld [smem:$0x3FB3]  }
0x2f: {  	lr =	sadd.s32 s0, s3;
	s0 =	sld [smem:$0x3FAA]  }
0x30: {  	s3 =	sld [smem:$0x3FAD]  }
0x31: {  	[smem:$0x3FB6] =	sst s10  }
0x32: {  	s10 =	sld [smem:$0x3FB4];
	_ =	sdelay $0x3  }
0x33: {  	p0 =	seq.s32 s10, $0x1;
	s10 =	sld [smem:$0x3FB6];
	_ =	sdelay $0x3  }
0x34: {  	[smem:$0x3FB6] =	sst s10  }
0x35: {  	s10 =	sld [smem:$0x3FB5];
	_ =	sdelay $0x3  }
0x36: {  	p1 =	seq.s32 s10, $0x1;
	s10 =	sld [smem:$0x3FB6];
	_ =	sdelay $0x3  }
0x37: {  	[smem:$0x3FB6] =	sst s10  }
0x38: {  	s10 =	sld [smem:$0x3FB7]  }
0x39: {  	_ = 	snop;
	(pc) =	sbr.ind lr, $3  }
0x3a: {  	_ = 	snop  }
0x3b: {  	_ = 	snop  }
0x3c: {  	p2 =	seq.s32 s10, $0x1;
	s10 =	sld [smem:$0x3FB6]  }
0x3d: {  	_ =	shalt  }
0x3e: {  	_ =	shalt  }
0x3f: {  	_ =	shalt  }
0x40: {  	_ =	shalt  }
0x41: {  	_ =	shalt  }
0x42: {  	_ =	shalt  }
0x43: {  	_ =	shalt  }
0x44: {  	_ =	shalt  }
0x45: {  	_ =	shalt  }
0x46: {  	_ =	shalt  }
0x47: {  	_ =	shalt  }
0x48: {  	_ =	shalt  }
0x49: {  	_ =	shalt  }
0x4a: {  	_ =	shalt  }
0x4b: {  	_ =	shalt  }
0x4c: {  	_ =	shalt  }
0x4d: {  	_ =	shalt  }
0x4e: {  	_ =	shalt  }
0x4f: {  	_ =	shalt  }
0x50: {  	_ =	shalt  }
0x51: {  	_ =	shalt  }
0x52: {  	_ =	shalt  }
0x53: {  	_ =	shalt  }
0x54: {  	_ =	shalt  }
0x55: {  	_ =	shalt  }
0x56: {  	_ =	shalt  }
0x57: {  	_ =	shalt  }
0x58: {  	_ =	shalt  }
0x59: {  	_ =	shalt  }
0x5a: {  	_ =	shalt  }
0x5b: {  	_ =	shalt  }
0x5c: {  	_ =	shalt  }
0x5d: {  	_ =	shalt  }
0x5e: {  	_ =	shalt  }
0x5f: {  	_ =	shalt  }
0x60: {  	_ =	shalt  }
0x61: {  	_ =	shalt  }
0x62: {  	_ =	shalt  }
0x63: {  	_ =	shalt  }
0x64: {  	_ =	shalt  }
0x65: {  	_ =	shalt  }
0x66: {  	_ =	shalt  }
0x67: {  	_ =	shalt  }
0x68: {  	_ =	shalt  }
0x69: {  	_ =	shalt  }
0x6a: {  	_ =	shalt  }
0x6b: {  	_ =	shalt  }
0x6c: {  	_ =	shalt  }
0x6d: {  	_ =	shalt  }
0x6e: {  	_ =	shalt  }
0x6f: {  	_ =	shalt  }
0x70: {  	_ =	shalt  }
0x71: {  	_ =	shalt  }
0x72: {  	_ =	shalt  }
0x73: {  	_ =	shalt  }
0x74: {  	_ =	shalt  }
0x75: {  	_ =	shalt  }
0x76: {  	_ =	shalt  }
0x77: {  	_ =	shalt  }
0x78: {  	_ =	shalt  }
0x79: {  	_ =	shalt  }
0x7a: {  	_ =	shalt  }
0x7b: {  	_ =	shalt  }
0x7c: {  	_ =	shalt  }
0x7d: {  	_ =	shalt  }
0x7e: {  	_ =	shalt  }
0x7f: {  	_ =	shalt  }
0x80: {  	_ =	shalt  }
0x81: {  	_ =	shalt  }
0x82: {  	_ =	shalt  }
0x83: {  	_ =	shalt  }
0x84: {  	_ =	shalt  }
0x85: {  	_ =	shalt  }
0x86: {  	_ =	shalt  }
0x87: {  	_ =	shalt  }
.Lfunc_end0:
.L_simem_size_0:
called_computation_lowered:
.L_overlay_start_0:
0x88: {  	s2 =	sld [smem:$0x3FD9]  }
0x89: {  	s3 =	sld [smem:$0x3FFE];
	_ =	sdelay $0x1  }
0x8a: {  	s1 =	srdreg.scid  }
0x8b: {  	s0 =	sand.u32 $0x1, s1  }
0x8c: {  	s14 =	sshll.u32 s0, $0xA;
	s2 =	sadd.s32 s3, s2  }
0x8d: {  	s2 =	sadd.s32 s2, s14  }
0x8e: {  	[smem:$0x3FC2] =	sst s2  }
0x8f: {  	_ = 	snop  }
0x90: {  	s2 =	sld [smem:$0x3FD0];
	_ =	sdelay $0x2  }
0x91: {  	s15 =	simm.s32 $0xA;
	s4 =	simm.s32 $0x10  }
0x92: {  	[smem:s4], [sflag:s15] =	dma.local [hbm:s2], $0x1  }
0x93: {  	_ =	swait.eq [sflag:s15], $0x1  }
0x94: {  	[sflag:s15] =	ssyncset.done $0x0  }
0x95: {  	[sflag:s15] =	ssyncadd.s32 $0xFFFFFFFF  }
0x96: {  	s16 =	sld [smem:$0x11];
	(tm) =	ssettm $0x1  }
0x97: {  	s17 =	sld [smem:$0x3FFB];
	_ =	sdelay $0x3  }
0x98: {  	_ =	strace s17  }
0x99: {  	s3 =	sld [smem:$0x3FFC];
	_ =	sdelay $0x3  }
0x9a: {  	_ =	strace s3  }
0x9b: {  	s3 =	sld [smem:$0x3FFD];
	_ =	sdelay $0x3  }
0x9c: {  	_ =	strace s3  }
0x9d: {  	_ =	strace $0x8FFFFFFF  }
0x9e: {  	s18 =	sld [smem:$0x3FDB];
	_ =	sdelay $0x1  }
0x9f: {  	s19 =	simm.s32 $_scs_section_size  }
0xa0: {  	s5 =	simm.s32 $_size__tile_overlayer_lowered;
	s6 =	simm.s32 $_tile_overlayer_lowered  }
0xa1: {  	s22 =	simm.s32 $0x1BFF;
	s21 =	sshll.u32 s6, $0x1;
	s3 =	sadd.s32 s19, s18  }
0xa2: {  	s7 =	simm.s32 $0x0;
	s20 =	sshll.u32 s5, $0x1;
	s5 =	sadd.s32 s21, s3  }
0xa3: {  	[timem:s7], [sflag:s22] =	dma.local [hbm:s5], s20  }
0xa4: {  	_ =	swait.ge [sflag:s22], s20  }
0xa5: {  	s4 =	ssub.s32 $0x0, s20;
	[sflag:s22] =	ssyncset.done $0x0  }
0xa6: {  	[sflag:s22] =	ssyncadd.s32 s4;
	_ =	sdelay $0x1  }
0xa7: {  	s23 =	simm.s32 $0x1B8B  }
0xa8: {  	_ =	swait.ge [sflag:s23], $0x1  }
0xa9: {  	[sflag:s23] =	ssyncset.done $0x0  }
0xaa: {  	s25 =	simm.s32 $0x1B8E;
	s24 =	sld [smem:$0x3FFE];
	[sflag:s23] =	ssyncadd.s32 $0xFFFFFFFF  }
0xab: {  	s26 =	simm.s32 $execute0_lowered;
	[smem:$0x3FD2] =	sst s25  }
0xac: {  	s5 =	sshll.u32 s26, $0x1;
	_ =	strace $0x80000046;
	[dreg:$0x1] =	wrdreg $0xFFFFFFFF  }
0xad: {  	s28 =	simm.s32 $_size_execute0_lowered;
	s3 =	sadd.s32 s3, s5;
	[dreg:$0x0] =	wrdreg $0x0  }
0xae: {  	s5 =	sshll.u32 s28, $0x1;
	[dreg:$0x2] =	wrdreg s3  }
0xaf: {  	[dreg:$0x3] =	wrdreg s5  }
0xb0: {  	[dreg:$0x4] =	wrdreg $0xC0  }
0xb1: {  	_ =	task [dreg:s7], $0x5FFFF  }
0xb2: {  	[dreg:$0x1] =	wrdreg $0xFFFFFFFF  }
0xb3: {  	[dreg:$0x0] =	wrdreg $0x60  }
0xb4: {  	[dreg:$0x2] =	wrdreg s24  }
0xb5: {  	[dreg:$0x3] =	wrdreg s16  }
0xb6: {  	[dreg:$0x4] =	wrdreg $0x9  }
0xb7: {  	_ =	task.clear_ibuf [dreg:s7], $0x5FFFF;
	_ =	strace $0x90000046  }
0xb8: {  	s29 =	simm.s32 $0x9;
	_ =	strace $0x80000048  }
0xb9: {  	_ =	swait.ge [sflag:s29], $0x1  }
0xba: {  	[sflag:s29] =	ssyncadd.s32 $0xFFFFFFFF  }
0xbb: {  	_ =	strace $0x90000048  }
0xbc: {  	_ =	sfence  }
0xbd: {  	s30 =	sld [smem:$0x0];
	_ =	sdelay $0x2  }
0xbe: {  	s31 =	sshll.u32 s1, $0xD;
	s1 =	sshrl.u32 s1, $0x2  }
0xbf: {  	s3 =	sand.u32 $0x4000, s31;
	s1 =	sadd.s32 s1, s30  }
0xc0: {  	s0 =	sor.u32 s3, s0;
	s1 =	sshll.u32 s1, $0x11  }
0xc1: {  	s0 =	sor.u32 s1, s0  }
0xc2: {  	s0 =	sadd.s32 $0x8F2B, s0  }
0xc3: {  	[sflag:s0] =	ssyncadd.remote.s32 $0x1  }
0xc4: {  	_ =	sfence.sel $0xFFFF  }
0xc5: {  	[dreg:$0x0] =	wrdreg $0xFFFFFFFF;
	(pc) =	sbr.abs _section_cstart, $3  }
0xc6: {  	[dreg:$0x1] =	wrdreg $0xFFFFFFFF  }
0xc7: {  	_ =	task.clear_ibuf [dreg:s7], $0x2FFFF;
	_ =	strace $0x9FFFFFFF  }
0xc8: {  	(tm) =	ssettm $0x7FFFFFFF  }
0xc9: {  	_ =	shalt  }
tec
execute0_lowered:
.L_overlay_start_1:
0x0: {  	(tag) =	ssettag $0x1  }
0x1: {  	s0 =	rddreg [dreg:$0x0];
	s2 =	simm.s32 $0x0  }
0x2: {  	s1 =	srdreg.scid;
	s3 =	stileid.u32;
	s9 =	simm.s32 $0x3  }
0x3: {  	s10 =	simm.s32 $0x80;
	s19 =	simm.s32 $0x2F00;
	s20 =	simm.s32 $0x300  }
0x4: {  	s21 =	simm.s32 $0x3700;
	s22 =	simm.s32 $0x380;
	s23 =	simm.s32 $0x3F00  }
0x5: {  	s24 =	simm.s32 $0x400;
	s28 =	simm.s32 $0x4F00;
	s29 =	simm.s32 $0x500  }
0x6: {  	s30 =	simm.s32 $0x5700;
	s31 =	simm.s32 $0x580;
	s8 =	simm.s32 $0x6700  }
0x7: {  	s11 =	simm.s32 $0x1;
	s12 =	simm.s32 $0x2;
	s13 =	simm.s32 $0x7700  }
0x8: {  	s15 =	simm.s32 $0x0;
	[smem:$0x7FF] =	sst s2;
	s1 =	sand.u32 $0x1, s1  }
0x9: {  	s3 =	sshll.u32 s3, $0x1;
	s4 =	sadd.s32 $0x1E00, s0;
	s5 =	sadd.s32 $0x2BDE00, s0  }
0xa: {  	s2 =	simm.s32 $0x600;
	s25 =	ssub.s32 $0x2, s1;
	s1 =	sor.u32 s1, s3  }
0xb: {  	_ =	strace $0x80000047;
	s6 =	sshrl.u32 s25, $0x1;
	s7 =	smul.u32 $0x19000, s1  }
0xc: {  	s3 =	simm.s32 $0x6F00;
	s26 =	ssub.s32 s25, s6;
	s6 =	smul.u32 $0xAF00, s1  }
0xd: {  	s25 =	simm.s32 $0x4700;
	s1 =	simm.s32 $0x680;
	s0 =	smax.u32 s26, $0x1  }
0xe: {  	s26 =	simm.s32 $0x480;
	[dreg:$0x3] =	wrdreg s0;
	s0 =	simm.s32 $0x5F00  }
.LBB2_1:
0xf: {  	[dreg:$0x4] =	wrdreg s15;
	s14 =	simm.s32 $0x0  }
.LBB2_2:
0x10: {  	s15 =	smul.u32 $0x700, s14;
	_ =	sdelay $0x1  }
0x11: {  	s15 =	sadd.s32 s6, s15  }
0x12: {  	s16 =	rddreg [dreg:$0x1];
	s15 =	sshrl.u32 s15, $0x3  }
0x13: {  	s17 =	simm.s32 $0x0;
	s15 =	sadd.s32 s16, s15  }
0x14: {  	[tilespmem:s17], [sflag:$0x3] =	stream.linear.gather [hbm4b:s15+s17], $0x700, $0x38;
	[tilespmem:$0x8700] =	vst v63  }
0x15: {  	_ =	swait.ge [sflag:s9], $0x700  }
0x16: {  	[sflag:s9] =	ssyncset.done $0x0  }
0x17: {  	s18 =	simm.s32 $0x700;
	[sflag:s9] =	ssyncadd.s32 $0xFFFFF900  }
0x18: {  	[tilespmem:s18], [sflag:$0x1] =	stream.indirect.gather [hbm4b:s4+s10], $0x10, s17, s10, $0xb8;
	[tilespmem:$0x8700] =	vst v63  }
0x19: {  	s16 =	simm.s32 $0xF00  }
0x1a: {  	[tilespmem:s16], [sflag:$0x1] =	stream.indirect.gather [hbm4b:s4+s10], $0x10, s10, s10, $0xb8;
	[tilespmem:$0x8700] =	vst v63  }
0x1b: {  	s17 =	simm.s32 $0x100;
	s18 =	simm.s32 $0x1700  }
0x1c: {  	[tilespmem:s18], [sflag:$0x1] =	stream.indirect.gather [hbm4b:s4+s10], $0x10, s17, s10, $0xb8;
	[tilespmem:$0x8700] =	vst v63  }
0x1d: {  	s15 =	simm.s32 $0x1F00;
	s17 =	simm.s32 $0x180  }
0x1e: {  	[tilespmem:s15], [sflag:$0x1] =	stream.indirect.gather [hbm4b:s4+s10], $0x10, s17, s10, $0xb8;
	[tilespmem:$0x8700] =	vst v63  }
0x1f: {  	s18 =	simm.s32 $0x200;
	s17 =	simm.s32 $0x2700  }
0x20: {  	[tilespmem:s17], [sflag:$0x1] =	stream.indirect.gather [hbm4b:s4+s10], $0x10, s18, s10, $0xb8;
	[tilespmem:$0x8700] =	vst v63  }
0x21: {  	s18 =	simm.s32 $0x280  }
0x22: {  	[tilespmem:s19], [sflag:$0x1] =	stream.indirect.gather [hbm4b:s4+s10], $0x10, s18, s10, $0xb8;
	[tilespmem:$0x8700] =	vst v63  }
0x23: {  	_ = 	snop  }
0x24: {  	[tilespmem:s21], [sflag:$0x1] =	stream.indirect.gather [hbm4b:s4+s10], $0x10, s20, s10, $0xb8;
	[tilespmem:$0x8700] =	vst v63  }
0x25: {  	_ = 	snop  }
0x26: {  	[tilespmem:s23], [sflag:$0x2] =	stream.indirect.gather [hbm4b:s4+s10], $0x10, s22, s10, $0xb8;
	[tilespmem:$0x8700] =	vst v63  }
0x27: {  	_ = 	snop  }
0x28: {  	[tilespmem:s25], [sflag:$0x2] =	stream.indirect.gather [hbm4b:s4+s10], $0x10, s24, s10, $0xb8;
	[tilespmem:$0x8700] =	vst v63  }
0x29: {  	_ = 	snop  }
0x2a: {  	[tilespmem:s28], [sflag:$0x2] =	stream.indirect.gather [hbm4b:s4+s10], $0x10, s26, s10, $0xb8;
	[tilespmem:$0x8700] =	vst v63  }
0x2b: {  	_ = 	snop  }
0x2c: {  	[tilespmem:s30], [sflag:$0x2] =	stream.indirect.gather [hbm4b:s4+s10], $0x10, s29, s10, $0xb8;
	[tilespmem:$0x8700] =	vst v63  }
0x2d: {  	_ = 	snop  }
0x2e: {  	[tilespmem:s0], [sflag:$0x2] =	stream.indirect.gather [hbm4b:s4+s10], $0x10, s31, s10, $0xb8;
	[tilespmem:$0x8700] =	vst v63  }
0x2f: {  	_ = 	snop  }
0x30: {  	[tilespmem:s8], [sflag:$0x2] =	stream.indirect.gather [hbm4b:s4+s10], $0x10, s2, s10, $0xb8;
	[tilespmem:$0x8700] =	vst v63  }
0x31: {  	_ = 	snop  }
0x32: {  	[tilespmem:s3], [sflag:$0x2] =	stream.indirect.gather [hbm4b:s4+s10], $0x10, s1, s10, $0xb8;
	[tilespmem:$0x8700] =	vst v63  }
0x33: {  	_ =	swait.ge [sflag:s11], $0x800  }
0x34: {  	[sflag:s11] =	ssyncset.done $0x0  }
0x35: {  	[sflag:s11] =	ssyncadd.s32 $0xFFFFF800  }
0x36: {  	_ =	swait.ge [sflag:s11], $0x800  }
0x37: {  	[sflag:s11] =	ssyncset.done $0x0  }
0x38: {  	[sflag:s11] =	ssyncadd.s32 $0xFFFFF800  }
0x39: {  	_ =	swait.ge [sflag:s11], $0x800  }
0x3a: {  	[sflag:s11] =	ssyncset.done $0x0  }
0x3b: {  	[sflag:s11] =	ssyncadd.s32 $0xFFFFF800  }
0x3c: {  	_ =	swait.ge [sflag:s11], $0x800  }
0x3d: {  	[sflag:s11] =	ssyncset.done $0x0  }
0x3e: {  	[sflag:s11] =	ssyncadd.s32 $0xFFFFF800  }
0x3f: {  	_ =	swait.ge [sflag:s11], $0x800  }
0x40: {  	[sflag:s11] =	ssyncset.done $0x0  }
0x41: {  	[sflag:s11] =	ssyncadd.s32 $0xFFFFF800  }
0x42: {  	_ =	swait.ge [sflag:s11], $0x800  }
0x43: {  	[sflag:s11] =	ssyncset.done $0x0  }
0x44: {  	[sflag:s11] =	ssyncadd.s32 $0xFFFFF800  }
0x45: {  	_ =	swait.ge [sflag:s11], $0x800  }
0x46: {  	[sflag:s11] =	ssyncset.done $0x0  }
0x47: {  	[sflag:s11] =	ssyncadd.s32 $0xFFFFF800  }
0x48: {  	v0 =	vld [tilespmem:s15+$0xFFFFE800]  }
0x49: {  	v1 =	vld [tilespmem:s15+$0xFFFFF000];
	_ =	sdelay $0x1  }
0x4a: {  	v2 =	vld [tilespmem:s15+$0xFFFFF800];
	_ =	sdelay $0x1  }
0x4b: {  	v4 =	vld [tilespmem:s15+$0x0];
	v3 =	vunpack.i.l.bf16.f32 v0  }
0x4c: {  	v0 =	vunpack.i.u.bf16.f32 v0;
	v5 =	vunpack.i.u.bf16.f32 v1;
	v1 =	vunpack.i.l.bf16.f32 v1  }
0x4d: {  	v1 =	vadd.f32 v1, v3;
	v0 =	vadd.f32 v5, v0;
	v3 =	vld [tilespmem:s15+$0x800]  }
0x4e: {  	v60 =	vunpack.i.u.bf16.f32 v2;
	v2 =	vunpack.i.l.bf16.f32 v2  }
0x4f: {  	v1 =	vadd.f32 v2, v1;
	v0 =	vadd.f32 v60, v0;
	v2 =	vld [tilespmem:s15+$0x1000]  }
0x50: {  	v61 =	vunpack.i.u.bf16.f32 v4;
	v4 =	vunpack.i.l.bf16.f32 v4  }
0x51: {  	v62 =	vld [tilespmem:s15+$0x1800];
	v1 =	vadd.f32 v4, v1;
	v0 =	vadd.f32 v61, v0  }
0x52: {  	v63 =	vunpack.i.u.bf16.f32 v3;
	v3 =	vunpack.i.l.bf16.f32 v3  }
0x53: {  	v1 =	vadd.f32 v3, v1;
	v0 =	vadd.f32 v63, v0  }
0x54: {  	v3 =	vunpack.i.u.bf16.f32 v2;
	v2 =	vunpack.i.l.bf16.f32 v2  }
0x55: {  	v1 =	vadd.f32 v2, v1;
	v0 =	vadd.f32 v3, v0  }
0x56: {  	v2 =	vunpack.i.u.bf16.f32 v62;
	v3 =	vunpack.i.l.bf16.f32 v62  }
0x57: {  	s16 =	simm.s32 $0x80;
	s17 =	simm.s32 $0x0;
	v1 =	vadd.f32 v3, v1;
	v0 =	vadd.f32 v2, v0  }
.LBB2_3:
0x58: {  	p0 =	sne.s32 s16, $0x3F80  }
0x59: {  	[tilespmem:s17+$0x7700] =	vst v1;
	s15 =	sadd.s32 $0x10, s15;
	s18 =	smov.u32 s16;
	s16 =	sadd.s32 $0x80, s16  }
0x5a: {  	[tilespmem:s17+$0x7710] =	vst v0  }
0x5b: {  	v0 =	vld [tilespmem:s15+$0xFFFFE800]  }
0x5c: {  	v1 =	vld [tilespmem:s15+$0xFFFFF000];
	_ =	sdelay $0x1  }
0x5d: {  	v2 =	vld [tilespmem:s15+$0xFFFFF800];
	_ =	sdelay $0x1  }
0x5e: {  	v3 =	vunpack.i.l.bf16.f32 v0;
	v4 =	vld [tilespmem:s15+$0x0]  }
0x5f: {  	v0 =	vunpack.i.u.bf16.f32 v0;
	v5 =	vunpack.i.u.bf16.f32 v1;
	v1 =	vunpack.i.l.bf16.f32 v1  }
0x60: {  	v1 =	vadd.f32 v1, v3;
	v0 =	vadd.f32 v5, v0;
	v3 =	vld [tilespmem:s15+$0x800]  }
0x61: {  	v5 =	vunpack.i.u.bf16.f32 v2;
	v2 =	vunpack.i.l.bf16.f32 v2  }
0x62: {  	v1 =	vadd.f32 v2, v1;
	v0 =	vadd.f32 v5, v0;
	v2 =	vld [tilespmem:s15+$0x1000]  }
0x63: {  	v5 =	vunpack.i.u.bf16.f32 v4;
	v4 =	vunpack.i.l.bf16.f32 v4  }
0x64: {  	v1 =	vadd.f32 v4, v1;
	v0 =	vadd.f32 v5, v0;
	v4 =	vld [tilespmem:s15+$0x1800]  }
0x65: {  	v5 =	vunpack.i.u.bf16.f32 v3;
	v3 =	vunpack.i.l.bf16.f32 v3  }
0x66: {  	v1 =	vadd.f32 v3, v1;
	v0 =	vadd.f32 v5, v0  }
.Ltmp0:
0x67: {  	v3 =	vunpack.i.u.bf16.f32 v2;
	v2 =	vunpack.i.l.bf16.f32 v2;
	(pc) =	sbr.rel @p0 .LBB2_3-.Ltmp0, $4  }
0x68: {  	v1 =	vadd.f32 v2, v1;
	v0 =	vadd.f32 v3, v0  }
0x69: {  	v2 =	vunpack.i.u.bf16.f32 v4;
	v3 =	vunpack.i.l.bf16.f32 v4  }
0x6a: {  	v1 =	vadd.f32 v3, v1;
	v0 =	vadd.f32 v2, v0  }
0x6b: {  	s17 =	sshra.s32 s18, $0x2  }
0x6c: {  	[tilespmem:s17+$0x7700] =	vst v1  }
0x6d: {  	[tilespmem:s17+$0x7710] =	vst v0  }
0x6e: {  	_ =	swait.ge [sflag:s12], $0x800  }
0x6f: {  	[sflag:s12] =	ssyncset.done $0x0  }
0x70: {  	[sflag:s12] =	ssyncadd.s32 $0xFFFFF800  }
0x71: {  	_ =	swait.ge [sflag:s12], $0x800  }
0x72: {  	[sflag:s12] =	ssyncset.done $0x0  }
0x73: {  	[sflag:s12] =	ssyncadd.s32 $0xFFFFF800  }
0x74: {  	_ =	swait.ge [sflag:s12], $0x800  }
0x75: {  	[sflag:s12] =	ssyncset.done $0x0  }
0x76: {  	[sflag:s12] =	ssyncadd.s32 $0xFFFFF800  }
0x77: {  	_ =	swait.ge [sflag:s12], $0x800  }
0x78: {  	[sflag:s12] =	ssyncset.done $0x0  }
0x79: {  	[sflag:s12] =	ssyncadd.s32 $0xFFFFF800  }
0x7a: {  	_ =	swait.ge [sflag:s12], $0x800  }
0x7b: {  	[sflag:s12] =	ssyncset.done $0x0  }
0x7c: {  	[sflag:s12] =	ssyncadd.s32 $0xFFFFF800  }
0x7d: {  	_ =	swait.ge [sflag:s12], $0x800  }
0x7e: {  	[sflag:s12] =	ssyncset.done $0x0  }
0x7f: {  	[sflag:s12] =	ssyncadd.s32 $0xFFFFF800  }
0x80: {  	_ =	swait.ge [sflag:s12], $0x800  }
0x81: {  	[sflag:s12] =	ssyncset.done $0x0  }
0x82: {  	s15 =	simm.s32 $0x0;
	[sflag:s12] =	ssyncadd.s32 $0xFFFFF800  }
0x83: {  	v0 =	vld [tilespmem:s15+$0x3F00]  }
0x84: {  	v1 =	vld [tilespmem:s15+$0x4700];
	_ =	sdelay $0x1  }
0x85: {  	v2 =	vld [tilespmem:s15+$0x4F00];
	_ =	sdelay $0x1  }
0x86: {  	v3 =	vld [tilespmem:s15+$0x5700];
	v4 =	vunpack.i.u.bf16.f32 v0  }
0x87: {  	v0 =	vunpack.i.l.bf16.f32 v0;
	v5 =	vunpack.i.u.bf16.f32 v1;
	v1 =	vunpack.i.l.bf16.f32 v1  }
0x88: {  	v6 =	vld [tilespmem:s15+$0x5F00];
	v0 =	vadd.f32 v1, v0;
	v1 =	vadd.f32 v5, v4  }
0x89: {  	v60 =	vunpack.i.l.bf16.f32 v2;
	v2 =	vunpack.i.u.bf16.f32 v2  }
0x8a: {  	v61 =	vld [tilespmem:s15+$0x6700];
	v0 =	vadd.f32 v60, v0;
	v1 =	vadd.f32 v2, v1  }
0x8b: {  	v2 =	vunpack.i.l.bf16.f32 v3;
	v3 =	vunpack.i.u.bf16.f32 v3  }
0x8c: {  	v62 =	vld [tilespmem:s15+$0x6F00];
	v0 =	vadd.f32 v2, v0;
	v1 =	vadd.f32 v3, v1  }
0x8d: {  	s15 =	simm.s32 $0x7710;
	v2 =	vunpack.i.l.bf16.f32 v6;
	v3 =	vunpack.i.u.bf16.f32 v6  }
0x8e: {  	v63 =	vld [tilespmem:s15+$0x0];
	v0 =	vadd.f32 v2, v0;
	v1 =	vadd.f32 v3, v1  }
0x8f: {  	v5 =	vunpack.i.u.bf16.f32 v61;
	v2 =	vld [tilespmem:s15+$0xFFFFFFF0];
	v3 =	vunpack.i.l.bf16.f32 v61  }
0x90: {  	v0 =	vadd.f32 v3, v0;
	v1 =	vadd.f32 v5, v1  }
0x91: {  	v4 =	vunpack.i.u.bf16.f32 v62;
	v3 =	vunpack.i.l.bf16.f32 v62  }
0x92: {  	v0 =	vadd.f32 v3, v0;
	v3 =	vadd.f32 v4, v1;
	_ =	sdelay $0x1  }
0x93: {  	s17 =	simm.s32 $0x40;
	s16 =	simm.s32 $0x7710;
	v1 =	vadd.f32 v0, v2;
	v0 =	vadd.f32 v63, v3  }
.LBB2_5:
0x94: {  	p0 =	sne.s32 s17, $0x1FC0  }
0x95: {  	s15 =	sadd.s32 $0x20, s15;
	s18 =	smov.u32 s17;
	s17 =	sadd.s32 $0x40, s17  }
0x96: {  	[tilespmem:s16+$0xFFFFFFF0] =	vst v1  }
0x97: {  	s18 =	sshra.s32 s18, $0x2;
	[tilespmem:s16+$0x0] =	vst v0;
	s16 =	smov.u32 s15  }
0x98: {  	v0 =	vld [tilespmem:s18+$0x3F00]  }
0x99: {  	v1 =	vld [tilespmem:s18+$0x4700]  }
0x9a: {  	v2 =	vld [tilespmem:s18+$0x4F00]  }
0x9b: {  	v3 =	vld [tilespmem:s18+$0x5700];
	_ =	sdelay $0x1  }
0x9c: {  	v4 =	vunpack.i.u.bf16.f32 v0;
	v0 =	vunpack.i.l.bf16.f32 v0  }
0x9d: {  	v5 =	vunpack.i.u.bf16.f32 v1;
	v1 =	vunpack.i.l.bf16.f32 v1;
	v6 =	vld [tilespmem:s18+$0x5F00]  }
0x9e: {  	v0 =	vadd.f32 v1, v0;
	v1 =	vadd.f32 v5, v4;
	v4 =	vunpack.i.l.bf16.f32 v2;
	v5 =	vld [tilespmem:s18+$0x6700]  }
0x9f: {  	v2 =	vunpack.i.u.bf16.f32 v2;
	v7 =	vunpack.i.l.bf16.f32 v3  }
0xa0: {  	v0 =	vadd.f32 v4, v0;
	v1 =	vadd.f32 v2, v1;
	v2 =	vunpack.i.u.bf16.f32 v3  }
0xa1: {  	v3 =	vld [tilespmem:s18+$0x6F00]  }
0xa2: {  	v0 =	vadd.f32 v7, v0;
	v1 =	vadd.f32 v2, v1;
	v2 =	vunpack.i.l.bf16.f32 v6  }
0xa3: {  	v4 =	vunpack.i.u.bf16.f32 v6;
	v6 =	vunpack.i.l.bf16.f32 v5  }
0xa4: {  	v0 =	vadd.f32 v2, v0;
	v1 =	vadd.f32 v4, v1;
	v2 =	vunpack.i.u.bf16.f32 v5;
	v4 =	vld [tilespmem:s15+$0xFFFFFFF0]  }
0xa5: {  	v5 =	vld [tilespmem:s15+$0x0]  }
.Ltmp1:
0xa6: {  	v0 =	vadd.f32 v6, v0;
	v1 =	vadd.f32 v2, v1;
	v2 =	vunpack.i.l.bf16.f32 v3;
	(pc) =	sbr.rel @p0 .LBB2_5-.Ltmp1, $3  }
0xa7: {  	v3 =	vunpack.i.u.bf16.f32 v3  }
0xa8: {  	v0 =	vadd.f32 v2, v0;
	v2 =	vadd.f32 v3, v1;
	_ =	sdelay $0x1  }
0xa9: {  	v1 =	vadd.f32 v0, v4;
	v0 =	vadd.f32 v5, v2  }
0xaa: {  	s15 =	sshll.u32 s14, $0xC  }
0xab: {  	s14 =	sadd.s32 $0x1, s14;
	s15 =	sadd.s32 s7, s15  }
0xac: {  	[tilespmem:s16+$0xFFFFFFF0] =	vst v1;
	p0 =	sne.s32 s14, $0x19;
	s15 =	sshrl.u32 s15, $0x3  }
.Ltmp2:
0xad: {  	s18 =	simm.s32 $0x0;
	[tilespmem:s16+$0x0] =	vst v0;
	s15 =	sadd.s32 s5, s15;
	(pc) =	sbr.rel @p0 .LBB2_2-.Ltmp2, $4  }
0xae: {  	[hbm4b:s15+s18] =	stream.linear.scatter [tilespmem:s13], [sflag:$0x3], $0x1000, $0x38;
	[tilespmem:$0x8700] =	vst v63  }
0xaf: {  	_ =	swait.ge [sflag:s9], $0x1000  }
0xb0: {  	[sflag:s9] =	ssyncset.done $0x0  }
0xb1: {  	[sflag:s9] =	ssyncadd.s32 $0xFFFFF000  }
0xb2: {  	s15 =	rddreg [dreg:$0x4]  }
0xb3: {  	s14 =	rddreg [dreg:$0x3];
	s15 =	sadd.s32 $0x1, s15  }
0xb4: {  	p0 =	sne.s32 s15, s14  }
.Ltmp3:
0xb5: {  	_ = 	snop;
	(pc) =	sbr.rel @p0 .LBB2_1-.Ltmp3, $1  }
0xb6: {  	_ =	sdelay $0x3  }
0xb7: {  	_ =	sfence.sel $0x180000  }
0xb8: {  	[bflag:$0x0] =	sbarrier.arrive $0xFFFF  }
0xb9: {  	_ =	strace $0x90000047  }
0xba: {  	s0 =	stileid.u32;
	[bflag:$0x2] =	sbarrier.arrive $0xFFFF  }
0xbb: {  	p0 =	sne.s32 s0, $0x0;
	s0 =	rddreg [dreg:$0x2]  }
0xbc: {  	s0 =	sadd.s32 @!p0 $0x100000, s0  }
0xbd: {  	[sflag:s0] =	ssyncadd.tile.s32 @!p0 $0x1;
	_ =	shalt  }
.Lfunc_end2:
_tile_overlayer_lowered:
.L_overlay_start_2:
0xbe: {  	(tag) =	ssettag $0x2  }
0xbf: {  	s0 =	rddreg [dreg:$0x0];
	s2 =	stileid.u32  }
0xc0: {  	s1 =	rddreg [dreg:$0x1];
	p0 =	sne.s32 s2, $0x0  }
0xc1: {  	s3 =	rddreg [dreg:$0x2];
	[bflag:$0x3] =	sbarrier.arrive $0xFFFF;
	s2 =	simm.s32 @!p0 $0x1C03  }
0xc2: {  	[timem:s3], [sflag:s2] =	dma.local @!p0 [hbm:s0], s1  }
0xc3: {  	s0 =	simm.s32 @!p0 $0x3  }
0xc4: {  	_ =	swait.ge @!p0 [sflag:s0], s1  }
0xc5: {  	s1 =	ssub.s32 @!p0 $0x0, s1;
	[sflag:s0] =	ssyncset.done @!p0 $0x0  }
0xc6: {  	[sflag:s0] =	ssyncadd.s32 @!p0 s1  }
0xc7: {  	[bflag:$0x3] =	sbarrier.arrive $0xFFFF  }
0xc8: {  	_ =	shalt  }

// kernel: kernel.9.cloned.1.call-start
scs
__scs_entry_jumppad:
0x0: {  	(pc) =	sbr.rel $0x88, $3  }
0x1: {  	(tag) =	ssettag $0x0;
	lr =	simm.s32 $0x1  }
0x2: {  	[smem:$0x3F9B] =	sst lr;
	_ =	strace $0xD0000000  }
0x3: {  	_ = 	snop  }
0x4: {  	_ = 	snop  }
0x5: {  	_ = 	snop  }
0x6: {  	_ = 	snop  }
0x7: {  	_ = 	snop  }
__scs_overlays_trampoline_lowered:
0x8: {  	[smem:$0x3FAA] =	sst s0  }
0x9: {  	[smem:$0x3FAB] =	sst s1  }
0xa: {  	[smem:$0x3FAC] =	sst s2  }
0xb: {  	[smem:$0x3FAD] =	sst s3  }
0xc: {  	[smem:$0x3FAE] =	sst s4  }
0xd: {  	[smem:$0x3FAF] =	sst s5  }
0xe: {  	[smem:$0x3FB0] =	sst s6  }
0xf: {  	[smem:$0x3FB1] =	sst s7  }
0x10: {  	[smem:$0x3FB2] =	sst s8  }
0x11: {  	[smem:$0x3FB3] =	sst s9;
	s0 =	simm.s32 @!p0 $0x0  }
0x12: {  	s1 =	sld [smem:$0x3F99];
	s0 =	simm.s32 @p0 $0x1  }
0x13: {  	[smem:$0x3FB4] =	sst s0;
	s0 =	simm.s32 @!p1 $0x0  }
0x14: {  	s2 =	sld [smem:$0x3F98];
	s0 =	simm.s32 @p1 $0x1  }
0x15: {  	[smem:$0x3FB5] =	sst s0;
	s0 =	simm.s32 @!p2 $0x0  }
0x16: {  	s3 =	sld [smem:$0x3FDB];
	s0 =	simm.s32 @p2 $0x1  }
0x17: {  	s4 =	simm.s32 $0x1BF5;
	[smem:$0x3FB7] =	sst s0  }
0x18: {  	s0 =	sld [smem:$0x3F9A];
	_ =	swait.ge [sflag:s4], $0x0  }
0x19: {  	s7 =	sld [smem:$0x3F9B]  }
0x1a: {  	s8 =	sadd.s32 $0xFFFFE003, lr  }
0x1b: {  	s9 =	sadd.s32 $0xFFFFFEF7, lr;
	s5 =	simm.s32 $0xFFFFFFFF;
	p2 =	slt.u32 s8, $0xFFFFF086  }
0x1c: {  	p1 =	slt.u32 s9, $0xF7A;
	s5 =	simm.s32 @!p2 $0x0  }
0x1d: {  	s5 =	simm.s32 @p1 $0x1;
	p0 =	seq.s32 s7, s2  }
0x1e: {  	s7 =	smul.u32 @!p0 $0xF7A, s2;
	p2 =	seq.s32 @!p0 s5, $0x0  }
0x1f: {  	s9 =	smul.u32 $0xF7A, s1;
	s8 =	simm.s32 @!p0 $0x1BF5;
	p2 =	por !p2, p0  }
0x20: {  	[sflag:s8] =	ssyncset.s32 @!p0 $0xFFFFF086;
	s6 =	sadd.s32 @!p0 s3, s7;
	s7 =	simm.s32 @!p0 $0x108  }
0x21: {  	s3 =	sadd.s32 s3, s9;
	s6 =	sadd.s32 @!p0 $0x88, s6;
	s7 =	simm.s32 @p2 $0x1082  }
0x22: {  	[simem:s7], [sflag:s8] =	dma.local @!p0 [hbm:s6], $0xF7A  }
0x23: {  	s9 =	sor.u32 $0xD0000000, s2;
	s6 =	simm.s32 $0x108;
	_ =	swait.ge @!p0 [sflag:s8], $0x0  }
0x24: {  	s3 =	sadd.s32 $0x88, s3;
	s6 =	simm.s32 @!p1 $0x1082;
	[sflag:s4] =	ssyncset.s32 $0xFFFFF086  }
0x25: {  	[simem:s6], [sflag:s4] =	dma.local [hbm:s3], $0xF7A  }
0x26: {  	[smem:$0x3F9B] =	sst s1;
	(tag) =	ssettag s2;
	_ =	strace s9  }
0x27: {  	s1 =	sld [smem:$0x3FAB]  }
0x28: {  	s2 =	sld [smem:$0x3FAC]  }
0x29: {  	s4 =	sld [smem:$0x3FAE]  }
0x2a: {  	p0 =	seq.s32 s5, $0x0;
	s5 =	sld [smem:$0x3FAF]  }
0x2b: {  	s6 =	sld [smem:$0x3FB0]  }
0x2c: {  	s7 =	sld [smem:$0x3FB1]  }
0x2d: {  	s3 =	simm.s32 $0x108;
	s8 =	sld [smem:$0x3FB2]  }
0x2e: {  	s3 =	simm.s32 @!p0 $0x1082;
	s9 =	sld [smem:$0x3FB3]  }
0x2f: {  	lr =	sadd.s32 s0, s3;
	s0 =	sld [smem:$0x3FAA]  }
0x30: {  	s3 =	sld [smem:$0x3FAD]  }
0x31: {  	[smem:$0x3FB6] =	sst s10  }
0x32: {  	s10 =	sld [smem:$0x3FB4];
	_ =	sdelay $0x3  }
0x33: {  	p0 =	seq.s32 s10, $0x1;
	s10 =	sld [smem:$0x3FB6];
	_ =	sdelay $0x3  }
0x34: {  	[smem:$0x3FB6] =	sst s10  }
0x35: {  	s10 =	sld [smem:$0x3FB5];
	_ =	sdelay $0x3  }
0x36: {  	p1 =	seq.s32 s10, $0x1;
	s10 =	sld [smem:$0x3FB6];
	_ =	sdelay $0x3  }
0x37: {  	[smem:$0x3FB6] =	sst s10  }
0x38: {  	s10 =	sld [smem:$0x3FB7]  }
0x39: {  	_ = 	snop;
	(pc) =	sbr.ind lr, $3  }
0x3a: {  	_ = 	snop  }
0x3b: {  	_ = 	snop  }
0x3c: {  	p2 =	seq.s32 s10, $0x1;
	s10 =	sld [smem:$0x3FB6]  }
0x3d: {  	_ =	shalt  }
0x3e: {  	_ =	shalt  }
0x3f: {  	_ =	shalt  }
0x40: {  	_ =	shalt  }
0x41: {  	_ =	shalt  }
0x42: {  	_ =	shalt  }
0x43: {  	_ =	shalt  }
0x44: {  	_ =	shalt  }
0x45: {  	_ =	shalt  }
0x46: {  	_ =	shalt  }
0x47: {  	_ =	shalt  }
0x48: {  	_ =	shalt  }
0x49: {  	_ =	shalt  }
0x4a: {  	_ =	shalt  }
0x4b: {  	_ =	shalt  }
0x4c: {  	_ =	shalt  }
0x4d: {  	_ =	shalt  }
0x4e: {  	_ =	shalt  }
0x4f: {  	_ =	shalt  }
0x50: {  	_ =	shalt  }
0x51: {  	_ =	shalt  }
0x52: {  	_ =	shalt  }
0x53: {  	_ =	shalt  }
0x54: {  	_ =	shalt  }
0x55: {  	_ =	shalt  }
0x56: {  	_ =	shalt  }
0x57: {  	_ =	shalt  }
0x58: {  	_ =	shalt  }
0x59: {  	_ =	shalt  }
0x5a: {  	_ =	shalt  }
0x5b: {  	_ =	shalt  }
0x5c: {  	_ =	shalt  }
0x5d: {  	_ =	shalt  }
0x5e: {  	_ =	shalt  }
0x5f: {  	_ =	shalt  }
0x60: {  	_ =	shalt  }
0x61: {  	_ =	shalt  }
0x62: {  	_ =	shalt  }
0x63: {  	_ =	shalt  }
0x64: {  	_ =	shalt  }
0x65: {  	_ =	shalt  }
0x66: {  	_ =	shalt  }
0x67: {  	_ =	shalt  }
0x68: {  	_ =	shalt  }
0x69: {  	_ =	shalt  }
0x6a: {  	_ =	shalt  }
0x6b: {  	_ =	shalt  }
0x6c: {  	_ =	shalt  }
0x6d: {  	_ =	shalt  }
0x6e: {  	_ =	shalt  }
0x6f: {  	_ =	shalt  }
0x70: {  	_ =	shalt  }
0x71: {  	_ =	shalt  }
0x72: {  	_ =	shalt  }
0x73: {  	_ =	shalt  }
0x74: {  	_ =	shalt  }
0x75: {  	_ =	shalt  }
0x76: {  	_ =	shalt  }
0x77: {  	_ =	shalt  }
0x78: {  	_ =	shalt  }
0x79: {  	_ =	shalt  }
0x7a: {  	_ =	shalt  }
0x7b: {  	_ =	shalt  }
0x7c: {  	_ =	shalt  }
0x7d: {  	_ =	shalt  }
0x7e: {  	_ =	shalt  }
0x7f: {  	_ =	shalt  }
0x80: {  	_ =	shalt  }
0x81: {  	_ =	shalt  }
0x82: {  	_ =	shalt  }
0x83: {  	_ =	shalt  }
0x84: {  	_ =	shalt  }
0x85: {  	_ =	shalt  }
0x86: {  	_ =	shalt  }
0x87: {  	_ =	shalt  }
.Lfunc_end0:
.L_simem_size_0:
called_computation.1_lowered:
.L_overlay_start_0:
0x88: {  	s2 =	sld [smem:$0x3FD9]  }
0x89: {  	s3 =	sld [smem:$0x3FFE];
	_ =	sdelay $0x1  }
0x8a: {  	s1 =	srdreg.scid  }
0x8b: {  	s0 =	sand.u32 $0x1, s1  }
0x8c: {  	s16 =	sshll.u32 s0, $0xA;
	s2 =	sadd.s32 s3, s2  }
0x8d: {  	s2 =	sadd.s32 s2, s16  }
0x8e: {  	[smem:$0x3FC2] =	sst s2  }
0x8f: {  	_ = 	snop  }
0x90: {  	(tm) =	ssettm $0x1  }
0x91: {  	s17 =	sld [smem:$0x3FFB];
	_ =	sdelay $0x3  }
0x92: {  	_ =	strace s17  }
0x93: {  	s2 =	sld [smem:$0x3FFC];
	_ =	sdelay $0x3  }
0x94: {  	_ =	strace s2  }
0x95: {  	s2 =	sld [smem:$0x3FFD];
	_ =	sdelay $0x3  }
0x96: {  	_ =	strace s2  }
0x97: {  	_ =	strace $0x8FFFFFFF  }
0x98: {  	s18 =	sld [smem:$0x3FDB];
	_ =	sdelay $0x1  }
0x99: {  	s19 =	simm.s32 $_scs_section_size  }
0x9a: {  	s4 =	simm.s32 $_size__tile_overlayer_lowered;
	s5 =	simm.s32 $_tile_overlayer_lowered  }
0x9b: {  	s22 =	simm.s32 $0x1BFF;
	s21 =	sshll.u32 s5, $0x1;
	s2 =	sadd.s32 s19, s18  }
0x9c: {  	s6 =	simm.s32 $0x0;
	s20 =	sshll.u32 s4, $0x1;
	s4 =	sadd.s32 s21, s2  }
0x9d: {  	[timem:s6], [sflag:s22] =	dma.local [hbm:s4], s20  }
0x9e: {  	_ =	swait.ge [sflag:s22], s20  }
0x9f: {  	s3 =	ssub.s32 $0x0, s20;
	[sflag:s22] =	ssyncset.done $0x0  }
0xa0: {  	[sflag:s22] =	ssyncadd.s32 s3;
	_ =	sdelay $0x1  }
0xa1: {  	s23 =	simm.s32 $0x1B8B  }
0xa2: {  	_ =	swait.ge [sflag:s23], $0x1  }
0xa3: {  	[sflag:s23] =	ssyncset.done $0x0  }
0xa4: {  	s25 =	simm.s32 $0x1B8E;
	s24 =	sld [smem:$0x3FFE];
	[sflag:s23] =	ssyncadd.s32 $0xFFFFFFFF  }
0xa5: {  	s26 =	simm.s32 $execute0_lowered;
	[smem:$0x3FD2] =	sst s25  }
0xa6: {  	s4 =	sshll.u32 s26, $0x1;
	_ =	strace $0x80000049;
	[dreg:$0x1] =	wrdreg $0xFFFFFFFF  }
0xa7: {  	s28 =	simm.s32 $_size_execute0_lowered;
	s2 =	sadd.s32 s2, s4;
	[dreg:$0x0] =	wrdreg $0x0  }
0xa8: {  	s4 =	sshll.u32 s28, $0x1;
	[dreg:$0x2] =	wrdreg s2  }
0xa9: {  	[dreg:$0x3] =	wrdreg s4  }
0xaa: {  	[dreg:$0x4] =	wrdreg $0xC0  }
0xab: {  	_ =	task [dreg:s6], $0x5FFFF  }
0xac: {  	[dreg:$0x1] =	wrdreg $0xFFFFFFFF  }
0xad: {  	[dreg:$0x0] =	wrdreg $0x60  }
0xae: {  	[dreg:$0x2] =	wrdreg s24  }
0xaf: {  	[dreg:$0x3] =	wrdreg $0x9  }
0xb0: {  	_ =	task.clear_ibuf [dreg:s6], $0x4FFFF;
	_ =	strace $0x90000049  }
0xb1: {  	s29 =	simm.s32 $0x9;
	_ =	strace $0x8000004B  }
0xb2: {  	_ =	swait.ge [sflag:s29], $0x1  }
0xb3: {  	[sflag:s29] =	ssyncadd.s32 $0xFFFFFFFF  }
0xb4: {  	_ =	strace $0x9000004B  }
0xb5: {  	_ =	sfence  }
0xb6: {  	s30 =	sld [smem:$0x0];
	_ =	sdelay $0x2  }
0xb7: {  	s31 =	sshll.u32 s1, $0xD;
	s1 =	sshrl.u32 s1, $0x2  }
0xb8: {  	s3 =	sand.u32 $0x4000, s31;
	s1 =	sadd.s32 s1, s30  }
0xb9: {  	s0 =	sor.u32 s3, s0;
	s1 =	sshll.u32 s1, $0x11  }
0xba: {  	s0 =	sor.u32 s1, s0  }
0xbb: {  	s0 =	sadd.s32 $0x8F2B, s0  }
0xbc: {  	[sflag:s0] =	ssyncadd.remote.s32 $0x1  }
0xbd: {  	_ =	sfence.sel $0xFFFF  }
0xbe: {  	[dreg:$0x0] =	wrdreg $0xFFFFFFFF;
	(pc) =	sbr.abs _section_cstart, $3  }
0xbf: {  	[dreg:$0x1] =	wrdreg $0xFFFFFFFF  }
0xc0: {  	_ =	task.clear_ibuf [dreg:s6], $0x2FFFF;
	_ =	strace $0x9FFFFFFF  }
0xc1: {  	(tm) =	ssettm $0x7FFFFFFF  }
tec
execute0_lowered:
.L_overlay_start_1:
0x0: {  	(tag) =	ssettag $0x1  }
0x1: {  	s0 =	rddreg [dreg:$0x0]  }
0x2: {  	s1 =	simm.s32 $0x0;
	s25 =	srdreg.scid;
	s4 =	stileid.u32  }
0x3: {  	s10 =	simm.s32 $0x3;
	s11 =	simm.s32 $0x80;
	s22 =	simm.s32 $0x3680  }
0x4: {  	s23 =	simm.s32 $0x380;
	s24 =	simm.s32 $0x3E80;
	s28 =	simm.s32 $0x480  }
0x5: {  	s29 =	simm.s32 $0x4E80;
	s30 =	simm.s32 $0x500;
	s31 =	simm.s32 $0x5680  }
0x6: {  	s9 =	simm.s32 $0x600;
	s12 =	simm.s32 $0x7E80;
	s13 =	simm.s32 $0x1  }
0x7: {  	s14 =	simm.s32 $0x2;
	s15 =	simm.s32 $0x6E80;
	s17 =	simm.s32 $0x0  }
0x8: {  	[smem:$0x7FF] =	sst s1;
	s1 =	sand.u32 $0x1, s25;
	s3 =	sadd.s32 $0x34A800, s0  }
0x9: {  	s5 =	sshll.u32 s4, $0x1;
	s4 =	sadd.s32 $0x321E00, s0;
	s7 =	sadd.s32 $0x1E00, s0  }
0xa: {  	s25 =	simm.s32 $0x400;
	_ =	strace $0x8000004A;
	s2 =	ssub.s32 $0x2, s1  }
0xb: {  	s1 =	sor.u32 s1, s5;
	s5 =	sadd.s32 $0x2BDE00, s0;
	s6 =	sshrl.u32 s2, $0x1  }
0xc: {  	s0 =	simm.s32 $0x580;
	s8 =	smul.u32 $0x19000, s1;
	s2 =	ssub.s32 s2, s6  }
0xd: {  	s6 =	smul.u32 $0xA280, s1;
	s1 =	simm.s32 $0x5E80;
	s26 =	smax.u32 s2, $0x1  }
0xe: {  	s2 =	simm.s32 $0x6680;
	[dreg:$0x2] =	wrdreg s26;
	s26 =	simm.s32 $0x4680  }
.LBB2_1:
0xf: {  	[dreg:$0x3] =	wrdreg s17;
	s16 =	simm.s32 $0x0  }
.LBB2_2:
0x10: {  	s17 =	smul.u32 $0x680, s16;
	_ =	sdelay $0x1  }
0x11: {  	s17 =	sadd.s32 s6, s17  }
0x12: {  	s17 =	sshrl.u32 s17, $0x3  }
0x13: {  	s19 =	simm.s32 $0x0;
	s17 =	sadd.s32 s4, s17  }
0x14: {  	[tilespmem:s19], [sflag:$0x3] =	stream.linear.gather [hbm4b:s17+s19], $0x680, $0x38;
	[tilespmem:$0x8E80] =	vst v63  }
0x15: {  	_ =	swait.ge [sflag:s10], $0x680  }
0x16: {  	[sflag:s10] =	ssyncset.done $0x0  }
0x17: {  	s18 =	simm.s32 $0x680;
	[sflag:s10] =	ssyncadd.s32 $0xFFFFF980  }
0x18: {  	[tilespmem:s18], [sflag:$0x1] =	stream.indirect.gather [hbm4b:s3+s11], $0x10, s19, s11, $0xb8;
	[tilespmem:$0x8E80] =	vst v63  }
0x19: {  	s20 =	simm.s32 $0xE80  }
0x1a: {  	[tilespmem:s20], [sflag:$0x1] =	stream.indirect.gather [hbm4b:s3+s11], $0x10, s11, s11, $0xb8;
	[tilespmem:$0x8E80] =	vst v63  }
0x1b: {  	s21 =	simm.s32 $0x100;
	s18 =	simm.s32 $0x1680  }
0x1c: {  	[tilespmem:s18], [sflag:$0x1] =	stream.indirect.gather [hbm4b:s3+s11], $0x10, s21, s11, $0xb8;
	[tilespmem:$0x8E80] =	vst v63  }
0x1d: {  	s20 =	simm.s32 $0x180;
	s18 =	simm.s32 $0x1E80  }
0x1e: {  	[tilespmem:s18], [sflag:$0x1] =	stream.indirect.gather [hbm4b:s3+s11], $0x10, s20, s11, $0xb8;
	[tilespmem:$0x8E80] =	vst v63  }
0x1f: {  	s21 =	simm.s32 $0x200;
	s20 =	simm.s32 $0x2680  }
0x20: {  	[tilespmem:s20], [sflag:$0x1] =	stream.indirect.gather [hbm4b:s3+s11], $0x10, s21, s11, $0xb8;
	[tilespmem:$0x8E80] =	vst v63  }
0x21: {  	s20 =	simm.s32 $0x280;
	s21 =	simm.s32 $0x2E80  }
0x22: {  	[tilespmem:s21], [sflag:$0x1] =	stream.indirect.gather [hbm4b:s3+s11], $0x10, s20, s11, $0xb8;
	[tilespmem:$0x8E80] =	vst v63  }
0x23: {  	s21 =	simm.s32 $0x300  }
0x24: {  	[tilespmem:s22], [sflag:$0x2] =	stream.indirect.gather [hbm4b:s3+s11], $0x10, s21, s11, $0xb8;
	[tilespmem:$0x8E80] =	vst v63  }
0x25: {  	_ = 	snop  }
0x26: {  	[tilespmem:s24], [sflag:$0x2] =	stream.indirect.gather [hbm4b:s3+s11], $0x10, s23, s11, $0xb8;
	[tilespmem:$0x8E80] =	vst v63  }
0x27: {  	_ = 	snop  }
0x28: {  	[tilespmem:s26], [sflag:$0x2] =	stream.indirect.gather [hbm4b:s3+s11], $0x10, s25, s11, $0xb8;
	[tilespmem:$0x8E80] =	vst v63  }
0x29: {  	_ = 	snop  }
0x2a: {  	[tilespmem:s29], [sflag:$0x2] =	stream.indirect.gather [hbm4b:s3+s11], $0x10, s28, s11, $0xb8;
	[tilespmem:$0x8E80] =	vst v63  }
0x2b: {  	s20 =	sshll.u32 s16, $0xC  }
0x2c: {  	[tilespmem:s31], [sflag:$0x2] =	stream.indirect.gather [hbm4b:s3+s11], $0x10, s30, s11, $0xb8;
	[tilespmem:$0x8E80] =	vst v63  }
0x2d: {  	s17 =	sadd.s32 s8, s20  }
0x2e: {  	[tilespmem:s1], [sflag:$0x2] =	stream.indirect.gather [hbm4b:s3+s11], $0x10, s0, s11, $0xb8;
	[tilespmem:$0x8E80] =	vst v63  }
0x2f: {  	s17 =	sshrl.u32 s17, $0x3  }
0x30: {  	[tilespmem:s2], [sflag:$0x2] =	stream.indirect.gather [hbm4b:s3+s11], $0x10, s9, s11, $0xb8;
	[tilespmem:$0x8E80] =	vst v63  }
0x31: {  	s21 =	sadd.s32 s5, s17  }
0x32: {  	[tilespmem:s12], [sflag:$0x3] =	stream.linear.gather [hbm4b:s21+s19], $0x1000, $0x38;
	[tilespmem:$0x8E80] =	vst v63  }
0x33: {  	_ =	swait.ge [sflag:s10], $0x1000  }
0x34: {  	[sflag:s10] =	ssyncset.done $0x0  }
0x35: {  	[sflag:s10] =	ssyncadd.s32 $0xFFFFF000  }
0x36: {  	_ =	swait.ge [sflag:s13], $0x800  }
0x37: {  	[sflag:s13] =	ssyncset.done $0x0  }
0x38: {  	[sflag:s13] =	ssyncadd.s32 $0xFFFFF800  }
0x39: {  	_ =	swait.ge [sflag:s13], $0x800  }
0x3a: {  	[sflag:s13] =	ssyncset.done $0x0  }
0x3b: {  	[sflag:s13] =	ssyncadd.s32 $0xFFFFF800  }
0x3c: {  	_ =	swait.ge [sflag:s13], $0x800  }
0x3d: {  	[sflag:s13] =	ssyncset.done $0x0  }
0x3e: {  	[sflag:s13] =	ssyncadd.s32 $0xFFFFF800  }
0x3f: {  	_ =	swait.ge [sflag:s13], $0x800  }
0x40: {  	[sflag:s13] =	ssyncset.done $0x0  }
0x41: {  	[sflag:s13] =	ssyncadd.s32 $0xFFFFF800  }
0x42: {  	_ =	swait.ge [sflag:s13], $0x800  }
0x43: {  	[sflag:s13] =	ssyncset.done $0x0  }
0x44: {  	[sflag:s13] =	ssyncadd.s32 $0xFFFFF800  }
0x45: {  	_ =	swait.ge [sflag:s13], $0x800  }
0x46: {  	[sflag:s13] =	ssyncset.done $0x0  }
0x47: {  	[sflag:s13] =	ssyncadd.s32 $0xFFFFF800  }
0x48: {  	v0 =	vld [tilespmem:s18+$0xFFFFE800]  }
0x49: {  	v1 =	vld [tilespmem:s18+$0xFFFFF000];
	_ =	sdelay $0x1  }
0x4a: {  	v2 =	vld [tilespmem:s18+$0xFFFFF800];
	_ =	sdelay $0x1  }
0x4b: {  	v4 =	vld [tilespmem:s18+$0x0];
	v3 =	vunpack.i.l.bf16.f32 v0  }
0x4c: {  	v0 =	vunpack.i.u.bf16.f32 v0;
	v5 =	vunpack.i.u.bf16.f32 v1;
	v1 =	vunpack.i.l.bf16.f32 v1  }
0x4d: {  	v1 =	vadd.f32 v1, v3;
	v0 =	vadd.f32 v5, v0;
	v3 =	vld [tilespmem:s18+$0x800]  }
0x4e: {  	v60 =	vunpack.i.u.bf16.f32 v2;
	v2 =	vunpack.i.l.bf16.f32 v2  }
0x4f: {  	v1 =	vadd.f32 v2, v1;
	v0 =	vadd.f32 v60, v0;
	v2 =	vld [tilespmem:s18+$0x1000]  }
0x50: {  	s20 =	simm.s32 $0x0;
	v61 =	vunpack.i.u.bf16.f32 v4;
	v4 =	vunpack.i.l.bf16.f32 v4  }
0x51: {  	v62 =	vld [tilespmem:s20+$0x7E80];
	v1 =	vadd.f32 v4, v1;
	v0 =	vadd.f32 v61, v0  }
0x52: {  	v6 =	vld [tilespmem:s20+$0x7E90];
	v63 =	vunpack.i.u.bf16.f32 v3;
	v3 =	vunpack.i.l.bf16.f32 v3  }
0x53: {  	v1 =	vadd.f32 v3, v1;
	v0 =	vadd.f32 v63, v0  }
0x54: {  	v3 =	vunpack.i.u.bf16.f32 v2;
	v2 =	vunpack.i.l.bf16.f32 v2  }
0x55: {  	v1 =	vadd.f32 v2, v1;
	v0 =	vadd.f32 v3, v0;
	_ =	sdelay $0x1  }
0x56: {  	s19 =	simm.s32 $0x80;
	v1 =	vadd.f32 v62, v1;
	v0 =	vadd.f32 v6, v0  }
.LBB2_3:
0x57: {  	p0 =	sne.s32 s19, $0x3F80  }
0x58: {  	[tilespmem:s20+$0x6E80] =	vst v1;
	s18 =	sadd.s32 $0x10, s18;
	s21 =	smov.u32 s19;
	s19 =	sadd.s32 $0x80, s19  }
0x59: {  	[tilespmem:s20+$0x6E90] =	vst v0  }
0x5a: {  	v0 =	vld [tilespmem:s18+$0xFFFFE800]  }
0x5b: {  	v1 =	vld [tilespmem:s18+$0xFFFFF000];
	_ =	sdelay $0x1  }
0x5c: {  	v2 =	vld [tilespmem:s18+$0xFFFFF800];
	_ =	sdelay $0x1  }
0x5d: {  	v3 =	vunpack.i.l.bf16.f32 v0;
	v4 =	vld [tilespmem:s18+$0x0]  }
0x5e: {  	v0 =	vunpack.i.u.bf16.f32 v0;
	v5 =	vunpack.i.u.bf16.f32 v1;
	v1 =	vunpack.i.l.bf16.f32 v1  }
0x5f: {  	v1 =	vadd.f32 v1, v3;
	v0 =	vadd.f32 v5, v0;
	v3 =	vld [tilespmem:s18+$0x800]  }
0x60: {  	v5 =	vunpack.i.u.bf16.f32 v2;
	v2 =	vunpack.i.l.bf16.f32 v2  }
0x61: {  	v1 =	vadd.f32 v2, v1;
	v0 =	vadd.f32 v5, v0;
	v2 =	vld [tilespmem:s18+$0x1000]  }
0x62: {  	v5 =	vunpack.i.u.bf16.f32 v4;
	v4 =	vunpack.i.l.bf16.f32 v4  }
0x63: {  	s20 =	sshra.s32 s21, $0x2;
	v1 =	vadd.f32 v4, v1;
	v0 =	vadd.f32 v5, v0  }
0x64: {  	v4 =	vunpack.i.u.bf16.f32 v3;
	v3 =	vunpack.i.l.bf16.f32 v3;
	v5 =	vld [tilespmem:s20+$0x7E80]  }
0x65: {  	v1 =	vadd.f32 v3, v1;
	v0 =	vadd.f32 v4, v0;
	v3 =	vld [tilespmem:s20+$0x7E90]  }
.Ltmp0:
0x66: {  	v4 =	vunpack.i.u.bf16.f32 v2;
	v2 =	vunpack.i.l.bf16.f32 v2;
	(pc) =	sbr.rel @p0 .LBB2_3-.Ltmp0, $3  }
0x67: {  	v1 =	vadd.f32 v2, v1;
	v0 =	vadd.f32 v4, v0;
	_ =	sdelay $0x1  }
0x68: {  	v1 =	vadd.f32 v5, v1  }
0x69: {  	v0 =	vadd.f32 v3, v0  }
0x6a: {  	[tilespmem:s20+$0x6E80] =	vst v1  }
0x6b: {  	[tilespmem:s20+$0x6E90] =	vst v0  }
0x6c: {  	_ =	swait.ge [sflag:s14], $0x800  }
0x6d: {  	[sflag:s14] =	ssyncset.done $0x0  }
0x6e: {  	[sflag:s14] =	ssyncadd.s32 $0xFFFFF800  }
0x6f: {  	_ =	swait.ge [sflag:s14], $0x800  }
0x70: {  	[sflag:s14] =	ssyncset.done $0x0  }
0x71: {  	[sflag:s14] =	ssyncadd.s32 $0xFFFFF800  }
0x72: {  	_ =	swait.ge [sflag:s14], $0x800  }
0x73: {  	[sflag:s14] =	ssyncset.done $0x0  }
0x74: {  	[sflag:s14] =	ssyncadd.s32 $0xFFFFF800  }
0x75: {  	_ =	swait.ge [sflag:s14], $0x800  }
0x76: {  	[sflag:s14] =	ssyncset.done $0x0  }
0x77: {  	[sflag:s14] =	ssyncadd.s32 $0xFFFFF800  }
0x78: {  	_ =	swait.ge [sflag:s14], $0x800  }
0x79: {  	[sflag:s14] =	ssyncset.done $0x0  }
0x7a: {  	[sflag:s14] =	ssyncadd.s32 $0xFFFFF800  }
0x7b: {  	_ =	swait.ge [sflag:s14], $0x800  }
0x7c: {  	[sflag:s14] =	ssyncset.done $0x0  }
0x7d: {  	[sflag:s14] =	ssyncadd.s32 $0xFFFFF800  }
0x7e: {  	_ =	swait.ge [sflag:s14], $0x800  }
0x7f: {  	[sflag:s14] =	ssyncset.done $0x0  }
0x80: {  	s18 =	simm.s32 $0x0;
	[sflag:s14] =	ssyncadd.s32 $0xFFFFF800  }
0x81: {  	v0 =	vld [tilespmem:s18+$0x3680]  }
0x82: {  	v1 =	vld [tilespmem:s18+$0x3E80];
	_ =	sdelay $0x1  }
0x83: {  	v2 =	vld [tilespmem:s18+$0x4680];
	_ =	sdelay $0x1  }
0x84: {  	v3 =	vld [tilespmem:s18+$0x4E80];
	v4 =	vunpack.i.u.bf16.f32 v0  }
0x85: {  	v0 =	vunpack.i.l.bf16.f32 v0;
	v5 =	vunpack.i.u.bf16.f32 v1;
	v1 =	vunpack.i.l.bf16.f32 v1  }
0x86: {  	v6 =	vld [tilespmem:s18+$0x5680];
	v0 =	vadd.f32 v1, v0;
	v1 =	vadd.f32 v5, v4  }
0x87: {  	v60 =	vunpack.i.l.bf16.f32 v2;
	v2 =	vunpack.i.u.bf16.f32 v2  }
0x88: {  	v61 =	vld [tilespmem:s18+$0x5E80];
	v0 =	vadd.f32 v60, v0;
	v1 =	vadd.f32 v2, v1  }
0x89: {  	v2 =	vunpack.i.l.bf16.f32 v3;
	v3 =	vunpack.i.u.bf16.f32 v3  }
0x8a: {  	v62 =	vld [tilespmem:s18+$0x6680];
	v0 =	vadd.f32 v2, v0;
	v1 =	vadd.f32 v3, v1  }
0x8b: {  	s18 =	simm.s32 $0x6E90;
	v2 =	vunpack.i.l.bf16.f32 v6;
	v3 =	vunpack.i.u.bf16.f32 v6  }
0x8c: {  	v63 =	vld [tilespmem:s18+$0x0];
	v0 =	vadd.f32 v2, v0;
	v1 =	vadd.f32 v3, v1  }
0x8d: {  	v5 =	vunpack.i.u.bf16.f32 v61;
	v2 =	vld [tilespmem:s18+$0xFFFFFFF0];
	v3 =	vunpack.i.l.bf16.f32 v61  }
0x8e: {  	v0 =	vadd.f32 v3, v0;
	v1 =	vadd.f32 v5, v1  }
0x8f: {  	v4 =	vunpack.i.u.bf16.f32 v62;
	v3 =	vunpack.i.l.bf16.f32 v62  }
0x90: {  	v0 =	vadd.f32 v3, v0;
	v3 =	vadd.f32 v4, v1;
	_ =	sdelay $0x1  }
0x91: {  	s19 =	simm.s32 $0x40;
	s20 =	simm.s32 $0x6E90;
	v1 =	vadd.f32 v0, v2;
	v0 =	vadd.f32 v63, v3  }
.LBB2_5:
0x92: {  	p0 =	sne.s32 s19, $0x1FC0  }
0x93: {  	s18 =	sadd.s32 $0x20, s18;
	s21 =	smov.u32 s19;
	s19 =	sadd.s32 $0x40, s19  }
0x94: {  	[tilespmem:s20+$0xFFFFFFF0] =	vst v1  }
0x95: {  	s21 =	sshra.s32 s21, $0x2;
	[tilespmem:s20+$0x0] =	vst v0;
	s20 =	smov.u32 s18  }
0x96: {  	v0 =	vld [tilespmem:s21+$0x3680]  }
0x97: {  	v1 =	vld [tilespmem:s21+$0x3E80]  }
0x98: {  	v2 =	vld [tilespmem:s21+$0x4680]  }
0x99: {  	v3 =	vld [tilespmem:s21+$0x4E80];
	_ =	sdelay $0x1  }
0x9a: {  	v4 =	vunpack.i.u.bf16.f32 v0;
	v0 =	vunpack.i.l.bf16.f32 v0  }
0x9b: {  	v5 =	vunpack.i.u.bf16.f32 v1;
	v1 =	vunpack.i.l.bf16.f32 v1;
	v6 =	vld [tilespmem:s21+$0x5680]  }
0x9c: {  	v0 =	vadd.f32 v1, v0;
	v1 =	vadd.f32 v5, v4;
	v4 =	vunpack.i.l.bf16.f32 v2;
	v5 =	vld [tilespmem:s21+$0x5E80]  }
0x9d: {  	v2 =	vunpack.i.u.bf16.f32 v2;
	v7 =	vunpack.i.l.bf16.f32 v3  }
0x9e: {  	v0 =	vadd.f32 v4, v0;
	v1 =	vadd.f32 v2, v1;
	v2 =	vunpack.i.u.bf16.f32 v3  }
0x9f: {  	v3 =	vld [tilespmem:s21+$0x6680]  }
0xa0: {  	v0 =	vadd.f32 v7, v0;
	v1 =	vadd.f32 v2, v1;
	v2 =	vunpack.i.l.bf16.f32 v6  }
0xa1: {  	v4 =	vunpack.i.u.bf16.f32 v6;
	v6 =	vunpack.i.l.bf16.f32 v5  }
0xa2: {  	v0 =	vadd.f32 v2, v0;
	v1 =	vadd.f32 v4, v1;
	v2 =	vunpack.i.u.bf16.f32 v5;
	v4 =	vld [tilespmem:s18+$0xFFFFFFF0]  }
0xa3: {  	v5 =	vld [tilespmem:s18+$0x0]  }
.Ltmp1:
0xa4: {  	v0 =	vadd.f32 v6, v0;
	v1 =	vadd.f32 v2, v1;
	v2 =	vunpack.i.l.bf16.f32 v3;
	(pc) =	sbr.rel @p0 .LBB2_5-.Ltmp1, $3  }
0xa5: {  	v3 =	vunpack.i.u.bf16.f32 v3  }
0xa6: {  	v0 =	vadd.f32 v2, v0;
	v2 =	vadd.f32 v3, v1;
	_ =	sdelay $0x1  }
0xa7: {  	v1 =	vadd.f32 v0, v4;
	v0 =	vadd.f32 v5, v2  }
0xa8: {  	s16 =	sadd.s32 $0x1, s16  }
0xa9: {  	[tilespmem:s20+$0xFFFFFFF0] =	vst v1;
	p0 =	sne.s32 s16, $0x19  }
.Ltmp2:
0xaa: {  	s17 =	sadd.s32 s7, s17;
	s18 =	simm.s32 $0x0;
	[tilespmem:s20+$0x0] =	vst v0;
	(pc) =	sbr.rel @p0 .LBB2_2-.Ltmp2, $4  }
0xab: {  	[hbm4b:s17+s18] =	stream.linear.scatter [tilespmem:s15], [sflag:$0x3], $0x1000, $0x38;
	[tilespmem:$0x8E80] =	vst v63  }
0xac: {  	_ =	swait.ge [sflag:s10], $0x1000  }
0xad: {  	[sflag:s10] =	ssyncset.done $0x0  }
0xae: {  	[sflag:s10] =	ssyncadd.s32 $0xFFFFF000  }
0xaf: {  	s17 =	rddreg [dreg:$0x3]  }
0xb0: {  	s16 =	rddreg [dreg:$0x2];
	s17 =	sadd.s32 $0x1, s17  }
0xb1: {  	p0 =	sne.s32 s17, s16  }
.Ltmp3:
0xb2: {  	_ = 	snop;
	(pc) =	sbr.rel @p0 .LBB2_1-.Ltmp3, $1  }
0xb3: {  	_ =	sdelay $0x3  }
0xb4: {  	_ =	sfence.sel $0x180000  }
0xb5: {  	[bflag:$0x0] =	sbarrier.arrive $0xFFFF  }
0xb6: {  	_ =	strace $0x9000004A  }
0xb7: {  	s0 =	stileid.u32;
	[bflag:$0x2] =	sbarrier.arrive $0xFFFF  }
0xb8: {  	p0 =	sne.s32 s0, $0x0;
	s0 =	rddreg [dreg:$0x1]  }
0xb9: {  	s0 =	sadd.s32 @!p0 $0x100000, s0  }
0xba: {  	[sflag:s0] =	ssyncadd.tile.s32 @!p0 $0x1;
	_ =	shalt  }
.Lfunc_end2:
_tile_overlayer_lowered:
.L_overlay_start_2:
0xbb: {  	(tag) =	ssettag $0x2  }
0xbc: {  	s0 =	rddreg [dreg:$0x0];
	s2 =	stileid.u32  }
0xbd: {  	s1 =	rddreg [dreg:$0x1];
	p0 =	sne.s32 s2, $0x0  }
0xbe: {  	s3 =	rddreg [dreg:$0x2];
	[bflag:$0x3] =	sbarrier.arrive $0xFFFF;
	s2 =	simm.s32 @!p0 $0x1C03  }
0xbf: {  	[timem:s3], [sflag:s2] =	dma.local @!p0 [hbm:s0], s1  }
0xc0: {  	s0 =	simm.s32 @!p0 $0x3  }
0xc1: {  	_ =	swait.ge @!p0 [sflag:s0], s1  }
0xc2: {  	s1 =	ssub.s32 @!p0 $0x0, s1;
	[sflag:s0] =	ssyncset.done @!p0 $0x0  }
0xc3: {  	[sflag:s0] =	ssyncadd.s32 @!p0 s1  }
0xc4: {  	[bflag:$0x3] =	sbarrier.arrive $0xFFFF  }
0xc5: {  	_ =	shalt  }

</sc_bundles>
